<compile_context>
chip_gen: v7x
topology: tpu7x:2x2x1
jax: 0.10.2.dev20260603
libtpu: 0.0.44.dev20260713+nightly
codegen_flags: <defaults>
</compile_context>

<pallas_src>
import functools

import jax
import jax.numpy as jnp
import numpy as np
from jax import lax
from jax.experimental import pallas as pl
from jax.experimental.pallas import tpu as pltpu
from jax.experimental.pallas import tpu_sc as plsc

B = 4096
SEQ = 10
D = 64
H = 8
DH = D // H
NL = 2
ADV_F = 26
CTX_F = 26
AE = 16
CE = 16
TB = 512
NT = B // TB
ROWS = SEQ * TB



def _gather_all(ev_t, ev_i, adv_t, adv_i, ctx_t, ctx_i):
    info = plsc.get_sparse_core_info()
    nw = info.num_cores * info.num_subcores
    n1, n2, n3 = ev_i.shape[0], adv_i.shape[0], ctx_i.shape[0]
    p1, p2, p3 = n1 // nw, n2 // nw, n3 // nw
    h1, h2, h3 = p1 // 2, p2 // 2, p3 // 2
    mesh = plsc.VectorSubcoreMesh(core_axis_name="c", subcore_axis_name="s")

    @functools.partial(
        pl.kernel,
        mesh=mesh,
        compiler_params=pltpu.CompilerParams(use_tc_tiling_on_sc=False),
        out_type=[
            jax.ShapeDtypeStruct((n1, ev_t.shape[1]), ev_t.dtype),
            jax.ShapeDtypeStruct((n2, adv_t.shape[1]), adv_t.dtype),
            jax.ShapeDtypeStruct((n3, ctx_t.shape[1]), ctx_t.dtype),
        ],
        scratch_types=[
            pltpu.VMEM((h1,), jnp.int32),
            pltpu.VMEM((h1, ev_t.shape[1]), ev_t.dtype),
            pltpu.VMEM((h2,), jnp.int32),
            pltpu.VMEM((h2, adv_t.shape[1]), adv_t.dtype),
            pltpu.VMEM((h3,), jnp.int32),
            pltpu.VMEM((h3, ctx_t.shape[1]), ctx_t.dtype),
            pltpu.SemaphoreType.DMA,
            pltpu.SemaphoreType.DMA,
            pltpu.SemaphoreType.DMA,
        ],
    )
    def k(evt_hbm, evi_hbm, advt_hbm, advi_hbm, ctxt_hbm, ctxi_hbm,
          out1, out2, out3, i1, r1, i2, r2, i3, r3, s1, s2, s3):
        wid = lax.axis_index("s") * info.num_cores + lax.axis_index("c")
        for c in range(2):
            b1 = wid * p1 + c * h1
            b2 = wid * p2 + c * h2
            b3 = wid * p3 + c * h3
            pltpu.sync_copy(evi_hbm.at[pl.ds(b1, h1)], i1)
            c1 = pltpu.async_copy(evt_hbm.at[i1], r1, s1)
            pltpu.sync_copy(advi_hbm.at[pl.ds(b2, h2)], i2)
            c2 = pltpu.async_copy(advt_hbm.at[i2], r2, s2)
            pltpu.sync_copy(ctxi_hbm.at[pl.ds(b3, h3)], i3)
            c3 = pltpu.async_copy(ctxt_hbm.at[i3], r3, s3)
            c1.wait()
            pltpu.sync_copy(r1, out1.at[pl.ds(b1, h1)])
            c2.wait()
            pltpu.sync_copy(r2, out2.at[pl.ds(b2, h2)])
            c3.wait()
            pltpu.sync_copy(r3, out3.at[pl.ds(b3, h3)])

    return k(ev_t, ev_i, adv_t, adv_i, ctx_t, ctx_i)



def _layernorm(x, g, b):
    m = jnp.mean(x, axis=-1, keepdims=True)
    v = jnp.mean((x - m) * (x - m), axis=-1, keepdims=True)
    return (x - m) * jax.lax.rsqrt(v + 1e-5) * g + b


def _colstats(x):
    n = x.shape[0]
    o = jnp.ones((1, n), jnp.float32)
    m = jnp.dot(o, x) * (1.0 / n)
    s2 = jnp.dot(o, x * x) * (1.0 / n)
    return m, s2 - m * m


def _bn_cols(x, g, b):
    m, v = _colstats(x)
    a = jax.lax.rsqrt(v + 1e-5) * g
    return x * a + (b - m * a)


def _norm_cols(x):
    m, v = _colstats(x)
    a = jax.lax.rsqrt(v + 1e-5)
    return x * a - m * a



def _widen(x):
    return jnp.concatenate([x[j * TB:(j + 1) * TB, :] for j in range(SEQ)],
                           axis=1)


def _attention(q, kw, vw, gsw_ref, m_ref, etw_ref):
    qt = jnp.concatenate([q] * SEQ, axis=1)
    scores = jnp.dot(qt * kw, gsw_ref[...])
    shift = jnp.maximum(jnp.max(scores) - 30.0, 0.0)
    e = jnp.exp(scores - shift)
    a = e / jnp.dot(e, m_ref[...])
    p = jnp.dot(a, etw_ref[...]) * vw
    out = p[:, 0:D]
    for j in range(1, SEQ):
        out = out + p[:, j * D:(j + 1) * D]
    return out


def _tf_kernel(xev_ref, pos_ref, gs_ref, m_ref, et_ref,
               wqkv0, bqkv0, wo0, bo0, ln10, ln20, wf10, bf10, wf20, bf20,
               wqkv1, bqkv1, wo1, bo1, ln11, ln21, wf11, bf11, wf21, bf21,
               out_ref):
    x = xev_ref[...] + pos_ref[...]

    qkv = jnp.dot(x, wqkv0[...]) + bqkv0[...]
    q = qkv[:, 0:D]
    kw = _widen(qkv[:, D:2 * D])
    vw = _widen(qkv[:, 2 * D:3 * D])
    a = jnp.concatenate(
        [_attention(q[t * TB:(t + 1) * TB, :], kw, vw, gs_ref, m_ref, et_ref)
         for t in range(SEQ)], axis=0)
    o = jnp.dot(a, wo0[...]) + bo0[...]
    x = _layernorm(x + o, ln10[0:1, :], ln10[1:2, :])
    f = jnp.dot(jnp.maximum(jnp.dot(x, wf10[...]) + bf10[...], 0.0), wf20[...]) + bf20[...]
    x = _layernorm(x + f, ln20[0:1, :], ln20[1:2, :])

    qkv = jnp.dot(x, wqkv1[...]) + bqkv1[...]
    q9 = qkv[(SEQ - 1) * TB:, 0:D]
    kw = _widen(qkv[:, D:2 * D])
    vw = _widen(qkv[:, 2 * D:3 * D])
    a9 = _attention(q9, kw, vw, gs_ref, m_ref, et_ref)
    o9 = jnp.dot(a9, wo1[...]) + bo1[...]
    x9 = _layernorm(x[(SEQ - 1) * TB:, :] + o9, ln11[0:1, :], ln11[1:2, :])
    f9 = jnp.dot(jnp.maximum(jnp.dot(x9, wf11[...]) + bf11[...], 0.0), wf21[...]) + bf21[...]
    out_ref[...] = _layernorm(x9 + f9, ln21[0:1, :], ln21[1:2, :])


def _run_transformer(ev_rows, pos, tparams):
    gs1 = np.kron(np.eye(H), np.ones((DH, 1))) / np.sqrt(DH)
    gs = jnp.asarray(np.kron(np.eye(SEQ), gs1), jnp.float32)
    mm = jnp.asarray(np.tile(np.eye(H), (SEQ, SEQ)), jnp.float32)
    et1 = np.kron(np.eye(H), np.ones((1, DH)))
    et = jnp.asarray(np.kron(np.eye(SEQ), et1), jnp.float32)

    const = lambda i: (0, 0)
    wspecs = []
    wvals = []
    for lp in tparams:
        wqkv = jnp.concatenate([lp["Wq"]["W"], lp["Wk"]["W"], lp["Wv"]["W"]], axis=1)
        bqkv = jnp.concatenate([lp["Wq"]["b"], lp["Wk"]["b"], lp["Wv"]["b"]])[None, :]
        ln1 = jnp.stack([lp["ln1"]["g"], lp["ln1"]["b"]])
        ln2 = jnp.stack([lp["ln2"]["g"], lp["ln2"]["b"]])
        vals = [wqkv, bqkv, lp["Wo"]["W"], lp["Wo"]["b"][None, :], ln1, ln2,
                lp["ff1"]["W"], lp["ff1"]["b"][None, :],
                lp["ff2"]["W"], lp["ff2"]["b"][None, :]]
        wvals += vals
        wspecs += [pl.BlockSpec(v.shape, const) for v in vals]

    return pl.pallas_call(
        _tf_kernel,
        grid=(NT,),
        in_specs=[
            pl.BlockSpec((ROWS, D), lambda i: (i, 0)),
            pl.BlockSpec(pos.shape, const),
            pl.BlockSpec(gs.shape, const),
            pl.BlockSpec(mm.shape, const),
            pl.BlockSpec(et.shape, const),
        ] + wspecs,
        out_specs=pl.BlockSpec((TB, D), lambda i: (i, 0)),
        out_shape=jax.ShapeDtypeStruct((B, D), jnp.float32),
    )(ev_rows, pos, gs, mm, et, *wvals)



def _mlp_chain(x, refs, final_act):
    n = len(refs)
    for i, (w, bb, g, b) in enumerate(refs):
        x = jnp.dot(x, w) + bb
        x = _bn_cols(x, g, b)
        if i < n - 1:
            x = jnp.maximum(x, 0.0)
        elif final_act == "relu":
            x = jnp.maximum(x, 0.0)
        elif final_act == "sigmoid":
            x = jax.nn.sigmoid(x)
    return x


def _mlp_kernel(seq_ref, adv_ref, ctx_ref,
                bn0s, bn0a, bn0c, w1s, w1a, w1c, b1, bn1,
                w2, b2, bn2,
                wh1, bh1, bnh1,
                wh2, bh2, bnh2,
                wh3, bh3, bnh3,
                wtw, btw, bntw,
                wun, bun, bnun,
                out_ref):
    s = _bn_cols(seq_ref[...], bn0s[0:1, :], bn0s[1:2, :])
    a = _bn_cols(adv_ref[...], bn0a[0:1, :], bn0a[1:2, :])
    c = _bn_cols(ctx_ref[...], bn0c[0:1, :], bn0c[1:2, :])
    y1 = jnp.dot(s, w1s[...]) + jnp.dot(a, w1a[...]) + jnp.dot(c, w1c[...]) + b1[...]
    y1 = jnp.maximum(_bn_cols(y1, bn1[0:1, :], bn1[1:2, :]), 0.0)
    h = jnp.dot(y1, w2[...]) + b2[...]
    h = jnp.maximum(_bn_cols(h, bn2[0:1, :], bn2[1:2, :]), 0.0)

    hn = _norm_cols(h)

    y3 = jnp.dot(hn, wh1[...]) + bh1[...]
    y3 = jnp.maximum(_bn_cols(y3, bnh1[0:1, :], bnh1[1:2, :]), 0.0)

    cols = []
    for kh in range(7):
        h1 = y3[:, kh * 64:(kh + 1) * 64]
        h2 = jnp.dot(h1, wh2[kh]) + bh2[kh:kh + 1, :]
        h2 = jnp.maximum(_bn_cols(h2, bnh2[2 * kh:2 * kh + 1, :],
                                  bnh2[2 * kh + 1:2 * kh + 2, :]), 0.0)
        col = (jnp.sum(h2 * wh3[kh:kh + 1, :], axis=1, keepdims=True)
               + bh3[kh:kh + 1, 0:1])
        col = _bn_cols(col, bnh3[kh:kh + 1, 0:1], bnh3[kh:kh + 1, 1:2])
        if kh != 6:
            col = jax.nn.sigmoid(col)
        cols.append(col)
    hu = y3[:, 512:544]
    colu = jnp.sum(hu * wun[0:1, :], axis=1, keepdims=True) + bun[0:1, 0:1]
    colu = jax.nn.sigmoid(_bn_cols(colu, bnun[0:1, 0:1], bnun[0:1, 1:2]))
    ht = y3[:, 448:512]
    tw = jnp.dot(ht, wtw[...]) + btw[...]
    tw = _bn_cols(tw, bntw[0:1, :], bntw[1:2, :])

    out_ref[...] = jnp.concatenate(cols + [colu, tw], axis=1)


def _pack_bn(p):
    return jnp.stack([p["g"], p["b"]])


def _run_mlp(seq_repr, adv, ctx, params):
    fp = params["fusion"]
    bn0 = _pack_bn(fp["in_bn"])
    l1, l2 = fp["layers"]
    w1 = l1["lin"]["W"]

    heads7 = [params["main"]] + list(params["aux"]) + [params["time"]]

    def fold_first(hp):
        g = hp["in_bn"]["g"]
        b = hp["in_bn"]["b"]
        w = hp["layers"][0]["lin"]["W"]
        bb = hp["layers"][0]["lin"]["b"]
        return g[:, None] * w, b @ w + bb

    folded = [fold_first(hp) for hp in heads7 + [params["tw"], params["unc"]]]
    wh1 = jnp.concatenate([f[0] for f in folded], axis=1)
    bh1 = jnp.concatenate([f[1] for f in folded])[None, :]
    bnh1 = jnp.concatenate(
        [_pack_bn(hp["layers"][0]["bn"])
         for hp in heads7 + [params["tw"], params["unc"]]], axis=1)

    wh2 = jnp.stack([hp["layers"][1]["lin"]["W"] for hp in heads7])
    bh2 = jnp.stack([hp["layers"][1]["lin"]["b"] for hp in heads7])
    bnh2 = jnp.concatenate([_pack_bn(hp["layers"][1]["bn"]) for hp in heads7])
    wh3 = jnp.stack([hp["layers"][2]["lin"]["W"][:, 0] for hp in heads7])
    bh3 = jnp.stack([hp["layers"][2]["lin"]["b"] for hp in heads7])
    bnh3 = jnp.stack([jnp.concatenate([hp["layers"][2]["bn"]["g"],
                                       hp["layers"][2]["bn"]["b"]])
                      for hp in heads7])

    twp = params["tw"]
    wtw = twp["layers"][1]["lin"]["W"]
    btw = twp["layers"][1]["lin"]["b"][None, :]
    bntw = _pack_bn(twp["layers"][1]["bn"])
    unp = params["unc"]
    wun = unp["layers"][1]["lin"]["W"][:, 0][None, :]
    bun = unp["layers"][1]["lin"]["b"][None, :]
    bnun = jnp.concatenate([unp["layers"][1]["bn"]["g"],
                            unp["layers"][1]["bn"]["b"]])[None, :]

    args = [seq_repr, adv, ctx,
            bn0[:, 0:D], bn0[:, D:D + ADV_F * AE], bn0[:, D + ADV_F * AE:],
            w1[0:D, :], w1[D:D + ADV_F * AE, :], w1[D + ADV_F * AE:, :],
            l1["lin"]["b"][None, :], _pack_bn(l1["bn"]),
            l2["lin"]["W"], l2["lin"]["b"][None, :], _pack_bn(l2["bn"]),
            wh1, bh1, bnh1, wh2, bh2, bnh2, wh3, bh3, bnh3,
            wtw, btw, bntw, wun, bun, bnun]

    return pl.pallas_call(
        _mlp_kernel,
        out_shape=jax.ShapeDtypeStruct((B, 15), jnp.float32),
    )(*args)



def kernel(event_indices, advertiser_indices, context_indices, event_mask, params):
    del event_mask

    ei = event_indices.astype(jnp.int32)
    ei_perm = ei.reshape(NT, TB, SEQ).transpose(0, 2, 1).reshape(-1)
    ev_rows, adv_rows, ctx_rows = _gather_all(
        params["event_table"], ei_perm,
        params["adv_table"], advertiser_indices.astype(jnp.int32).reshape(-1),
        params["ctx_table"], context_indices.astype(jnp.int32).reshape(-1))

    pos_rep = jnp.repeat(params["pos_emb"], TB, axis=0)
    seq_repr = _run_transformer(ev_rows, pos_rep, params["transformer"])

    adv = adv_rows.reshape(B, ADV_F * AE)
    ctx = ctx_rows.reshape(B, CTX_F * CE)
    return _run_mlp(seq_repr, adv, ctx, params)

# --- scband reference (transcript-rebuilt; emitter-appended) ---
"""Pipeline reference for scband-path-fusion-network-86955907875065 (READ-ONLY COPY).

The authoritative reference and input builder live on the scoring server;
editing this copy changes nothing except your own understanding.
"""

import jax, jax.numpy as jnp
import numpy as np

EVENT_VOCAB = 100000
ADV_VOCAB = 100000
CTX_VOCAB = 100000
D = 64
SEQ = 10
H = 8
NL = 2
ADV_F = 26
CTX_F = 26
AE = 16
CE = 16
B = 4096

def _lin(key, din, dout):
    k1, k2 = jax.random.split(key)
    return {"W": jax.random.normal(k1, (din, dout), jnp.float32) * (1.0 / np.sqrt(din)),
            "b": jnp.zeros((dout,), jnp.float32)}

def _bn(d):
    return {"g": jnp.ones((d,), jnp.float32), "b": jnp.zeros((d,), jnp.float32)}

def _mlp_params(key, din, hidden, dout):
    dims = [din] + hidden + [dout]
    layers = []
    for i in range(len(dims) - 1):
        key, sk = jax.random.split(key)
        layers.append({"lin": _lin(sk, dims[i], dims[i + 1]), "bn": _bn(dims[i + 1])})
    return {"in_bn": _bn(din), "layers": layers}

def setup_inputs(seed: int = 0) -> dict:
    key = jax.random.key(seed)
    ks = jax.random.split(key, 20)
    event_indices = jax.random.randint(ks[0], (B, SEQ), 0, EVENT_VOCAB)
    advertiser_indices = jax.random.randint(ks[1], (B, ADV_F), 0, ADV_VOCAB)
    context_indices = jax.random.randint(ks[2], (B, CTX_F), 0, CTX_VOCAB)
    event_mask = jnp.ones((B, SEQ), dtype=bool)
    params = {}
    params["event_table"] = jax.random.normal(ks[3], (EVENT_VOCAB, D), jnp.float32) * 0.01
    params["adv_table"] = jax.random.normal(ks[4], (ADV_VOCAB, AE), jnp.float32) * 0.01
    params["ctx_table"] = jax.random.normal(ks[5], (CTX_VOCAB, CE), jnp.float32) * 0.01
    params["pos_emb"] = jax.random.normal(ks[6], (SEQ, D), jnp.float32) * 0.02
    layers = []
    for i in range(NL):
        k = jax.random.fold_in(ks[7], i)
        kk = jax.random.split(k, 6)
        layers.append({
            "Wq": _lin(kk[0], D, D), "Wk": _lin(kk[1], D, D),
            "Wv": _lin(kk[2], D, D), "Wo": _lin(kk[3], D, D),
            "ln1": _bn(D), "ln2": _bn(D),
            "ff1": _lin(kk[4], D, 4 * D), "ff2": _lin(kk[5], 4 * D, D),
        })
    params["transformer"] = layers
    fusion_in = D + ADV_F * AE + CTX_F * CE
    params["fusion"] = _mlp_params(ks[8], fusion_in, [256], 128)
    params["main"] = _mlp_params(ks[9], 128, [64, 32], 1)
    params["aux"] = [_mlp_params(jax.random.fold_in(ks[10], i), 128, [64, 32], 1) for i in range(5)]
    params["time"] = _mlp_params(ks[11], 128, [64, 32], 1)
    params["unc"] = _mlp_params(ks[12], 128, [32], 1)
    params["tw"] = _mlp_params(ks[13], 128, [64], 7)
    return {"event_indices": event_indices, "advertiser_indices": advertiser_indices,
            "context_indices": context_indices, "event_mask": event_mask, "params": params}

def _layernorm(x, g, b):
    m = x.mean(-1, keepdims=True)
    v = x.var(-1, keepdims=True)
    return (x - m) / jnp.sqrt(v + 1e-5) * g + b

def _batchnorm(x, g, b):
    m = x.mean(0, keepdims=True)
    v = x.var(0, keepdims=True)
    return (x - m) / jnp.sqrt(v + 1e-5) * g + b

def _apply_lin(p, x):
    return x @ p["W"] + p["b"]

def _mha(x, lp, mask):
    Bn, S, Dm = x.shape
    dh = Dm // H
    q = _apply_lin(lp["Wq"], x).reshape(Bn, S, H, dh).transpose(0, 2, 1, 3)
    k = _apply_lin(lp["Wk"], x).reshape(Bn, S, H, dh).transpose(0, 2, 1, 3)
    v = _apply_lin(lp["Wv"], x).reshape(Bn, S, H, dh).transpose(0, 2, 1, 3)
    scores = q @ k.transpose(0, 1, 3, 2) / np.sqrt(dh)
    neg = jnp.where(mask[:, None, None, :], 0.0, -1e9)
    scores = scores + neg
    attn = jax.nn.softmax(scores, axis=-1)
    out = (attn @ v).transpose(0, 2, 1, 3).reshape(Bn, S, Dm)
    return _apply_lin(lp["Wo"], out)

def _encoder_layer(x, lp, mask):
    a = _mha(x, lp, mask)
    x = _layernorm(x + a, lp["ln1"]["g"], lp["ln1"]["b"])
    f = _apply_lin(lp["ff2"], jax.nn.relu(_apply_lin(lp["ff1"], x)))
    x = _layernorm(x + f, lp["ln2"]["g"], lp["ln2"]["b"])
    return x

def _mlp(p, x, final_act):
    x = _batchnorm(x, p["in_bn"]["g"], p["in_bn"]["b"])
    n = len(p["layers"])
    for i, l in enumerate(p["layers"]):
        x = _apply_lin(l["lin"], x)
        x = _batchnorm(x, l["bn"]["g"], l["bn"]["b"])
        if i < n - 1:
            x = jax.nn.relu(x)
        elif final_act == "relu":
            x = jax.nn.relu(x)
        elif final_act == "sigmoid":
            x = jax.nn.sigmoid(x)
    return x

def _forward(params, event_indices, advertiser_indices, context_indices, event_mask):
    ev = params["event_table"][event_indices]
    x = ev + params["pos_emb"][None, :, :]
    for lp in params["transformer"]:
        x = _encoder_layer(x, lp, event_mask)
    valid_lengths = event_mask.sum(axis=1)
    last = valid_lengths - 1
    seq_repr = x[jnp.arange(x.shape[0]), last]
    adv = params["adv_table"][advertiser_indices].reshape(x.shape[0], -1)
    ctx = params["ctx_table"][context_indices].reshape(x.shape[0], -1)
    fused = jnp.concatenate([seq_repr, adv, ctx], axis=1)
    h = _mlp(params["fusion"], fused, "relu")
    main = _mlp(params["main"], h, "sigmoid")
    aux = [_mlp(p, h, "sigmoid") for p in params["aux"]]
    t = _mlp(params["time"], h, None)
    u = _mlp(params["unc"], h, "sigmoid")
    tw = _mlp(params["tw"], h, None)
    return jnp.concatenate([main] + aux + [t, u, tw], axis=1)

def reference(event_indices, advertiser_indices, context_indices, event_mask, params):
    return _forward(params, event_indices, advertiser_indices, context_indices, event_mask)

if __name__ == "__main__":
    import jax
    _d = setup_inputs()
    print(jax.jit(kernel)(*tuple(_d.values())))

</pallas_src>

<mosaic_0001>
#map = affine_map<(d0, d1) -> (0, 0)>
#map1 = affine_map<(d0, d1) -> (0)>
module attributes {stable_mosaic.version = 14 : i64} {
  func.func @k(%arg0: i32, %arg1: i32, %arg2: memref<100000x64xf32, #tpu.memory_space<hbm>>, %arg3: memref<40960xi32, #tpu.memory_space<hbm>>, %arg4: memref<100000x16xf32, #tpu.memory_space<hbm>>, %arg5: memref<106496xi32, #tpu.memory_space<hbm>>, %arg6: memref<100000x16xf32, #tpu.memory_space<hbm>>, %arg7: memref<106496xi32, #tpu.memory_space<hbm>>, %arg8: memref<40960x64xf32, #tpu.memory_space<hbm>>, %arg9: memref<106496x16xf32, #tpu.memory_space<hbm>>, %arg10: memref<106496x16xf32, #tpu.memory_space<hbm>>, %arg11: memref<640xi32, #tpu.memory_space<vmem>>, %arg12: memref<640x64xf32, #tpu.memory_space<vmem>>, %arg13: memref<1664xi32, #tpu.memory_space<vmem>>, %arg14: memref<1664x16xf32, #tpu.memory_space<vmem>>, %arg15: memref<1664xi32, #tpu.memory_space<vmem>>, %arg16: memref<1664x16xf32, #tpu.memory_space<vmem>>, %arg17: memref<!tpu.dma_semaphore, #tpu.memory_space<semaphore_mem>>, %arg18: memref<!tpu.dma_semaphore, #tpu.memory_space<semaphore_mem>>, %arg19: memref<!tpu.dma_semaphore, #tpu.memory_space<semaphore_mem>>) attributes {dimension_semantics = [#tpu.dimension_semantics<core_parallel>, #tpu.dimension_semantics<subcore_parallel>], iteration_bounds = array<i64: 2, 16>, scalar_prefetch = 0 : i64, scratch_operands = 9 : i64, tpu.core_type = #tpu.core_type<sc_vector_subcore>, window_params = [{transform_indices = #map}, {transform_indices = #map1}, {transform_indices = #map}, {transform_indices = #map1}, {transform_indices = #map}, {transform_indices = #map1}, {transform_indices = #map}, {transform_indices = #map}, {transform_indices = #map}]} {
    %mul3A = arith.constant 2 : i32
    %mul3A_0 = arith.muli %arg1, %mul3A : i32
    %add3A = arith.addi %mul3A_0, %arg0 : i32
    %mul3A_1 = arith.constant 1280 : i32
    %mul3A_2 = arith.muli %add3A, %mul3A_1 : i32
    %add3A_3 = arith.constant 0 : i32
    %add3A_4 = arith.addi %mul3A_2, %add3A_3 : i32
    %mul3A_5 = arith.constant 3328 : i32
    %mul3A_6 = arith.muli %add3A, %mul3A_5 : i32
    %add3A_7 = arith.constant 0 : i32
    %add3A_8 = arith.addi %mul3A_6, %add3A_7 : i32
    %mul3A_9 = arith.constant 3328 : i32
    %mul3A_10 = arith.muli %add3A, %mul3A_9 : i32
    %add3A_11 = arith.constant 0 : i32
    %add3A_12 = arith.addi %mul3A_10, %add3A_11 : i32
    "tpu.region"() ({
      %run_scoped3A = tpu.sem_alloc : memref<!tpu.dma_semaphore, #tpu.memory_space<semaphore_mem>>
      %dma_start3A_59 = tpu.memref_slice %arg3[%add3A_4] : memref<40960xi32, #tpu.memory_space<hbm>> -> memref<640xi32, #tpu.memory_space<hbm>>
      %dma_start3A_60 = tpu.memref_slice %arg3[%add3A_4] : memref<40960xi32, #tpu.memory_space<hbm>> -> memref<640xi32, #tpu.memory_space<hbm>>
      tpu.enqueue_dma source(%dma_start3A_60 : memref<640xi32, #tpu.memory_space<hbm>>) target(%arg11 : memref<640xi32, #tpu.memory_space<vmem>>) target_semaphore(%run_scoped3A : memref<!tpu.dma_semaphore, #tpu.memory_space<semaphore_mem>>)
      %dma_wait3A_61 = tpu.memref_slice %arg3[%add3A_4] : memref<40960xi32, #tpu.memory_space<hbm>> -> memref<640xi32, #tpu.memory_space<hbm>>
      %dma_wait3A_62 = tpu.memref_slice %arg3[%add3A_4] : memref<40960xi32, #tpu.memory_space<hbm>> -> memref<640xi32, #tpu.memory_space<hbm>>
      tpu.wait_dma2 semaphore(%run_scoped3A : memref<!tpu.dma_semaphore, #tpu.memory_space<semaphore_mem>>) src(%dma_wait3A_62 : memref<640xi32, #tpu.memory_space<hbm>>) dst(%arg11 : memref<640xi32, #tpu.memory_space<vmem>>)
      tpu.yield
    }) : () -> ()
    %dma_start3A = arith.constant 0 : i32
    %dma_start3A_13 = arith.constant 0 : i32
    %dma_start3A_14 = tpu.memref_slice %arg2[%dma_start3A, %dma_start3A_13] : memref<100000x64xf32, #tpu.memory_space<hbm>> -> memref<100000x64xf32, #tpu.memory_space<hbm>>
    tpu.enqueue_indirect_dma source(%dma_start3A_14 : memref<100000x64xf32, #tpu.memory_space<hbm>>) target(%arg12 : memref<640x64xf32, #tpu.memory_space<vmem>>) offsets(%arg11 : memref<640xi32, #tpu.memory_space<vmem>>) semaphore(%arg17 : memref<!tpu.dma_semaphore, #tpu.memory_space<semaphore_mem>>)
    "tpu.region"() ({
      %run_scoped3A = tpu.sem_alloc : memref<!tpu.dma_semaphore, #tpu.memory_space<semaphore_mem>>
      %dma_start3A_59 = tpu.memref_slice %arg5[%add3A_8] : memref<106496xi32, #tpu.memory_space<hbm>> -> memref<1664xi32, #tpu.memory_space<hbm>>
      %dma_start3A_60 = tpu.memref_slice %arg5[%add3A_8] : memref<106496xi32, #tpu.memory_space<hbm>> -> memref<1664xi32, #tpu.memory_space<hbm>>
      tpu.enqueue_dma source(%dma_start3A_60 : memref<1664xi32, #tpu.memory_space<hbm>>) target(%arg13 : memref<1664xi32, #tpu.memory_space<vmem>>) target_semaphore(%run_scoped3A : memref<!tpu.dma_semaphore, #tpu.memory_space<semaphore_mem>>)
      %dma_wait3A_61 = tpu.memref_slice %arg5[%add3A_8] : memref<106496xi32, #tpu.memory_space<hbm>> -> memref<1664xi32, #tpu.memory_space<hbm>>
      %dma_wait3A_62 = tpu.memref_slice %arg5[%add3A_8] : memref<106496xi32, #tpu.memory_space<hbm>> -> memref<1664xi32, #tpu.memory_space<hbm>>
      tpu.wait_dma2 semaphore(%run_scoped3A : memref<!tpu.dma_semaphore, #tpu.memory_space<semaphore_mem>>) src(%dma_wait3A_62 : memref<1664xi32, #tpu.memory_space<hbm>>) dst(%arg13 : memref<1664xi32, #tpu.memory_space<vmem>>)
      tpu.yield
    }) : () -> ()
    %dma_start3A_15 = arith.constant 0 : i32
    %dma_start3A_16 = arith.constant 0 : i32
    %dma_start3A_17 = tpu.memref_slice %arg4[%dma_start3A_15, %dma_start3A_16] : memref<100000x16xf32, #tpu.memory_space<hbm>> -> memref<100000x16xf32, #tpu.memory_space<hbm>>
    tpu.enqueue_indirect_dma source(%dma_start3A_17 : memref<100000x16xf32, #tpu.memory_space<hbm>>) target(%arg14 : memref<1664x16xf32, #tpu.memory_space<vmem>>) offsets(%arg13 : memref<1664xi32, #tpu.memory_space<vmem>>) semaphore(%arg18 : memref<!tpu.dma_semaphore, #tpu.memory_space<semaphore_mem>>)
    "tpu.region"() ({
      %run_scoped3A = tpu.sem_alloc : memref<!tpu.dma_semaphore, #tpu.memory_space<semaphore_mem>>
      %dma_start3A_59 = tpu.memref_slice %arg7[%add3A_12] : memref<106496xi32, #tpu.memory_space<hbm>> -> memref<1664xi32, #tpu.memory_space<hbm>>
      %dma_start3A_60 = tpu.memref_slice %arg7[%add3A_12] : memref<106496xi32, #tpu.memory_space<hbm>> -> memref<1664xi32, #tpu.memory_space<hbm>>
      tpu.enqueue_dma source(%dma_start3A_60 : memref<1664xi32, #tpu.memory_space<hbm>>) target(%arg15 : memref<1664xi32, #tpu.memory_space<vmem>>) target_semaphore(%run_scoped3A : memref<!tpu.dma_semaphore, #tpu.memory_space<semaphore_mem>>)
      %dma_wait3A_61 = tpu.memref_slice %arg7[%add3A_12] : memref<106496xi32, #tpu.memory_space<hbm>> -> memref<1664xi32, #tpu.memory_space<hbm>>
      %dma_wait3A_62 = tpu.memref_slice %arg7[%add3A_12] : memref<106496xi32, #tpu.memory_space<hbm>> -> memref<1664xi32, #tpu.memory_space<hbm>>
      tpu.wait_dma2 semaphore(%run_scoped3A : memref<!tpu.dma_semaphore, #tpu.memory_space<semaphore_mem>>) src(%dma_wait3A_62 : memref<1664xi32, #tpu.memory_space<hbm>>) dst(%arg15 : memref<1664xi32, #tpu.memory_space<vmem>>)
      tpu.yield
    }) : () -> ()
    %dma_start3A_18 = arith.constant 0 : i32
    %dma_start3A_19 = arith.constant 0 : i32
    %dma_start3A_20 = tpu.memref_slice %arg6[%dma_start3A_18, %dma_start3A_19] : memref<100000x16xf32, #tpu.memory_space<hbm>> -> memref<100000x16xf32, #tpu.memory_space<hbm>>
    tpu.enqueue_indirect_dma source(%dma_start3A_20 : memref<100000x16xf32, #tpu.memory_space<hbm>>) target(%arg16 : memref<1664x16xf32, #tpu.memory_space<vmem>>) offsets(%arg15 : memref<1664xi32, #tpu.memory_space<vmem>>) semaphore(%arg19 : memref<!tpu.dma_semaphore, #tpu.memory_space<semaphore_mem>>)
    %dma_wait3A = arith.constant 0 : i32
    %dma_wait3A_21 = arith.constant 0 : i32
    %dma_wait3A_22 = tpu.memref_slice %arg2[%dma_wait3A, %dma_wait3A_21] : memref<100000x64xf32, #tpu.memory_space<hbm>> -> memref<100000x64xf32, #tpu.memory_space<hbm>>
    tpu.wait_indirect_dma semaphore(%arg17 : memref<!tpu.dma_semaphore, #tpu.memory_space<semaphore_mem>>) src(%dma_wait3A_22 : memref<100000x64xf32, #tpu.memory_space<hbm>>) dst(%arg12 : memref<640x64xf32, #tpu.memory_space<vmem>>)
    "tpu.region"() ({
      %run_scoped3A = tpu.sem_alloc : memref<!tpu.dma_semaphore, #tpu.memory_space<semaphore_mem>>
      %dma_start3A_59 = arith.constant 0 : i32
      %dma_start3A_60 = tpu.memref_slice %arg8[%add3A_4, %dma_start3A_59] : memref<40960x64xf32, #tpu.memory_space<hbm>> -> memref<640x64xf32, #tpu.memory_space<hbm>>
      %dma_start3A_61 = arith.constant 0 : i32
      %dma_start3A_62 = tpu.memref_slice %arg8[%add3A_4, %dma_start3A_61] : memref<40960x64xf32, #tpu.memory_space<hbm>> -> memref<640x64xf32, #tpu.memory_space<hbm>>
      tpu.enqueue_dma source(%arg12 : memref<640x64xf32, #tpu.memory_space<vmem>>) target(%dma_start3A_62 : memref<640x64xf32, #tpu.memory_space<hbm>>) target_semaphore(%run_scoped3A : memref<!tpu.dma_semaphore, #tpu.memory_space<semaphore_mem>>)
      %dma_wait3A_63 = arith.constant 0 : i32
      %dma_wait3A_64 = tpu.memref_slice %arg8[%add3A_4, %dma_wait3A_63] : memref<40960x64xf32, #tpu.memory_space<hbm>> -> memref<640x64xf32, #tpu.memory_space<hbm>>
      %dma_wait3A_65 = arith.constant 0 : i32
      %dma_wait3A_66 = tpu.memref_slice %arg8[%add3A_4, %dma_wait3A_65] : memref<40960x64xf32, #tpu.memory_space<hbm>> -> memref<640x64xf32, #tpu.memory_space<hbm>>
      tpu.wait_dma2 semaphore(%run_scoped3A : memref<!tpu.dma_semaphore, #tpu.memory_space<semaphore_mem>>) src(%arg12 : memref<640x64xf32, #tpu.memory_space<vmem>>) dst(%dma_wait3A_66 : memref<640x64xf32, #tpu.memory_space<hbm>>)
      tpu.yield
    }) : () -> ()
    %dma_wait3A_23 = arith.constant 0 : i32
    %dma_wait3A_24 = arith.constant 0 : i32
    %dma_wait3A_25 = tpu.memref_slice %arg4[%dma_wait3A_23, %dma_wait3A_24] : memref<100000x16xf32, #tpu.memory_space<hbm>> -> memref<100000x16xf32, #tpu.memory_space<hbm>>
    tpu.wait_indirect_dma semaphore(%arg18 : memref<!tpu.dma_semaphore, #tpu.memory_space<semaphore_mem>>) src(%dma_wait3A_25 : memref<100000x16xf32, #tpu.memory_space<hbm>>) dst(%arg14 : memref<1664x16xf32, #tpu.memory_space<vmem>>)
    "tpu.region"() ({
      %run_scoped3A = tpu.sem_alloc : memref<!tpu.dma_semaphore, #tpu.memory_space<semaphore_mem>>
      %dma_start3A_59 = arith.constant 0 : i32
      %dma_start3A_60 = tpu.memref_slice %arg9[%add3A_8, %dma_start3A_59] : memref<106496x16xf32, #tpu.memory_space<hbm>> -> memref<1664x16xf32, #tpu.memory_space<hbm>>
      %dma_start3A_61 = arith.constant 0 : i32
      %dma_start3A_62 = tpu.memref_slice %arg9[%add3A_8, %dma_start3A_61] : memref<106496x16xf32, #tpu.memory_space<hbm>> -> memref<1664x16xf32, #tpu.memory_space<hbm>>
      tpu.enqueue_dma source(%arg14 : memref<1664x16xf32, #tpu.memory_space<vmem>>) target(%dma_start3A_62 : memref<1664x16xf32, #tpu.memory_space<hbm>>) target_semaphore(%run_scoped3A : memref<!tpu.dma_semaphore, #tpu.memory_space<semaphore_mem>>)
      %dma_wait3A_63 = arith.constant 0 : i32
      %dma_wait3A_64 = tpu.memref_slice %arg9[%add3A_8, %dma_wait3A_63] : memref<106496x16xf32, #tpu.memory_space<hbm>> -> memref<1664x16xf32, #tpu.memory_space<hbm>>
      %dma_wait3A_65 = arith.constant 0 : i32
      %dma_wait3A_66 = tpu.memref_slice %arg9[%add3A_8, %dma_wait3A_65] : memref<106496x16xf32, #tpu.memory_space<hbm>> -> memref<1664x16xf32, #tpu.memory_space<hbm>>
      tpu.wait_dma2 semaphore(%run_scoped3A : memref<!tpu.dma_semaphore, #tpu.memory_space<semaphore_mem>>) src(%arg14 : memref<1664x16xf32, #tpu.memory_space<vmem>>) dst(%dma_wait3A_66 : memref<1664x16xf32, #tpu.memory_space<hbm>>)
      tpu.yield
    }) : () -> ()
    %dma_wait3A_26 = arith.constant 0 : i32
    %dma_wait3A_27 = arith.constant 0 : i32
    %dma_wait3A_28 = tpu.memref_slice %arg6[%dma_wait3A_26, %dma_wait3A_27] : memref<100000x16xf32, #tpu.memory_space<hbm>> -> memref<100000x16xf32, #tpu.memory_space<hbm>>
    tpu.wait_indirect_dma semaphore(%arg19 : memref<!tpu.dma_semaphore, #tpu.memory_space<semaphore_mem>>) src(%dma_wait3A_28 : memref<100000x16xf32, #tpu.memory_space<hbm>>) dst(%arg16 : memref<1664x16xf32, #tpu.memory_space<vmem>>)
    "tpu.region"() ({
      %run_scoped3A = tpu.sem_alloc : memref<!tpu.dma_semaphore, #tpu.memory_space<semaphore_mem>>
      %dma_start3A_59 = arith.constant 0 : i32
      %dma_start3A_60 = tpu.memref_slice %arg10[%add3A_12, %dma_start3A_59] : memref<106496x16xf32, #tpu.memory_space<hbm>> -> memref<1664x16xf32, #tpu.memory_space<hbm>>
      %dma_start3A_61 = arith.constant 0 : i32
      %dma_start3A_62 = tpu.memref_slice %arg10[%add3A_12, %dma_start3A_61] : memref<106496x16xf32, #tpu.memory_space<hbm>> -> memref<1664x16xf32, #tpu.memory_space<hbm>>
      tpu.enqueue_dma source(%arg16 : memref<1664x16xf32, #tpu.memory_space<vmem>>) target(%dma_start3A_62 : memref<1664x16xf32, #tpu.memory_space<hbm>>) target_semaphore(%run_scoped3A : memref<!tpu.dma_semaphore, #tpu.memory_space<semaphore_mem>>)
      %dma_wait3A_63 = arith.constant 0 : i32
      %dma_wait3A_64 = tpu.memref_slice %arg10[%add3A_12, %dma_wait3A_63] : memref<106496x16xf32, #tpu.memory_space<hbm>> -> memref<1664x16xf32, #tpu.memory_space<hbm>>
      %dma_wait3A_65 = arith.constant 0 : i32
      %dma_wait3A_66 = tpu.memref_slice %arg10[%add3A_12, %dma_wait3A_65] : memref<106496x16xf32, #tpu.memory_space<hbm>> -> memref<1664x16xf32, #tpu.memory_space<hbm>>
      tpu.wait_dma2 semaphore(%run_scoped3A : memref<!tpu.dma_semaphore, #tpu.memory_space<semaphore_mem>>) src(%arg16 : memref<1664x16xf32, #tpu.memory_space<vmem>>) dst(%dma_wait3A_66 : memref<1664x16xf32, #tpu.memory_space<hbm>>)
      tpu.yield
    }) : () -> ()
    %mul3A_29 = arith.constant 1280 : i32
    %mul3A_30 = arith.muli %add3A, %mul3A_29 : i32
    %add3A_31 = arith.constant 640 : i32
    %add3A_32 = arith.addi %mul3A_30, %add3A_31 : i32
    %mul3A_33 = arith.constant 3328 : i32
    %mul3A_34 = arith.muli %add3A, %mul3A_33 : i32
    %add3A_35 = arith.constant 1664 : i32
    %add3A_36 = arith.addi %mul3A_34, %add3A_35 : i32
    %mul3A_37 = arith.constant 3328 : i32
    %mul3A_38 = arith.muli %add3A, %mul3A_37 : i32
    %add3A_39 = arith.constant 1664 : i32
    %add3A_40 = arith.addi %mul3A_38, %add3A_39 : i32
    "tpu.region"() ({
      %run_scoped3A = tpu.sem_alloc : memref<!tpu.dma_semaphore, #tpu.memory_space<semaphore_mem>>
      %dma_start3A_59 = tpu.memref_slice %arg3[%add3A_32] : memref<40960xi32, #tpu.memory_space<hbm>> -> memref<640xi32, #tpu.memory_space<hbm>>
      %dma_start3A_60 = tpu.memref_slice %arg3[%add3A_32] : memref<40960xi32, #tpu.memory_space<hbm>> -> memref<640xi32, #tpu.memory_space<hbm>>
      tpu.enqueue_dma source(%dma_start3A_60 : memref<640xi32, #tpu.memory_space<hbm>>) target(%arg11 : memref<640xi32, #tpu.memory_space<vmem>>) target_semaphore(%run_scoped3A : memref<!tpu.dma_semaphore, #tpu.memory_space<semaphore_mem>>)
      %dma_wait3A_61 = tpu.memref_slice %arg3[%add3A_32] : memref<40960xi32, #tpu.memory_space<hbm>> -> memref<640xi32, #tpu.memory_space<hbm>>
      %dma_wait3A_62 = tpu.memref_slice %arg3[%add3A_32] : memref<40960xi32, #tpu.memory_space<hbm>> -> memref<640xi32, #tpu.memory_space<hbm>>
      tpu.wait_dma2 semaphore(%run_scoped3A : memref<!tpu.dma_semaphore, #tpu.memory_space<semaphore_mem>>) src(%dma_wait3A_62 : memref<640xi32, #tpu.memory_space<hbm>>) dst(%arg11 : memref<640xi32, #tpu.memory_space<vmem>>)
      tpu.yield
    }) : () -> ()
    %dma_start3A_41 = arith.constant 0 : i32
    %dma_start3A_42 = arith.constant 0 : i32
    %dma_start3A_43 = tpu.memref_slice %arg2[%dma_start3A_41, %dma_start3A_42] : memref<100000x64xf32, #tpu.memory_space<hbm>> -> memref<100000x64xf32, #tpu.memory_space<hbm>>
    tpu.enqueue_indirect_dma source(%dma_start3A_43 : memref<100000x64xf32, #tpu.memory_space<hbm>>) target(%arg12 : memref<640x64xf32, #tpu.memory_space<vmem>>) offsets(%arg11 : memref<640xi32, #tpu.memory_space<vmem>>) semaphore(%arg17 : memref<!tpu.dma_semaphore, #tpu.memory_space<semaphore_mem>>)
    "tpu.region"() ({
      %run_scoped3A = tpu.sem_alloc : memref<!tpu.dma_semaphore, #tpu.memory_space<semaphore_mem>>
      %dma_start3A_59 = tpu.memref_slice %arg5[%add3A_36] : memref<106496xi32, #tpu.memory_space<hbm>> -> memref<1664xi32, #tpu.memory_space<hbm>>
      %dma_start3A_60 = tpu.memref_slice %arg5[%add3A_36] : memref<106496xi32, #tpu.memory_space<hbm>> -> memref<1664xi32, #tpu.memory_space<hbm>>
      tpu.enqueue_dma source(%dma_start3A_60 : memref<1664xi32, #tpu.memory_space<hbm>>) target(%arg13 : memref<1664xi32, #tpu.memory_space<vmem>>) target_semaphore(%run_scoped3A : memref<!tpu.dma_semaphore, #tpu.memory_space<semaphore_mem>>)
      %dma_wait3A_61 = tpu.memref_slice %arg5[%add3A_36] : memref<106496xi32, #tpu.memory_space<hbm>> -> memref<1664xi32, #tpu.memory_space<hbm>>
      %dma_wait3A_62 = tpu.memref_slice %arg5[%add3A_36] : memref<106496xi32, #tpu.memory_space<hbm>> -> memref<1664xi32, #tpu.memory_space<hbm>>
      tpu.wait_dma2 semaphore(%run_scoped3A : memref<!tpu.dma_semaphore, #tpu.memory_space<semaphore_mem>>) src(%dma_wait3A_62 : memref<1664xi32, #tpu.memory_space<hbm>>) dst(%arg13 : memref<1664xi32, #tpu.memory_space<vmem>>)
      tpu.yield
    }) : () -> ()
    %dma_start3A_44 = arith.constant 0 : i32
    %dma_start3A_45 = arith.constant 0 : i32
    %dma_start3A_46 = tpu.memref_slice %arg4[%dma_start3A_44, %dma_start3A_45] : memref<100000x16xf32, #tpu.memory_space<hbm>> -> memref<100000x16xf32, #tpu.memory_space<hbm>>
    tpu.enqueue_indirect_dma source(%dma_start3A_46 : memref<100000x16xf32, #tpu.memory_space<hbm>>) target(%arg14 : memref<1664x16xf32, #tpu.memory_space<vmem>>) offsets(%arg13 : memref<1664xi32, #tpu.memory_space<vmem>>) semaphore(%arg18 : memref<!tpu.dma_semaphore, #tpu.memory_space<semaphore_mem>>)
    "tpu.region"() ({
      %run_scoped3A = tpu.sem_alloc : memref<!tpu.dma_semaphore, #tpu.memory_space<semaphore_mem>>
      %dma_start3A_59 = tpu.memref_slice %arg7[%add3A_40] : memref<106496xi32, #tpu.memory_space<hbm>> -> memref<1664xi32, #tpu.memory_space<hbm>>
      %dma_start3A_60 = tpu.memref_slice %arg7[%add3A_40] : memref<106496xi32, #tpu.memory_space<hbm>> -> memref<1664xi32, #tpu.memory_space<hbm>>
      tpu.enqueue_dma source(%dma_start3A_60 : memref<1664xi32, #tpu.memory_space<hbm>>) target(%arg15 : memref<1664xi32, #tpu.memory_space<vmem>>) target_semaphore(%run_scoped3A : memref<!tpu.dma_semaphore, #tpu.memory_space<semaphore_mem>>)
      %dma_wait3A_61 = tpu.memref_slice %arg7[%add3A_40] : memref<106496xi32, #tpu.memory_space<hbm>> -> memref<1664xi32, #tpu.memory_space<hbm>>
      %dma_wait3A_62 = tpu.memref_slice %arg7[%add3A_40] : memref<106496xi32, #tpu.memory_space<hbm>> -> memref<1664xi32, #tpu.memory_space<hbm>>
      tpu.wait_dma2 semaphore(%run_scoped3A : memref<!tpu.dma_semaphore, #tpu.memory_space<semaphore_mem>>) src(%dma_wait3A_62 : memref<1664xi32, #tpu.memory_space<hbm>>) dst(%arg15 : memref<1664xi32, #tpu.memory_space<vmem>>)
      tpu.yield
    }) : () -> ()
    %dma_start3A_47 = arith.constant 0 : i32
    %dma_start3A_48 = arith.constant 0 : i32
    %dma_start3A_49 = tpu.memref_slice %arg6[%dma_start3A_47, %dma_start3A_48] : memref<100000x16xf32, #tpu.memory_space<hbm>> -> memref<100000x16xf32, #tpu.memory_space<hbm>>
    tpu.enqueue_indirect_dma source(%dma_start3A_49 : memref<100000x16xf32, #tpu.memory_space<hbm>>) target(%arg16 : memref<1664x16xf32, #tpu.memory_space<vmem>>) offsets(%arg15 : memref<1664xi32, #tpu.memory_space<vmem>>) semaphore(%arg19 : memref<!tpu.dma_semaphore, #tpu.memory_space<semaphore_mem>>)
    %dma_wait3A_50 = arith.constant 0 : i32
    %dma_wait3A_51 = arith.constant 0 : i32
    %dma_wait3A_52 = tpu.memref_slice %arg2[%dma_wait3A_50, %dma_wait3A_51] : memref<100000x64xf32, #tpu.memory_space<hbm>> -> memref<100000x64xf32, #tpu.memory_space<hbm>>
    tpu.wait_indirect_dma semaphore(%arg17 : memref<!tpu.dma_semaphore, #tpu.memory_space<semaphore_mem>>) src(%dma_wait3A_52 : memref<100000x64xf32, #tpu.memory_space<hbm>>) dst(%arg12 : memref<640x64xf32, #tpu.memory_space<vmem>>)
    "tpu.region"() ({
      %run_scoped3A = tpu.sem_alloc : memref<!tpu.dma_semaphore, #tpu.memory_space<semaphore_mem>>
      %dma_start3A_59 = arith.constant 0 : i32
      %dma_start3A_60 = tpu.memref_slice %arg8[%add3A_32, %dma_start3A_59] : memref<40960x64xf32, #tpu.memory_space<hbm>> -> memref<640x64xf32, #tpu.memory_space<hbm>>
      %dma_start3A_61 = arith.constant 0 : i32
      %dma_start3A_62 = tpu.memref_slice %arg8[%add3A_32, %dma_start3A_61] : memref<40960x64xf32, #tpu.memory_space<hbm>> -> memref<640x64xf32, #tpu.memory_space<hbm>>
      tpu.enqueue_dma source(%arg12 : memref<640x64xf32, #tpu.memory_space<vmem>>) target(%dma_start3A_62 : memref<640x64xf32, #tpu.memory_space<hbm>>) target_semaphore(%run_scoped3A : memref<!tpu.dma_semaphore, #tpu.memory_space<semaphore_mem>>)
      %dma_wait3A_63 = arith.constant 0 : i32
      %dma_wait3A_64 = tpu.memref_slice %arg8[%add3A_32, %dma_wait3A_63] : memref<40960x64xf32, #tpu.memory_space<hbm>> -> memref<640x64xf32, #tpu.memory_space<hbm>>
      %dma_wait3A_65 = arith.constant 0 : i32
      %dma_wait3A_66 = tpu.memref_slice %arg8[%add3A_32, %dma_wait3A_65] : memref<40960x64xf32, #tpu.memory_space<hbm>> -> memref<640x64xf32, #tpu.memory_space<hbm>>
      tpu.wait_dma2 semaphore(%run_scoped3A : memref<!tpu.dma_semaphore, #tpu.memory_space<semaphore_mem>>) src(%arg12 : memref<640x64xf32, #tpu.memory_space<vmem>>) dst(%dma_wait3A_66 : memref<640x64xf32, #tpu.memory_space<hbm>>)
      tpu.yield
    }) : () -> ()
    %dma_wait3A_53 = arith.constant 0 : i32
    %dma_wait3A_54 = arith.constant 0 : i32
    %dma_wait3A_55 = tpu.memref_slice %arg4[%dma_wait3A_53, %dma_wait3A_54] : memref<100000x16xf32, #tpu.memory_space<hbm>> -> memref<100000x16xf32, #tpu.memory_space<hbm>>
    tpu.wait_indirect_dma semaphore(%arg18 : memref<!tpu.dma_semaphore, #tpu.memory_space<semaphore_mem>>) src(%dma_wait3A_55 : memref<100000x16xf32, #tpu.memory_space<hbm>>) dst(%arg14 : memref<1664x16xf32, #tpu.memory_space<vmem>>)
    "tpu.region"() ({
      %run_scoped3A = tpu.sem_alloc : memref<!tpu.dma_semaphore, #tpu.memory_space<semaphore_mem>>
      %dma_start3A_59 = arith.constant 0 : i32
      %dma_start3A_60 = tpu.memref_slice %arg9[%add3A_36, %dma_start3A_59] : memref<106496x16xf32, #tpu.memory_space<hbm>> -> memref<1664x16xf32, #tpu.memory_space<hbm>>
      %dma_start3A_61 = arith.constant 0 : i32
      %dma_start3A_62 = tpu.memref_slice %arg9[%add3A_36, %dma_start3A_61] : memref<106496x16xf32, #tpu.memory_space<hbm>> -> memref<1664x16xf32, #tpu.memory_space<hbm>>
      tpu.enqueue_dma source(%arg14 : memref<1664x16xf32, #tpu.memory_space<vmem>>) target(%dma_start3A_62 : memref<1664x16xf32, #tpu.memory_space<hbm>>) target_semaphore(%run_scoped3A : memref<!tpu.dma_semaphore, #tpu.memory_space<semaphore_mem>>)
      %dma_wait3A_63 = arith.constant 0 : i32
      %dma_wait3A_64 = tpu.memref_slice %arg9[%add3A_36, %dma_wait3A_63] : memref<106496x16xf32, #tpu.memory_space<hbm>> -> memref<1664x16xf32, #tpu.memory_space<hbm>>
      %dma_wait3A_65 = arith.constant 0 : i32
      %dma_wait3A_66 = tpu.memref_slice %arg9[%add3A_36, %dma_wait3A_65] : memref<106496x16xf32, #tpu.memory_space<hbm>> -> memref<1664x16xf32, #tpu.memory_space<hbm>>
      tpu.wait_dma2 semaphore(%run_scoped3A : memref<!tpu.dma_semaphore, #tpu.memory_space<semaphore_mem>>) src(%arg14 : memref<1664x16xf32, #tpu.memory_space<vmem>>) dst(%dma_wait3A_66 : memref<1664x16xf32, #tpu.memory_space<hbm>>)
      tpu.yield
    }) : () -> ()
    %dma_wait3A_56 = arith.constant 0 : i32
    %dma_wait3A_57 = arith.constant 0 : i32
    %dma_wait3A_58 = tpu.memref_slice %arg6[%dma_wait3A_56, %dma_wait3A_57] : memref<100000x16xf32, #tpu.memory_space<hbm>> -> memref<100000x16xf32, #tpu.memory_space<hbm>>
    tpu.wait_indirect_dma semaphore(%arg19 : memref<!tpu.dma_semaphore, #tpu.memory_space<semaphore_mem>>) src(%dma_wait3A_58 : memref<100000x16xf32, #tpu.memory_space<hbm>>) dst(%arg16 : memref<1664x16xf32, #tpu.memory_space<vmem>>)
    "tpu.region"() ({
      %run_scoped3A = tpu.sem_alloc : memref<!tpu.dma_semaphore, #tpu.memory_space<semaphore_mem>>
      %dma_start3A_59 = arith.constant 0 : i32
      %dma_start3A_60 = tpu.memref_slice %arg10[%add3A_40, %dma_start3A_59] : memref<106496x16xf32, #tpu.memory_space<hbm>> -> memref<1664x16xf32, #tpu.memory_space<hbm>>
      %dma_start3A_61 = arith.constant 0 : i32
      %dma_start3A_62 = tpu.memref_slice %arg10[%add3A_40, %dma_start3A_61] : memref<106496x16xf32, #tpu.memory_space<hbm>> -> memref<1664x16xf32, #tpu.memory_space<hbm>>
      tpu.enqueue_dma source(%arg16 : memref<1664x16xf32, #tpu.memory_space<vmem>>) target(%dma_start3A_62 : memref<1664x16xf32, #tpu.memory_space<hbm>>) target_semaphore(%run_scoped3A : memref<!tpu.dma_semaphore, #tpu.memory_space<semaphore_mem>>)
      %dma_wait3A_63 = arith.constant 0 : i32
      %dma_wait3A_64 = tpu.memref_slice %arg10[%add3A_40, %dma_wait3A_63] : memref<106496x16xf32, #tpu.memory_space<hbm>> -> memref<1664x16xf32, #tpu.memory_space<hbm>>
      %dma_wait3A_65 = arith.constant 0 : i32
      %dma_wait3A_66 = tpu.memref_slice %arg10[%add3A_40, %dma_wait3A_65] : memref<106496x16xf32, #tpu.memory_space<hbm>> -> memref<1664x16xf32, #tpu.memory_space<hbm>>
      tpu.wait_dma2 semaphore(%run_scoped3A : memref<!tpu.dma_semaphore, #tpu.memory_space<semaphore_mem>>) src(%arg16 : memref<1664x16xf32, #tpu.memory_space<vmem>>) dst(%dma_wait3A_66 : memref<1664x16xf32, #tpu.memory_space<hbm>>)
      tpu.yield
    }) : () -> ()
    return
  }
}

module attributes {stable_mosaic.version = 14 : i64} {
  func.func @_tf_kernel(%arg0: i32, %arg1: memref<5120x64xf32, #tpu.memory_space<vmem>>, %arg2: memref<5120x64xf32, #tpu.memory_space<vmem>>, %arg3: memref<640x80xf32, #tpu.memory_space<vmem>>, %arg4: memref<80x80xf32, #tpu.memory_space<vmem>>, %arg5: memref<80x640xf32, #tpu.memory_space<vmem>>, %arg6: memref<64x192xf32, #tpu.memory_space<vmem>>, %arg7: memref<1x192xf32, #tpu.memory_space<vmem>>, %arg8: memref<64x64xf32, #tpu.memory_space<vmem>>, %arg9: memref<1x64xf32, #tpu.memory_space<vmem>>, %arg10: memref<2x64xf32, #tpu.memory_space<vmem>>, %arg11: memref<2x64xf32, #tpu.memory_space<vmem>>, %arg12: memref<64x256xf32, #tpu.memory_space<vmem>>, %arg13: memref<1x256xf32, #tpu.memory_space<vmem>>, %arg14: memref<256x64xf32, #tpu.memory_space<vmem>>, %arg15: memref<1x64xf32, #tpu.memory_space<vmem>>, %arg16: memref<64x192xf32, #tpu.memory_space<vmem>>, %arg17: memref<1x192xf32, #tpu.memory_space<vmem>>, %arg18: memref<64x64xf32, #tpu.memory_space<vmem>>, %arg19: memref<1x64xf32, #tpu.memory_space<vmem>>, %arg20: memref<2x64xf32, #tpu.memory_space<vmem>>, %arg21: memref<2x64xf32, #tpu.memory_space<vmem>>, %arg22: memref<64x256xf32, #tpu.memory_space<vmem>>, %arg23: memref<1x256xf32, #tpu.memory_space<vmem>>, %arg24: memref<256x64xf32, #tpu.memory_space<vmem>>, %arg25: memref<1x64xf32, #tpu.memory_space<vmem>>, %arg26: memref<512x64xf32, #tpu.memory_space<vmem>>) attributes {dimension_semantics = [#tpu.dimension_semantics<arbitrary>], iteration_bounds = array<i64: 8>, scalar_prefetch = 0 : i64, scratch_operands = 0 : i64, tpu.core_type = #tpu.core_type<tc>, window_params = [{transform_indices = @transform_0, window_bounds = array<i64: 5120, 64>}, {pipeline_mode = #tpu.pipeline_mode<synchronous>, transform_indices = @transform_1, window_bounds = array<i64: 5120, 64>}, {pipeline_mode = #tpu.pipeline_mode<synchronous>, transform_indices = @transform_2, window_bounds = array<i64: 640, 80>}, {pipeline_mode = #tpu.pipeline_mode<synchronous>, transform_indices = @transform_3, window_bounds = array<i64: 80, 80>}, {pipeline_mode = #tpu.pipeline_mode<synchronous>, transform_indices = @transform_4, window_bounds = array<i64: 80, 640>}, {pipeline_mode = #tpu.pipeline_mode<synchronous>, transform_indices = @transform_5, window_bounds = array<i64: 64, 192>}, {pipeline_mode = #tpu.pipeline_mode<synchronous>, transform_indices = @transform_6, window_bounds = array<i64: 1, 192>}, {pipeline_mode = #tpu.pipeline_mode<synchronous>, transform_indices = @transform_7, window_bounds = array<i64: 64, 64>}, {pipeline_mode = #tpu.pipeline_mode<synchronous>, transform_indices = @transform_8, window_bounds = array<i64: 1, 64>}, {pipeline_mode = #tpu.pipeline_mode<synchronous>, transform_indices = @transform_9, window_bounds = array<i64: 2, 64>}, {pipeline_mode = #tpu.pipeline_mode<synchronous>, transform_indices = @transform_10, window_bounds = array<i64: 2, 64>}, {pipeline_mode = #tpu.pipeline_mode<synchronous>, transform_indices = @transform_11, window_bounds = array<i64: 64, 256>}, {pipeline_mode = #tpu.pipeline_mode<synchronous>, transform_indices = @transform_12, window_bounds = array<i64: 1, 256>}, {pipeline_mode = #tpu.pipeline_mode<synchronous>, transform_indices = @transform_13, window_bounds = array<i64: 256, 64>}, {pipeline_mode = #tpu.pipeline_mode<synchronous>, transform_indices = @transform_14, window_bounds = array<i64: 1, 64>}, {pipeline_mode = #tpu.pipeline_mode<synchronous>, transform_indices = @transform_15, window_bounds = array<i64: 64, 192>}, {pipeline_mode = #tpu.pipeline_mode<synchronous>, transform_indices = @transform_16, window_bounds = array<i64: 1, 192>}, {pipeline_mode = #tpu.pipeline_mode<synchronous>, transform_indices = @transform_17, window_bounds = array<i64: 64, 64>}, {pipeline_mode = #tpu.pipeline_mode<synchronous>, transform_indices = @transform_18, window_bounds = array<i64: 1, 64>}, {pipeline_mode = #tpu.pipeline_mode<synchronous>, transform_indices = @transform_19, window_bounds = array<i64: 2, 64>}, {pipeline_mode = #tpu.pipeline_mode<synchronous>, transform_indices = @transform_20, window_bounds = array<i64: 2, 64>}, {pipeline_mode = #tpu.pipeline_mode<synchronous>, transform_indices = @transform_21, window_bounds = array<i64: 64, 256>}, {pipeline_mode = #tpu.pipeline_mode<synchronous>, transform_indices = @transform_22, window_bounds = array<i64: 1, 256>}, {pipeline_mode = #tpu.pipeline_mode<synchronous>, transform_indices = @transform_23, window_bounds = array<i64: 256, 64>}, {pipeline_mode = #tpu.pipeline_mode<synchronous>, transform_indices = @transform_24, window_bounds = array<i64: 1, 64>}, {transform_indices = @transform_25, window_bounds = array<i64: 512, 64>}]} {
    %get3A = arith.constant 0 : index
    %get3A_0 = arith.constant 0 : index
    %get3A_1 = vector.load %arg1[%get3A, %get3A_0] : memref<5120x64xf32, #tpu.memory_space<vmem>>, vector<5120x64xf32>
    %get3A_2 = arith.constant 0 : index
    %get3A_3 = arith.constant 0 : index
    %get3A_4 = vector.load %arg2[%get3A_2, %get3A_3] : memref<5120x64xf32, #tpu.memory_space<vmem>>, vector<5120x64xf32>
    %add3A = arith.addf %get3A_1, %get3A_4 : vector<5120x64xf32>
    %get3A_5 = arith.constant 0 : index
    %get3A_6 = arith.constant 0 : index
    %get3A_7 = vector.load %arg6[%get3A_5, %get3A_6] : memref<64x192xf32, #tpu.memory_space<vmem>>, vector<64x192xf32>
    %dot_general3A = arith.constant dense<0.000000e+00> : vector<5120x192xf32>
    %dot_general3A_8 = tpu.matmul %add3A, %get3A_7, %dot_general3A {dimension_numbers = #tpu.dot_dimension_numbers<[1], [0], [0], [1], [0, 0, 1, 1], [], []>, transpose_lhs_hint = false} : vector<5120x64xf32>, vector<64x192xf32>, vector<5120x192xf32> -> vector<5120x192xf32>
    %get3A_9 = arith.constant 0 : index
    %get3A_10 = arith.constant 0 : index
    %get3A_11 = vector.load %arg7[%get3A_9, %get3A_10] : memref<1x192xf32, #tpu.memory_space<vmem>>, vector<1x192xf32>
    %add3A_12 = vector.broadcast %get3A_11 : vector<1x192xf32> to vector<5120x192xf32>
    %add3A_13 = arith.addf %dot_general3A_8, %add3A_12 : vector<5120x192xf32>
    %slice3A = vector.extract_strided_slice %add3A_13 {offsets = [0, 0], sizes = [5120, 64], strides = [1, 1]} : vector<5120x192xf32> to vector<5120x64xf32>
    %slice3A_14 = vector.extract_strided_slice %add3A_13 {offsets = [0, 64], sizes = [5120, 64], strides = [1, 1]} : vector<5120x192xf32> to vector<5120x64xf32>
    %slice3A_15 = vector.extract_strided_slice %slice3A_14 {offsets = [0, 0], sizes = [512, 64], strides = [1, 1]} : vector<5120x64xf32> to vector<512x64xf32>
    %slice3A_16 = vector.extract_strided_slice %slice3A_14 {offsets = [512, 0], sizes = [512, 64], strides = [1, 1]} : vector<5120x64xf32> to vector<512x64xf32>
    %slice3A_17 = vector.extract_strided_slice %slice3A_14 {offsets = [1024, 0], sizes = [512, 64], strides = [1, 1]} : vector<5120x64xf32> to vector<512x64xf32>
    %slice3A_18 = vector.extract_strided_slice %slice3A_14 {offsets = [1536, 0], sizes = [512, 64], strides = [1, 1]} : vector<5120x64xf32> to vector<512x64xf32>
    %slice3A_19 = vector.extract_strided_slice %slice3A_14 {offsets = [2048, 0], sizes = [512, 64], strides = [1, 1]} : vector<5120x64xf32> to vector<512x64xf32>
    %slice3A_20 = vector.extract_strided_slice %slice3A_14 {offsets = [2560, 0], sizes = [512, 64], strides = [1, 1]} : vector<5120x64xf32> to vector<512x64xf32>
    %slice3A_21 = vector.extract_strided_slice %slice3A_14 {offsets = [3072, 0], sizes = [512, 64], strides = [1, 1]} : vector<5120x64xf32> to vector<512x64xf32>
    %slice3A_22 = vector.extract_strided_slice %slice3A_14 {offsets = [3584, 0], sizes = [512, 64], strides = [1, 1]} : vector<5120x64xf32> to vector<512x64xf32>
    %slice3A_23 = vector.extract_strided_slice %slice3A_14 {offsets = [4096, 0], sizes = [512, 64], strides = [1, 1]} : vector<5120x64xf32> to vector<512x64xf32>
    %slice3A_24 = vector.extract_strided_slice %slice3A_14 {offsets = [4608, 0], sizes = [512, 64], strides = [1, 1]} : vector<5120x64xf32> to vector<512x64xf32>
    %concatenate3A = tpu.concatenate %slice3A_15, %slice3A_16, %slice3A_17, %slice3A_18, %slice3A_19, %slice3A_20, %slice3A_21, %slice3A_22, %slice3A_23, %slice3A_24 in 1 : vector<512x64xf32>, vector<512x64xf32>, vector<512x64xf32>, vector<512x64xf32>, vector<512x64xf32>, vector<512x64xf32>, vector<512x64xf32>, vector<512x64xf32>, vector<512x64xf32>, vector<512x64xf32> -> vector<512x640xf32>
    %slice3A_25 = vector.extract_strided_slice %add3A_13 {offsets = [0, 128], sizes = [5120, 64], strides = [1, 1]} : vector<5120x192xf32> to vector<5120x64xf32>
    %slice3A_26 = vector.extract_strided_slice %slice3A_25 {offsets = [0, 0], sizes = [512, 64], strides = [1, 1]} : vector<5120x64xf32> to vector<512x64xf32>
    %slice3A_27 = vector.extract_strided_slice %slice3A_25 {offsets = [512, 0], sizes = [512, 64], strides = [1, 1]} : vector<5120x64xf32> to vector<512x64xf32>
    %slice3A_28 = vector.extract_strided_slice %slice3A_25 {offsets = [1024, 0], sizes = [512, 64], strides = [1, 1]} : vector<5120x64xf32> to vector<512x64xf32>
    %slice3A_29 = vector.extract_strided_slice %slice3A_25 {offsets = [1536, 0], sizes = [512, 64], strides = [1, 1]} : vector<5120x64xf32> to vector<512x64xf32>
    %slice3A_30 = vector.extract_strided_slice %slice3A_25 {offsets = [2048, 0], sizes = [512, 64], strides = [1, 1]} : vector<5120x64xf32> to vector<512x64xf32>
    %slice3A_31 = vector.extract_strided_slice %slice3A_25 {offsets = [2560, 0], sizes = [512, 64], strides = [1, 1]} : vector<5120x64xf32> to vector<512x64xf32>
    %slice3A_32 = vector.extract_strided_slice %slice3A_25 {offsets = [3072, 0], sizes = [512, 64], strides = [1, 1]} : vector<5120x64xf32> to vector<512x64xf32>
    %slice3A_33 = vector.extract_strided_slice %slice3A_25 {offsets = [3584, 0], sizes = [512, 64], strides = [1, 1]} : vector<5120x64xf32> to vector<512x64xf32>
    %slice3A_34 = vector.extract_strided_slice %slice3A_25 {offsets = [4096, 0], sizes = [512, 64], strides = [1, 1]} : vector<5120x64xf32> to vector<512x64xf32>
    %slice3A_35 = vector.extract_strided_slice %slice3A_25 {offsets = [4608, 0], sizes = [512, 64], strides = [1, 1]} : vector<5120x64xf32> to vector<512x64xf32>
    %concatenate3A_36 = tpu.concatenate %slice3A_26, %slice3A_27, %slice3A_28, %slice3A_29, %slice3A_30, %slice3A_31, %slice3A_32, %slice3A_33, %slice3A_34, %slice3A_35 in 1 : vector<512x64xf32>, vector<512x64xf32>, vector<512x64xf32>, vector<512x64xf32>, vector<512x64xf32>, vector<512x64xf32>, vector<512x64xf32>, vector<512x64xf32>, vector<512x64xf32>, vector<512x64xf32> -> vector<512x640xf32>
    %slice3A_37 = vector.extract_strided_slice %slice3A {offsets = [0, 0], sizes = [512, 64], strides = [1, 1]} : vector<5120x64xf32> to vector<512x64xf32>
    %concatenate3A_38 = tpu.concatenate %slice3A_37, %slice3A_37, %slice3A_37, %slice3A_37, %slice3A_37, %slice3A_37, %slice3A_37, %slice3A_37, %slice3A_37, %slice3A_37 in 1 : vector<512x64xf32>, vector<512x64xf32>, vector<512x64xf32>, vector<512x64xf32>, vector<512x64xf32>, vector<512x64xf32>, vector<512x64xf32>, vector<512x64xf32>, vector<512x64xf32>, vector<512x64xf32> -> vector<512x640xf32>
    %mul3A = arith.mulf %concatenate3A_38, %concatenate3A : vector<512x640xf32>
    %get3A_39 = arith.constant 0 : index
    %get3A_40 = arith.constant 0 : index
    %get3A_41 = vector.load %arg3[%get3A_39, %get3A_40] : memref<640x80xf32, #tpu.memory_space<vmem>>, vector<640x80xf32>
    %dot_general3A_42 = arith.constant dense<0.000000e+00> : vector<512x80xf32>
    %dot_general3A_43 = tpu.matmul %mul3A, %get3A_41, %dot_general3A_42 {dimension_numbers = #tpu.dot_dimension_numbers<[1], [0], [0], [1], [0, 0, 1, 1], [], []>, transpose_lhs_hint = false} : vector<512x640xf32>, vector<640x80xf32>, vector<512x80xf32> -> vector<512x80xf32>
    %reduce_max3A = vector.shape_cast %dot_general3A_43 : vector<512x80xf32> to vector<1x512x80xf32>
    %reduce_max3A_44 = arith.constant dense<0xFF800000> : vector<1xf32>
    %reduce_max3A_45 = vector.multi_reduction <maximumf>, %reduce_max3A, %reduce_max3A_44 [1, 2] : vector<1x512x80xf32> to vector<1xf32>
    %reduce_max3A_46 = vector.shape_cast %reduce_max3A_45 : vector<1xf32> to vector<1x1x1xf32>
    %reduce_max3A_47 = vector.extract %reduce_max3A_46[0, 0, 0] : f32 from vector<1x1x1xf32>
    %sub3A = arith.constant 3.000000e+01 : f32
    %sub3A_48 = arith.subf %reduce_max3A_47, %sub3A : f32
    %max3A = arith.constant 0.000000e+00 : f32
    %max3A_49 = arith.maximumf %sub3A_48, %max3A : f32
    %sub3A_50 = vector.broadcast %max3A_49 : f32 to vector<512x80xf32>
    %sub3A_51 = arith.subf %dot_general3A_43, %sub3A_50 : vector<512x80xf32>
    %exp3A = math.exp %sub3A_51 : vector<512x80xf32>
    %get3A_52 = arith.constant 0 : index
    %get3A_53 = arith.constant 0 : index
    %get3A_54 = vector.load %arg4[%get3A_52, %get3A_53] : memref<80x80xf32, #tpu.memory_space<vmem>>, vector<80x80xf32>
    %dot_general3A_55 = arith.constant dense<0.000000e+00> : vector<512x80xf32>
    %dot_general3A_56 = tpu.matmul %exp3A, %get3A_54, %dot_general3A_55 {dimension_numbers = #tpu.dot_dimension_numbers<[1], [0], [0], [1], [0, 0, 1, 1], [], []>, transpose_lhs_hint = false} : vector<512x80xf32>, vector<80x80xf32>, vector<512x80xf32> -> vector<512x80xf32>
    %div3A = arith.divf %exp3A, %dot_general3A_56 : vector<512x80xf32>
    %get3A_57 = arith.constant 0 : index
    %get3A_58 = arith.constant 0 : index
    %get3A_59 = vector.load %arg5[%get3A_57, %get3A_58] : memref<80x640xf32, #tpu.memory_space<vmem>>, vector<80x640xf32>
    %dot_general3A_60 = arith.constant dense<0.000000e+00> : vector<512x640xf32>
    %dot_general3A_61 = tpu.matmul %div3A, %get3A_59, %dot_general3A_60 {dimension_numbers = #tpu.dot_dimension_numbers<[1], [0], [0], [1], [0, 0, 1, 1], [], []>, transpose_lhs_hint = false} : vector<512x80xf32>, vector<80x640xf32>, vector<512x640xf32> -> vector<512x640xf32>
    %mul3A_62 = arith.mulf %dot_general3A_61, %concatenate3A_36 : vector<512x640xf32>
    %slice3A_63 = vector.extract_strided_slice %mul3A_62 {offsets = [0, 0], sizes = [512, 64], strides = [1, 1]} : vector<512x640xf32> to vector<512x64xf32>
    %slice3A_64 = vector.extract_strided_slice %mul3A_62 {offsets = [0, 64], sizes = [512, 64], strides = [1, 1]} : vector<512x640xf32> to vector<512x64xf32>
    %add3A_65 = arith.addf %slice3A_63, %slice3A_64 : vector<512x64xf32>
    %slice3A_66 = vector.extract_strided_slice %mul3A_62 {offsets = [0, 128], sizes = [512, 64], strides = [1, 1]} : vector<512x640xf32> to vector<512x64xf32>
    %add3A_67 = arith.addf %add3A_65, %slice3A_66 : vector<512x64xf32>
    %slice3A_68 = vector.extract_strided_slice %mul3A_62 {offsets = [0, 192], sizes = [512, 64], strides = [1, 1]} : vector<512x640xf32> to vector<512x64xf32>
    %add3A_69 = arith.addf %add3A_67, %slice3A_68 : vector<512x64xf32>
    %slice3A_70 = vector.extract_strided_slice %mul3A_62 {offsets = [0, 256], sizes = [512, 64], strides = [1, 1]} : vector<512x640xf32> to vector<512x64xf32>
    %add3A_71 = arith.addf %add3A_69, %slice3A_70 : vector<512x64xf32>
    %slice3A_72 = vector.extract_strided_slice %mul3A_62 {offsets = [0, 320], sizes = [512, 64], strides = [1, 1]} : vector<512x640xf32> to vector<512x64xf32>
    %add3A_73 = arith.addf %add3A_71, %slice3A_72 : vector<512x64xf32>
    %slice3A_74 = vector.extract_strided_slice %mul3A_62 {offsets = [0, 384], sizes = [512, 64], strides = [1, 1]} : vector<512x640xf32> to vector<512x64xf32>
    %add3A_75 = arith.addf %add3A_73, %slice3A_74 : vector<512x64xf32>
    %slice3A_76 = vector.extract_strided_slice %mul3A_62 {offsets = [0, 448], sizes = [512, 64], strides = [1, 1]} : vector<512x640xf32> to vector<512x64xf32>
    %add3A_77 = arith.addf %add3A_75, %slice3A_76 : vector<512x64xf32>
    %slice3A_78 = vector.extract_strided_slice %mul3A_62 {offsets = [0, 512], sizes = [512, 64], strides = [1, 1]} : vector<512x640xf32> to vector<512x64xf32>
    %add3A_79 = arith.addf %add3A_77, %slice3A_78 : vector<512x64xf32>
    %slice3A_80 = vector.extract_strided_slice %mul3A_62 {offsets = [0, 576], sizes = [512, 64], strides = [1, 1]} : vector<512x640xf32> to vector<512x64xf32>
    %add3A_81 = arith.addf %add3A_79, %slice3A_80 : vector<512x64xf32>
    %slice3A_82 = vector.extract_strided_slice %slice3A {offsets = [512, 0], sizes = [512, 64], strides = [1, 1]} : vector<5120x64xf32> to vector<512x64xf32>
    %concatenate3A_83 = tpu.concatenate %slice3A_82, %slice3A_82, %slice3A_82, %slice3A_82, %slice3A_82, %slice3A_82, %slice3A_82, %slice3A_82, %slice3A_82, %slice3A_82 in 1 : vector<512x64xf32>, vector<512x64xf32>, vector<512x64xf32>, vector<512x64xf32>, vector<512x64xf32>, vector<512x64xf32>, vector<512x64xf32>, vector<512x64xf32>, vector<512x64xf32>, vector<512x64xf32> -> vector<512x640xf32>
    %mul3A_84 = arith.mulf %concatenate3A_83, %concatenate3A : vector<512x640xf32>
    %get3A_85 = arith.constant 0 : index
    %get3A_86 = arith.constant 0 : index
    %get3A_87 = vector.load %arg3[%get3A_85, %get3A_86] : memref<640x80xf32, #tpu.memory_space<vmem>>, vector<640x80xf32>
    %dot_general3A_88 = arith.constant dense<0.000000e+00> : vector<512x80xf32>
    %dot_general3A_89 = tpu.matmul %mul3A_84, %get3A_87, %dot_general3A_88 {dimension_numbers = #tpu.dot_dimension_numbers<[1], [0], [0], [1], [0, 0, 1, 1], [], []>, transpose_lhs_hint = false} : vector<512x640xf32>, vector<640x80xf32>, vector<512x80xf32> -> vector<512x80xf32>
    %reduce_max3A_90 = vector.shape_cast %dot_general3A_89 : vector<512x80xf32> to vector<1x512x80xf32>
    %reduce_max3A_91 = arith.constant dense<0xFF800000> : vector<1xf32>
    %reduce_max3A_92 = vector.multi_reduction <maximumf>, %reduce_max3A_90, %reduce_max3A_91 [1, 2] : vector<1x512x80xf32> to vector<1xf32>
    %reduce_max3A_93 = vector.shape_cast %reduce_max3A_92 : vector<1xf32> to vector<1x1x1xf32>
    %reduce_max3A_94 = vector.extract %reduce_max3A_93[0, 0, 0] : f32 from vector<1x1x1xf32>
    %sub3A_95 = arith.constant 3.000000e+01 : f32
    %sub3A_96 = arith.subf %reduce_max3A_94, %sub3A_95 : f32
    %max3A_97 = arith.constant 0.000000e+00 : f32
    %max3A_98 = arith.maximumf %sub3A_96, %max3A_97 : f32
    %sub3A_99 = vector.broadcast %max3A_98 : f32 to vector<512x80xf32>
    %sub3A_100 = arith.subf %dot_general3A_89, %sub3A_99 : vector<512x80xf32>
    %exp3A_101 = math.exp %sub3A_100 : vector<512x80xf32>
    %get3A_102 = arith.constant 0 : index
    %get3A_103 = arith.constant 0 : index
    %get3A_104 = vector.load %arg4[%get3A_102, %get3A_103] : memref<80x80xf32, #tpu.memory_space<vmem>>, vector<80x80xf32>
    %dot_general3A_105 = arith.constant dense<0.000000e+00> : vector<512x80xf32>
    %dot_general3A_106 = tpu.matmul %exp3A_101, %get3A_104, %dot_general3A_105 {dimension_numbers = #tpu.dot_dimension_numbers<[1], [0], [0], [1], [0, 0, 1, 1], [], []>, transpose_lhs_hint = false} : vector<512x80xf32>, vector<80x80xf32>, vector<512x80xf32> -> vector<512x80xf32>
    %div3A_107 = arith.divf %exp3A_101, %dot_general3A_106 : vector<512x80xf32>
    %get3A_108 = arith.constant 0 : index
    %get3A_109 = arith.constant 0 : index
    %get3A_110 = vector.load %arg5[%get3A_108, %get3A_109] : memref<80x640xf32, #tpu.memory_space<vmem>>, vector<80x640xf32>
    %dot_general3A_111 = arith.constant dense<0.000000e+00> : vector<512x640xf32>
    %dot_general3A_112 = tpu.matmul %div3A_107, %get3A_110, %dot_general3A_111 {dimension_numbers = #tpu.dot_dimension_numbers<[1], [0], [0], [1], [0, 0, 1, 1], [], []>, transpose_lhs_hint = false} : vector<512x80xf32>, vector<80x640xf32>, vector<512x640xf32> -> vector<512x640xf32>
    %mul3A_113 = arith.mulf %dot_general3A_112, %concatenate3A_36 : vector<512x640xf32>
    %slice3A_114 = vector.extract_strided_slice %mul3A_113 {offsets = [0, 0], sizes = [512, 64], strides = [1, 1]} : vector<512x640xf32> to vector<512x64xf32>
    %slice3A_115 = vector.extract_strided_slice %mul3A_113 {offsets = [0, 64], sizes = [512, 64], strides = [1, 1]} : vector<512x640xf32> to vector<512x64xf32>
    %add3A_116 = arith.addf %slice3A_114, %slice3A_115 : vector<512x64xf32>
    %slice3A_117 = vector.extract_strided_slice %mul3A_113 {offsets = [0, 128], sizes = [512, 64], strides = [1, 1]} : vector<512x640xf32> to vector<512x64xf32>
    %add3A_118 = arith.addf %add3A_116, %slice3A_117 : vector<512x64xf32>
    %slice3A_119 = vector.extract_strided_slice %mul3A_113 {offsets = [0, 192], sizes = [512, 64], strides = [1, 1]} : vector<512x640xf32> to vector<512x64xf32>
    %add3A_120 = arith.addf %add3A_118, %slice3A_119 : vector<512x64xf32>
    %slice3A_121 = vector.extract_strided_slice %mul3A_113 {offsets = [0, 256], sizes = [512, 64], strides = [1, 1]} : vector<512x640xf32> to vector<512x64xf32>
    %add3A_122 = arith.addf %add3A_120, %slice3A_121 : vector<512x64xf32>
    %slice3A_123 = vector.extract_strided_slice %mul3A_113 {offsets = [0, 320], sizes = [512, 64], strides = [1, 1]} : vector<512x640xf32> to vector<512x64xf32>
    %add3A_124 = arith.addf %add3A_122, %slice3A_123 : vector<512x64xf32>
    %slice3A_125 = vector.extract_strided_slice %mul3A_113 {offsets = [0, 384], sizes = [512, 64], strides = [1, 1]} : vector<512x640xf32> to vector<512x64xf32>
    %add3A_126 = arith.addf %add3A_124, %slice3A_125 : vector<512x64xf32>
    %slice3A_127 = vector.extract_strided_slice %mul3A_113 {offsets = [0, 448], sizes = [512, 64], strides = [1, 1]} : vector<512x640xf32> to vector<512x64xf32>
    %add3A_128 = arith.addf %add3A_126, %slice3A_127 : vector<512x64xf32>
    %slice3A_129 = vector.extract_strided_slice %mul3A_113 {offsets = [0, 512], sizes = [512, 64], strides = [1, 1]} : vector<512x640xf32> to vector<512x64xf32>
    %add3A_130 = arith.addf %add3A_128, %slice3A_129 : vector<512x64xf32>
    %slice3A_131 = vector.extract_strided_slice %mul3A_113 {offsets = [0, 576], sizes = [512, 64], strides = [1, 1]} : vector<512x640xf32> to vector<512x64xf32>
    %add3A_132 = arith.addf %add3A_130, %slice3A_131 : vector<512x64xf32>
    %slice3A_133 = vector.extract_strided_slice %slice3A {offsets = [1024, 0], sizes = [512, 64], strides = [1, 1]} : vector<5120x64xf32> to vector<512x64xf32>
    %concatenate3A_134 = tpu.concatenate %slice3A_133, %slice3A_133, %slice3A_133, %slice3A_133, %slice3A_133, %slice3A_133, %slice3A_133, %slice3A_133, %slice3A_133, %slice3A_133 in 1 : vector<512x64xf32>, vector<512x64xf32>, vector<512x64xf32>, vector<512x64xf32>, vector<512x64xf32>, vector<512x64xf32>, vector<512x64xf32>, vector<512x64xf32>, vector<512x64xf32>, vector<512x64xf32> -> vector<512x640xf32>
    %mul3A_135 = arith.mulf %concatenate3A_134, %concatenate3A : vector<512x640xf32>
    %get3A_136 = arith.constant 0 : index
    %get3A_137 = arith.constant 0 : index
    %get3A_138 = vector.load %arg3[%get3A_136, %get3A_137] : memref<640x80xf32, #tpu.memory_space<vmem>>, vector<640x80xf32>
    %dot_general3A_139 = arith.constant dense<0.000000e+00> : vector<512x80xf32>
    %dot_general3A_140 = tpu.matmul %mul3A_135, %get3A_138, %dot_general3A_139 {dimension_numbers = #tpu.dot_dimension_numbers<[1], [0], [0], [1], [0, 0, 1, 1], [], []>, transpose_lhs_hint = false} : vector<512x640xf32>, vector<640x80xf32>, vector<512x80xf32> -> vector<512x80xf32>
    %reduce_max3A_141 = vector.shape_cast %dot_general3A_140 : vector<512x80xf32> to vector<1x512x80xf32>
    %reduce_max3A_142 = arith.constant dense<0xFF800000> : vector<1xf32>
    %reduce_max3A_143 = vector.multi_reduction <maximumf>, %reduce_max3A_141, %reduce_max3A_142 [1, 2] : vector<1x512x80xf32> to vector<1xf32>
    %reduce_max3A_144 = vector.shape_cast %reduce_max3A_143 : vector<1xf32> to vector<1x1x1xf32>
    %reduce_max3A_145 = vector.extract %reduce_max3A_144[0, 0, 0] : f32 from vector<1x1x1xf32>
    %sub3A_146 = arith.constant 3.000000e+01 : f32
    %sub3A_147 = arith.subf %reduce_max3A_145, %sub3A_146 : f32
    %max3A_148 = arith.constant 0.000000e+00 : f32
    %max3A_149 = arith.maximumf %sub3A_147, %max3A_148 : f32
    %sub3A_150 = vector.broadcast %max3A_149 : f32 to vector<512x80xf32>
    %sub3A_151 = arith.subf %dot_general3A_140, %sub3A_150 : vector<512x80xf32>
    %exp3A_152 = math.exp %sub3A_151 : vector<512x80xf32>
    %get3A_153 = arith.constant 0 : index
    %get3A_154 = arith.constant 0 : index
    %get3A_155 = vector.load %arg4[%get3A_153, %get3A_154] : memref<80x80xf32, #tpu.memory_space<vmem>>, vector<80x80xf32>
    %dot_general3A_156 = arith.constant dense<0.000000e+00> : vector<512x80xf32>
    %dot_general3A_157 = tpu.matmul %exp3A_152, %get3A_155, %dot_general3A_156 {dimension_numbers = #tpu.dot_dimension_numbers<[1], [0], [0], [1], [0, 0, 1, 1], [], []>, transpose_lhs_hint = false} : vector<512x80xf32>, vector<80x80xf32>, vector<512x80xf32> -> vector<512x80xf32>
    %div3A_158 = arith.divf %exp3A_152, %dot_general3A_157 : vector<512x80xf32>
    %get3A_159 = arith.constant 0 : index
    %get3A_160 = arith.constant 0 : index
    %get3A_161 = vector.load %arg5[%get3A_159, %get3A_160] : memref<80x640xf32, #tpu.memory_space<vmem>>, vector<80x640xf32>
    %dot_general3A_162 = arith.constant dense<0.000000e+00> : vector<512x640xf32>
    %dot_general3A_163 = tpu.matmul %div3A_158, %get3A_161, %dot_general3A_162 {dimension_numbers = #tpu.dot_dimension_numbers<[1], [0], [0], [1], [0, 0, 1, 1], [], []>, transpose_lhs_hint = false} : vector<512x80xf32>, vector<80x640xf32>, vector<512x640xf32> -> vector<512x640xf32>
    %mul3A_164 = arith.mulf %dot_general3A_163, %concatenate3A_36 : vector<512x640xf32>
    %slice3A_165 = vector.extract_strided_slice %mul3A_164 {offsets = [0, 0], sizes = [512, 64], strides = [1, 1]} : vector<512x640xf32> to vector<512x64xf32>
    %slice3A_166 = vector.extract_strided_slice %mul3A_164 {offsets = [0, 64], sizes = [512, 64], strides = [1, 1]} : vector<512x640xf32> to vector<512x64xf32>
    %add3A_167 = arith.addf %slice3A_165, %slice3A_166 : vector<512x64xf32>
    %slice3A_168 = vector.extract_strided_slice %mul3A_164 {offsets = [0, 128], sizes = [512, 64], strides = [1, 1]} : vector<512x640xf32> to vector<512x64xf32>
    %add3A_169 = arith.addf %add3A_167, %slice3A_168 : vector<512x64xf32>
    %slice3A_170 = vector.extract_strided_slice %mul3A_164 {offsets = [0, 192], sizes = [512, 64], strides = [1, 1]} : vector<512x640xf32> to vector<512x64xf32>
    %add3A_171 = arith.addf %add3A_169, %slice3A_170 : vector<512x64xf32>
    %slice3A_172 = vector.extract_strided_slice %mul3A_164 {offsets = [0, 256], sizes = [512, 64], strides = [1, 1]} : vector<512x640xf32> to vector<512x64xf32>
    %add3A_173 = arith.addf %add3A_171, %slice3A_172 : vector<512x64xf32>
    %slice3A_174 = vector.extract_strided_slice %mul3A_164 {offsets = [0, 320], sizes = [512, 64], strides = [1, 1]} : vector<512x640xf32> to vector<512x64xf32>
    %add3A_175 = arith.addf %add3A_173, %slice3A_174 : vector<512x64xf32>
    %slice3A_176 = vector.extract_strided_slice %mul3A_164 {offsets = [0, 384], sizes = [512, 64], strides = [1, 1]} : vector<512x640xf32> to vector<512x64xf32>
    %add3A_177 = arith.addf %add3A_175, %slice3A_176 : vector<512x64xf32>
    %slice3A_178 = vector.extract_strided_slice %mul3A_164 {offsets = [0, 448], sizes = [512, 64], strides = [1, 1]} : vector<512x640xf32> to vector<512x64xf32>
    %add3A_179 = arith.addf %add3A_177, %slice3A_178 : vector<512x64xf32>
    %slice3A_180 = vector.extract_strided_slice %mul3A_164 {offsets = [0, 512], sizes = [512, 64], strides = [1, 1]} : vector<512x640xf32> to vector<512x64xf32>
    %add3A_181 = arith.addf %add3A_179, %slice3A_180 : vector<512x64xf32>
    %slice3A_182 = vector.extract_strided_slice %mul3A_164 {offsets = [0, 576], sizes = [512, 64], strides = [1, 1]} : vector<512x640xf32> to vector<512x64xf32>
    %add3A_183 = arith.addf %add3A_181, %slice3A_182 : vector<512x64xf32>
    %slice3A_184 = vector.extract_strided_slice %slice3A {offsets = [1536, 0], sizes = [512, 64], strides = [1, 1]} : vector<5120x64xf32> to vector<512x64xf32>
    %concatenate3A_185 = tpu.concatenate %slice3A_184, %slice3A_184, %slice3A_184, %slice3A_184, %slice3A_184, %slice3A_184, %slice3A_184, %slice3A_184, %slice3A_184, %slice3A_184 in 1 : vector<512x64xf32>, vector<512x64xf32>, vector<512x64xf32>, vector<512x64xf32>, vector<512x64xf32>, vector<512x64xf32>, vector<512x64xf32>, vector<512x64xf32>, vector<512x64xf32>, vector<512x64xf32> -> vector<512x640xf32>
    %mul3A_186 = arith.mulf %concatenate3A_185, %concatenate3A : vector<512x640xf32>
    %get3A_187 = arith.constant 0 : index
    %get3A_188 = arith.constant 0 : index
    %get3A_189 = vector.load %arg3[%get3A_187, %get3A_188] : memref<640x80xf32, #tpu.memory_space<vmem>>, vector<640x80xf32>
    %dot_general3A_190 = arith.constant dense<0.000000e+00> : vector<512x80xf32>
    %dot_general3A_191 = tpu.matmul %mul3A_186, %get3A_189, %dot_general3A_190 {dimension_numbers = #tpu.dot_dimension_numbers<[1], [0], [0], [1], [0, 0, 1, 1], [], []>, transpose_lhs_hint = false} : vector<512x640xf32>, vector<640x80xf32>, vector<512x80xf32> -> vector<512x80xf32>
    %reduce_max3A_192 = vector.shape_cast %dot_general3A_191 : vector<512x80xf32> to vector<1x512x80xf32>
    %reduce_max3A_193 = arith.constant dense<0xFF800000> : vector<1xf32>
    %reduce_max3A_194 = vector.multi_reduction <maximumf>, %reduce_max3A_192, %reduce_max3A_193 [1, 2] : vector<1x512x80xf32> to vector<1xf32>
    %reduce_max3A_195 = vector.shape_cast %reduce_max3A_194 : vector<1xf32> to vector<1x1x1xf32>
    %reduce_max3A_196 = vector.extract %reduce_max3A_195[0, 0, 0] : f32 from vector<1x1x1xf32>
    %sub3A_197 = arith.constant 3.000000e+01 : f32
    %sub3A_198 = arith.subf %reduce_max3A_196, %sub3A_197 : f32
    %max3A_199 = arith.constant 0.000000e+00 : f32
    %max3A_200 = arith.maximumf %sub3A_198, %max3A_199 : f32
    %sub3A_201 = vector.broadcast %max3A_200 : f32 to vector<512x80xf32>
    %sub3A_202 = arith.subf %dot_general3A_191, %sub3A_201 : vector<512x80xf32>
    %exp3A_203 = math.exp %sub3A_202 : vector<512x80xf32>
    %get3A_204 = arith.constant 0 : index
    %get3A_205 = arith.constant 0 : index
    %get3A_206 = vector.load %arg4[%get3A_204, %get3A_205] : memref<80x80xf32, #tpu.memory_space<vmem>>, vector<80x80xf32>
    %dot_general3A_207 = arith.constant dense<0.000000e+00> : vector<512x80xf32>
    %dot_general3A_208 = tpu.matmul %exp3A_203, %get3A_206, %dot_general3A_207 {dimension_numbers = #tpu.dot_dimension_numbers<[1], [0], [0], [1], [0, 0, 1, 1], [], []>, transpose_lhs_hint = false} : vector<512x80xf32>, vector<80x80xf32>, vector<512x80xf32> -> vector<512x80xf32>
    %div3A_209 = arith.divf %exp3A_203, %dot_general3A_208 : vector<512x80xf32>
    %get3A_210 = arith.constant 0 : index
    %get3A_211 = arith.constant 0 : index
    %get3A_212 = vector.load %arg5[%get3A_210, %get3A_211] : memref<80x640xf32, #tpu.memory_space<vmem>>, vector<80x640xf32>
    %dot_general3A_213 = arith.constant dense<0.000000e+00> : vector<512x640xf32>
    %dot_general3A_214 = tpu.matmul %div3A_209, %get3A_212, %dot_general3A_213 {dimension_numbers = #tpu.dot_dimension_numbers<[1], [0], [0], [1], [0, 0, 1, 1], [], []>, transpose_lhs_hint = false} : vector<512x80xf32>, vector<80x640xf32>, vector<512x640xf32> -> vector<512x640xf32>
    %mul3A_215 = arith.mulf %dot_general3A_214, %concatenate3A_36 : vector<512x640xf32>
    %slice3A_216 = vector.extract_strided_slice %mul3A_215 {offsets = [0, 0], sizes = [512, 64], strides = [1, 1]} : vector<512x640xf32> to vector<512x64xf32>
    %slice3A_217 = vector.extract_strided_slice %mul3A_215 {offsets = [0, 64], sizes = [512, 64], strides = [1, 1]} : vector<512x640xf32> to vector<512x64xf32>
    %add3A_218 = arith.addf %slice3A_216, %slice3A_217 : vector<512x64xf32>
    %slice3A_219 = vector.extract_strided_slice %mul3A_215 {offsets = [0, 128], sizes = [512, 64], strides = [1, 1]} : vector<512x640xf32> to vector<512x64xf32>
    %add3A_220 = arith.addf %add3A_218, %slice3A_219 : vector<512x64xf32>
    %slice3A_221 = vector.extract_strided_slice %mul3A_215 {offsets = [0, 192], sizes = [512, 64], strides = [1, 1]} : vector<512x640xf32> to vector<512x64xf32>
    %add3A_222 = arith.addf %add3A_220, %slice3A_221 : vector<512x64xf32>
    %slice3A_223 = vector.extract_strided_slice %mul3A_215 {offsets = [0, 256], sizes = [512, 64], strides = [1, 1]} : vector<512x640xf32> to vector<512x64xf32>
    %add3A_224 = arith.addf %add3A_222, %slice3A_223 : vector<512x64xf32>
    %slice3A_225 = vector.extract_strided_slice %mul3A_215 {offsets = [0, 320], sizes = [512, 64], strides = [1, 1]} : vector<512x640xf32> to vector<512x64xf32>
    %add3A_226 = arith.addf %add3A_224, %slice3A_225 : vector<512x64xf32>
    %slice3A_227 = vector.extract_strided_slice %mul3A_215 {offsets = [0, 384], sizes = [512, 64], strides = [1, 1]} : vector<512x640xf32> to vector<512x64xf32>
    %add3A_228 = arith.addf %add3A_226, %slice3A_227 : vector<512x64xf32>
    %slice3A_229 = vector.extract_strided_slice %mul3A_215 {offsets = [0, 448], sizes = [512, 64], strides = [1, 1]} : vector<512x640xf32> to vector<512x64xf32>
    %add3A_230 = arith.addf %add3A_228, %slice3A_229 : vector<512x64xf32>
    %slice3A_231 = vector.extract_strided_slice %mul3A_215 {offsets = [0, 512], sizes = [512, 64], strides = [1, 1]} : vector<512x640xf32> to vector<512x64xf32>
    %add3A_232 = arith.addf %add3A_230, %slice3A_231 : vector<512x64xf32>
    %slice3A_233 = vector.extract_strided_slice %mul3A_215 {offsets = [0, 576], sizes = [512, 64], strides = [1, 1]} : vector<512x640xf32> to vector<512x64xf32>
    %add3A_234 = arith.addf %add3A_232, %slice3A_233 : vector<512x64xf32>
    %slice3A_235 = vector.extract_strided_slice %slice3A {offsets = [2048, 0], sizes = [512, 64], strides = [1, 1]} : vector<5120x64xf32> to vector<512x64xf32>
    %concatenate3A_236 = tpu.concatenate %slice3A_235, %slice3A_235, %slice3A_235, %slice3A_235, %slice3A_235, %slice3A_235, %slice3A_235, %slice3A_235, %slice3A_235, %slice3A_235 in 1 : vector<512x64xf32>, vector<512x64xf32>, vector<512x64xf32>, vector<512x64xf32>, vector<512x64xf32>, vector<512x64xf32>, vector<512x64xf32>, vector<512x64xf32>, vector<512x64xf32>, vector<512x64xf32> -> vector<512x640xf32>
    %mul3A_237 = arith.mulf %concatenate3A_236, %concatenate3A : vector<512x640xf32>
    %get3A_238 = arith.constant 0 : index
    %get3A_239 = arith.constant 0 : index
    %get3A_240 = vector.load %arg3[%get3A_238, %get3A_239] : memref<640x80xf32, #tpu.memory_space<vmem>>, vector<640x80xf32>
    %dot_general3A_241 = arith.constant dense<0.000000e+00> : vector<512x80xf32>
    %dot_general3A_242 = tpu.matmul %mul3A_237, %get3A_240, %dot_general3A_241 {dimension_numbers = #tpu.dot_dimension_numbers<[1], [0], [0], [1], [0, 0, 1, 1], [], []>, transpose_lhs_hint = false} : vector<512x640xf32>, vector<640x80xf32>, vector<512x80xf32> -> vector<512x80xf32>
    %reduce_max3A_243 = vector.shape_cast %dot_general3A_242 : vector<512x80xf32> to vector<1x512x80xf32>
    %reduce_max3A_244 = arith.constant dense<0xFF800000> : vector<1xf32>
    %reduce_max3A_245 = vector.multi_reduction <maximumf>, %reduce_max3A_243, %reduce_max3A_244 [1, 2] : vector<1x512x80xf32> to vector<1xf32>
    %reduce_max3A_246 = vector.shape_cast %reduce_max3A_245 : vector<1xf32> to vector<1x1x1xf32>
    %reduce_max3A_247 = vector.extract %reduce_max3A_246[0, 0, 0] : f32 from vector<1x1x1xf32>
    %sub3A_248 = arith.constant 3.000000e+01 : f32
    %sub3A_249 = arith.subf %reduce_max3A_247, %sub3A_248 : f32
    %max3A_250 = arith.constant 0.000000e+00 : f32
    %max3A_251 = arith.maximumf %sub3A_249, %max3A_250 : f32
    %sub3A_252 = vector.broadcast %max3A_251 : f32 to vector<512x80xf32>
    %sub3A_253 = arith.subf %dot_general3A_242, %sub3A_252 : vector<512x80xf32>
    %exp3A_254 = math.exp %sub3A_253 : vector<512x80xf32>
    %get3A_255 = arith.constant 0 : index
    %get3A_256 = arith.constant 0 : index
    %get3A_257 = vector.load %arg4[%get3A_255, %get3A_256] : memref<80x80xf32, #tpu.memory_space<vmem>>, vector<80x80xf32>
    %dot_general3A_258 = arith.constant dense<0.000000e+00> : vector<512x80xf32>
    %dot_general3A_259 = tpu.matmul %exp3A_254, %get3A_257, %dot_general3A_258 {dimension_numbers = #tpu.dot_dimension_numbers<[1], [0], [0], [1], [0, 0, 1, 1], [], []>, transpose_lhs_hint = false} : vector<512x80xf32>, vector<80x80xf32>, vector<512x80xf32> -> vector<512x80xf32>
    %div3A_260 = arith.divf %exp3A_254, %dot_general3A_259 : vector<512x80xf32>
    %get3A_261 = arith.constant 0 : index
    %get3A_262 = arith.constant 0 : index
    %get3A_263 = vector.load %arg5[%get3A_261, %get3A_262] : memref<80x640xf32, #tpu.memory_space<vmem>>, vector<80x640xf32>
    %dot_general3A_264 = arith.constant dense<0.000000e+00> : vector<512x640xf32>
    %dot_general3A_265 = tpu.matmul %div3A_260, %get3A_263, %dot_general3A_264 {dimension_numbers = #tpu.dot_dimension_numbers<[1], [0], [0], [1], [0, 0, 1, 1], [], []>, transpose_lhs_hint = false} : vector<512x80xf32>, vector<80x640xf32>, vector<512x640xf32> -> vector<512x640xf32>
    %mul3A_266 = arith.mulf %dot_general3A_265, %concatenate3A_36 : vector<512x640xf32>
    %slice3A_267 = vector.extract_strided_slice %mul3A_266 {offsets = [0, 0], sizes = [512, 64], strides = [1, 1]} : vector<512x640xf32> to vector<512x64xf32>
    %slice3A_268 = vector.extract_strided_slice %mul3A_266 {offsets = [0, 64], sizes = [512, 64], strides = [1, 1]} : vector<512x640xf32> to vector<512x64xf32>
    %add3A_269 = arith.addf %slice3A_267, %slice3A_268 : vector<512x64xf32>
    %slice3A_270 = vector.extract_strided_slice %mul3A_266 {offsets = [0, 128], sizes = [512, 64], strides = [1, 1]} : vector<512x640xf32> to vector<512x64xf32>
    %add3A_271 = arith.addf %add3A_269, %slice3A_270 : vector<512x64xf32>
    %slice3A_272 = vector.extract_strided_slice %mul3A_266 {offsets = [0, 192], sizes = [512, 64], strides = [1, 1]} : vector<512x640xf32> to vector<512x64xf32>
    %add3A_273 = arith.addf %add3A_271, %slice3A_272 : vector<512x64xf32>
    %slice3A_274 = vector.extract_strided_slice %mul3A_266 {offsets = [0, 256], sizes = [512, 64], strides = [1, 1]} : vector<512x640xf32> to vector<512x64xf32>
    %add3A_275 = arith.addf %add3A_273, %slice3A_274 : vector<512x64xf32>
    %slice3A_276 = vector.extract_strided_slice %mul3A_266 {offsets = [0, 320], sizes = [512, 64], strides = [1, 1]} : vector<512x640xf32> to vector<512x64xf32>
    %add3A_277 = arith.addf %add3A_275, %slice3A_276 : vector<512x64xf32>
    %slice3A_278 = vector.extract_strided_slice %mul3A_266 {offsets = [0, 384], sizes = [512, 64], strides = [1, 1]} : vector<512x640xf32> to vector<512x64xf32>
    %add3A_279 = arith.addf %add3A_277, %slice3A_278 : vector<512x64xf32>
    %slice3A_280 = vector.extract_strided_slice %mul3A_266 {offsets = [0, 448], sizes = [512, 64], strides = [1, 1]} : vector<512x640xf32> to vector<512x64xf32>
    %add3A_281 = arith.addf %add3A_279, %slice3A_280 : vector<512x64xf32>
    %slice3A_282 = vector.extract_strided_slice %mul3A_266 {offsets = [0, 512], sizes = [512, 64], strides = [1, 1]} : vector<512x640xf32> to vector<512x64xf32>
    %add3A_283 = arith.addf %add3A_281, %slice3A_282 : vector<512x64xf32>
    %slice3A_284 = vector.extract_strided_slice %mul3A_266 {offsets = [0, 576], sizes = [512, 64], strides = [1, 1]} : vector<512x640xf32> to vector<512x64xf32>
    %add3A_285 = arith.addf %add3A_283, %slice3A_284 : vector<512x64xf32>
    %slice3A_286 = vector.extract_strided_slice %slice3A {offsets = [2560, 0], sizes = [512, 64], strides = [1, 1]} : vector<5120x64xf32> to vector<512x64xf32>
    %concatenate3A_287 = tpu.concatenate %slice3A_286, %slice3A_286, %slice3A_286, %slice3A_286, %slice3A_286, %slice3A_286, %slice3A_286, %slice3A_286, %slice3A_286, %slice3A_286 in 1 : vector<512x64xf32>, vector<512x64xf32>, vector<512x64xf32>, vector<512x64xf32>, vector<512x64xf32>, vector<512x64xf32>, vector<512x64xf32>, vector<512x64xf32>, vector<512x64xf32>, vector<512x64xf32> -> vector<512x640xf32>
    %mul3A_288 = arith.mulf %concatenate3A_287, %concatenate3A : vector<512x640xf32>
    %get3A_289 = arith.constant 0 : index
    %get3A_290 = arith.constant 0 : index
    %get3A_291 = vector.load %arg3[%get3A_289, %get3A_290] : memref<640x80xf32, #tpu.memory_space<vmem>>, vector<640x80xf32>
    %dot_general3A_292 = arith.constant dense<0.000000e+00> : vector<512x80xf32>
    %dot_general3A_293 = tpu.matmul %mul3A_288, %get3A_291, %dot_general3A_292 {dimension_numbers = #tpu.dot_dimension_numbers<[1], [0], [0], [1], [0, 0, 1, 1], [], []>, transpose_lhs_hint = false} : vector<512x640xf32>, vector<640x80xf32>, vector<512x80xf32> -> vector<512x80xf32>
    %reduce_max3A_294 = vector.shape_cast %dot_general3A_293 : vector<512x80xf32> to vector<1x512x80xf32>
    %reduce_max3A_295 = arith.constant dense<0xFF800000> : vector<1xf32>
    %reduce_max3A_296 = vector.multi_reduction <maximumf>, %reduce_max3A_294, %reduce_max3A_295 [1, 2] : vector<1x512x80xf32> to vector<1xf32>
    %reduce_max3A_297 = vector.shape_cast %reduce_max3A_296 : vector<1xf32> to vector<1x1x1xf32>
    %reduce_max3A_298 = vector.extract %reduce_max3A_297[0, 0, 0] : f32 from vector<1x1x1xf32>
    %sub3A_299 = arith.constant 3.000000e+01 : f32
    %sub3A_300 = arith.subf %reduce_max3A_298, %sub3A_299 : f32
    %max3A_301 = arith.constant 0.000000e+00 : f32
    %max3A_302 = arith.maximumf %sub3A_300, %max3A_301 : f32
    %sub3A_303 = vector.broadcast %max3A_302 : f32 to vector<512x80xf32>
    %sub3A_304 = arith.subf %dot_general3A_293, %sub3A_303 : vector<512x80xf32>
    %exp3A_305 = math.exp %sub3A_304 : vector<512x80xf32>
    %get3A_306 = arith.constant 0 : index
    %get3A_307 = arith.constant 0 : index
    %get3A_308 = vector.load %arg4[%get3A_306, %get3A_307] : memref<80x80xf32, #tpu.memory_space<vmem>>, vector<80x80xf32>
    %dot_general3A_309 = arith.constant dense<0.000000e+00> : vector<512x80xf32>
    %dot_general3A_310 = tpu.matmul %exp3A_305, %get3A_308, %dot_general3A_309 {dimension_numbers = #tpu.dot_dimension_numbers<[1], [0], [0], [1], [0, 0, 1, 1], [], []>, transpose_lhs_hint = false} : vector<512x80xf32>, vector<80x80xf32>, vector<512x80xf32> -> vector<512x80xf32>
    %div3A_311 = arith.divf %exp3A_305, %dot_general3A_310 : vector<512x80xf32>
    %get3A_312 = arith.constant 0 : index
    %get3A_313 = arith.constant 0 : index
    %get3A_314 = vector.load %arg5[%get3A_312, %get3A_313] : memref<80x640xf32, #tpu.memory_space<vmem>>, vector<80x640xf32>
    %dot_general3A_315 = arith.constant dense<0.000000e+00> : vector<512x640xf32>
    %dot_general3A_316 = tpu.matmul %div3A_311, %get3A_314, %dot_general3A_315 {dimension_numbers = #tpu.dot_dimension_numbers<[1], [0], [0], [1], [0, 0, 1, 1], [], []>, transpose_lhs_hint = false} : vector<512x80xf32>, vector<80x640xf32>, vector<512x640xf32> -> vector<512x640xf32>
    %mul3A_317 = arith.mulf %dot_general3A_316, %concatenate3A_36 : vector<512x640xf32>
    %slice3A_318 = vector.extract_strided_slice %mul3A_317 {offsets = [0, 0], sizes = [512, 64], strides = [1, 1]} : vector<512x640xf32> to vector<512x64xf32>
    %slice3A_319 = vector.extract_strided_slice %mul3A_317 {offsets = [0, 64], sizes = [512, 64], strides = [1, 1]} : vector<512x640xf32> to vector<512x64xf32>
    %add3A_320 = arith.addf %slice3A_318, %slice3A_319 : vector<512x64xf32>
    %slice3A_321 = vector.extract_strided_slice %mul3A_317 {offsets = [0, 128], sizes = [512, 64], strides = [1, 1]} : vector<512x640xf32> to vector<512x64xf32>
    %add3A_322 = arith.addf %add3A_320, %slice3A_321 : vector<512x64xf32>
    %slice3A_323 = vector.extract_strided_slice %mul3A_317 {offsets = [0, 192], sizes = [512, 64], strides = [1, 1]} : vector<512x640xf32> to vector<512x64xf32>
    %add3A_324 = arith.addf %add3A_322, %slice3A_323 : vector<512x64xf32>
    %slice3A_325 = vector.extract_strided_slice %mul3A_317 {offsets = [0, 256], sizes = [512, 64], strides = [1, 1]} : vector<512x640xf32> to vector<512x64xf32>
    %add3A_326 = arith.addf %add3A_324, %slice3A_325 : vector<512x64xf32>
    %slice3A_327 = vector.extract_strided_slice %mul3A_317 {offsets = [0, 320], sizes = [512, 64], strides = [1, 1]} : vector<512x640xf32> to vector<512x64xf32>
    %add3A_328 = arith.addf %add3A_326, %slice3A_327 : vector<512x64xf32>
    %slice3A_329 = vector.extract_strided_slice %mul3A_317 {offsets = [0, 384], sizes = [512, 64], strides = [1, 1]} : vector<512x640xf32> to vector<512x64xf32>
    %add3A_330 = arith.addf %add3A_328, %slice3A_329 : vector<512x64xf32>
    %slice3A_331 = vector.extract_strided_slice %mul3A_317 {offsets = [0, 448], sizes = [512, 64], strides = [1, 1]} : vector<512x640xf32> to vector<512x64xf32>
    %add3A_332 = arith.addf %add3A_330, %slice3A_331 : vector<512x64xf32>
    %slice3A_333 = vector.extract_strided_slice %mul3A_317 {offsets = [0, 512], sizes = [512, 64], strides = [1, 1]} : vector<512x640xf32> to vector<512x64xf32>
    %add3A_334 = arith.addf %add3A_332, %slice3A_333 : vector<512x64xf32>
    %slice3A_335 = vector.extract_strided_slice %mul3A_317 {offsets = [0, 576], sizes = [512, 64], strides = [1, 1]} : vector<512x640xf32> to vector<512x64xf32>
    %add3A_336 = arith.addf %add3A_334, %slice3A_335 : vector<512x64xf32>
    %slice3A_337 = vector.extract_strided_slice %slice3A {offsets = [3072, 0], sizes = [512, 64], strides = [1, 1]} : vector<5120x64xf32> to vector<512x64xf32>
    %concatenate3A_338 = tpu.concatenate %slice3A_337, %slice3A_337, %slice3A_337, %slice3A_337, %slice3A_337, %slice3A_337, %slice3A_337, %slice3A_337, %slice3A_337, %slice3A_337 in 1 : vector<512x64xf32>, vector<512x64xf32>, vector<512x64xf32>, vector<512x64xf32>, vector<512x64xf32>, vector<512x64xf32>, vector<512x64xf32>, vector<512x64xf32>, vector<512x64xf32>, vector<512x64xf32> -> vector<512x640xf32>
    %mul3A_339 = arith.mulf %concatenate3A_338, %concatenate3A : vector<512x640xf32>
    %get3A_340 = arith.constant 0 : index
    %get3A_341 = arith.constant 0 : index
    %get3A_342 = vector.load %arg3[%get3A_340, %get3A_341] : memref<640x80xf32, #tpu.memory_space<vmem>>, vector<640x80xf32>
    %dot_general3A_343 = arith.constant dense<0.000000e+00> : vector<512x80xf32>
    %dot_general3A_344 = tpu.matmul %mul3A_339, %get3A_342, %dot_general3A_343 {dimension_numbers = #tpu.dot_dimension_numbers<[1], [0], [0], [1], [0, 0, 1, 1], [], []>, transpose_lhs_hint = false} : vector<512x640xf32>, vector<640x80xf32>, vector<512x80xf32> -> vector<512x80xf32>
    %reduce_max3A_345 = vector.shape_cast %dot_general3A_344 : vector<512x80xf32> to vector<1x512x80xf32>
    %reduce_max3A_346 = arith.constant dense<0xFF800000> : vector<1xf32>
    %reduce_max3A_347 = vector.multi_reduction <maximumf>, %reduce_max3A_345, %reduce_max3A_346 [1, 2] : vector<1x512x80xf32> to vector<1xf32>
    %reduce_max3A_348 = vector.shape_cast %reduce_max3A_347 : vector<1xf32> to vector<1x1x1xf32>
    %reduce_max3A_349 = vector.extract %reduce_max3A_348[0, 0, 0] : f32 from vector<1x1x1xf32>
    %sub3A_350 = arith.constant 3.000000e+01 : f32
    %sub3A_351 = arith.subf %reduce_max3A_349, %sub3A_350 : f32
    %max3A_352 = arith.constant 0.000000e+00 : f32
    %max3A_353 = arith.maximumf %sub3A_351, %max3A_352 : f32
    %sub3A_354 = vector.broadcast %max3A_353 : f32 to vector<512x80xf32>
    %sub3A_355 = arith.subf %dot_general3A_344, %sub3A_354 : vector<512x80xf32>
    %exp3A_356 = math.exp %sub3A_355 : vector<512x80xf32>
    %get3A_357 = arith.constant 0 : index
    %get3A_358 = arith.constant 0 : index
    %get3A_359 = vector.load %arg4[%get3A_357, %get3A_358] : memref<80x80xf32, #tpu.memory_space<vmem>>, vector<80x80xf32>
    %dot_general3A_360 = arith.constant dense<0.000000e+00> : vector<512x80xf32>
    %dot_general3A_361 = tpu.matmul %exp3A_356, %get3A_359, %dot_general3A_360 {dimension_numbers = #tpu.dot_dimension_numbers<[1], [0], [0], [1], [0, 0, 1, 1], [], []>, transpose_lhs_hint = false} : vector<512x80xf32>, vector<80x80xf32>, vector<512x80xf32> -> vector<512x80xf32>
    %div3A_362 = arith.divf %exp3A_356, %dot_general3A_361 : vector<512x80xf32>
    %get3A_363 = arith.constant 0 : index
    %get3A_364 = arith.constant 0 : index
    %get3A_365 = vector.load %arg5[%get3A_363, %get3A_364] : memref<80x640xf32, #tpu.memory_space<vmem>>, vector<80x640xf32>
    %dot_general3A_366 = arith.constant dense<0.000000e+00> : vector<512x640xf32>
    %dot_general3A_367 = tpu.matmul %div3A_362, %get3A_365, %dot_general3A_366 {dimension_numbers = #tpu.dot_dimension_numbers<[1], [0], [0], [1], [0, 0, 1, 1], [], []>, transpose_lhs_hint = false} : vector<512x80xf32>, vector<80x640xf32>, vector<512x640xf32> -> vector<512x640xf32>
    %mul3A_368 = arith.mulf %dot_general3A_367, %concatenate3A_36 : vector<512x640xf32>
    %slice3A_369 = vector.extract_strided_slice %mul3A_368 {offsets = [0, 0], sizes = [512, 64], strides = [1, 1]} : vector<512x640xf32> to vector<512x64xf32>
    %slice3A_370 = vector.extract_strided_slice %mul3A_368 {offsets = [0, 64], sizes = [512, 64], strides = [1, 1]} : vector<512x640xf32> to vector<512x64xf32>
    %add3A_371 = arith.addf %slice3A_369, %slice3A_370 : vector<512x64xf32>
    %slice3A_372 = vector.extract_strided_slice %mul3A_368 {offsets = [0, 128], sizes = [512, 64], strides = [1, 1]} : vector<512x640xf32> to vector<512x64xf32>
    %add3A_373 = arith.addf %add3A_371, %slice3A_372 : vector<512x64xf32>
    %slice3A_374 = vector.extract_strided_slice %mul3A_368 {offsets = [0, 192], sizes = [512, 64], strides = [1, 1]} : vector<512x640xf32> to vector<512x64xf32>
    %add3A_375 = arith.addf %add3A_373, %slice3A_374 : vector<512x64xf32>
    %slice3A_376 = vector.extract_strided_slice %mul3A_368 {offsets = [0, 256], sizes = [512, 64], strides = [1, 1]} : vector<512x640xf32> to vector<512x64xf32>
    %add3A_377 = arith.addf %add3A_375, %slice3A_376 : vector<512x64xf32>
    %slice3A_378 = vector.extract_strided_slice %mul3A_368 {offsets = [0, 320], sizes = [512, 64], strides = [1, 1]} : vector<512x640xf32> to vector<512x64xf32>
    %add3A_379 = arith.addf %add3A_377, %slice3A_378 : vector<512x64xf32>
    %slice3A_380 = vector.extract_strided_slice %mul3A_368 {offsets = [0, 384], sizes = [512, 64], strides = [1, 1]} : vector<512x640xf32> to vector<512x64xf32>
    %add3A_381 = arith.addf %add3A_379, %slice3A_380 : vector<512x64xf32>
    %slice3A_382 = vector.extract_strided_slice %mul3A_368 {offsets = [0, 448], sizes = [512, 64], strides = [1, 1]} : vector<512x640xf32> to vector<512x64xf32>
    %add3A_383 = arith.addf %add3A_381, %slice3A_382 : vector<512x64xf32>
    %slice3A_384 = vector.extract_strided_slice %mul3A_368 {offsets = [0, 512], sizes = [512, 64], strides = [1, 1]} : vector<512x640xf32> to vector<512x64xf32>
    %add3A_385 = arith.addf %add3A_383, %slice3A_384 : vector<512x64xf32>
    %slice3A_386 = vector.extract_strided_slice %mul3A_368 {offsets = [0, 576], sizes = [512, 64], strides = [1, 1]} : vector<512x640xf32> to vector<512x64xf32>
    %add3A_387 = arith.addf %add3A_385, %slice3A_386 : vector<512x64xf32>
    %slice3A_388 = vector.extract_strided_slice %slice3A {offsets = [3584, 0], sizes = [512, 64], strides = [1, 1]} : vector<5120x64xf32> to vector<512x64xf32>
    %concatenate3A_389 = tpu.concatenate %slice3A_388, %slice3A_388, %slice3A_388, %slice3A_388, %slice3A_388, %slice3A_388, %slice3A_388, %slice3A_388, %slice3A_388, %slice3A_388 in 1 : vector<512x64xf32>, vector<512x64xf32>, vector<512x64xf32>, vector<512x64xf32>, vector<512x64xf32>, vector<512x64xf32>, vector<512x64xf32>, vector<512x64xf32>, vector<512x64xf32>, vector<512x64xf32> -> vector<512x640xf32>
    %mul3A_390 = arith.mulf %concatenate3A_389, %concatenate3A : vector<512x640xf32>
    %get3A_391 = arith.constant 0 : index
    %get3A_392 = arith.constant 0 : index
    %get3A_393 = vector.load %arg3[%get3A_391, %get3A_392] : memref<640x80xf32, #tpu.memory_space<vmem>>, vector<640x80xf32>
    %dot_general3A_394 = arith.constant dense<0.000000e+00> : vector<512x80xf32>
    %dot_general3A_395 = tpu.matmul %mul3A_390, %get3A_393, %dot_general3A_394 {dimension_numbers = #tpu.dot_dimension_numbers<[1], [0], [0], [1], [0, 0, 1, 1], [], []>, transpose_lhs_hint = false} : vector<512x640xf32>, vector<640x80xf32>, vector<512x80xf32> -> vector<512x80xf32>
    %reduce_max3A_396 = vector.shape_cast %dot_general3A_395 : vector<512x80xf32> to vector<1x512x80xf32>
    %reduce_max3A_397 = arith.constant dense<0xFF800000> : vector<1xf32>
    %reduce_max3A_398 = vector.multi_reduction <maximumf>, %reduce_max3A_396, %reduce_max3A_397 [1, 2] : vector<1x512x80xf32> to vector<1xf32>
    %reduce_max3A_399 = vector.shape_cast %reduce_max3A_398 : vector<1xf32> to vector<1x1x1xf32>
    %reduce_max3A_400 = vector.extract %reduce_max3A_399[0, 0, 0] : f32 from vector<1x1x1xf32>
    %sub3A_401 = arith.constant 3.000000e+01 : f32
    %sub3A_402 = arith.subf %reduce_max3A_400, %sub3A_401 : f32
    %max3A_403 = arith.constant 0.000000e+00 : f32
    %max3A_404 = arith.maximumf %sub3A_402, %max3A_403 : f32
    %sub3A_405 = vector.broadcast %max3A_404 : f32 to vector<512x80xf32>
    %sub3A_406 = arith.subf %dot_general3A_395, %sub3A_405 : vector<512x80xf32>
    %exp3A_407 = math.exp %sub3A_406 : vector<512x80xf32>
    %get3A_408 = arith.constant 0 : index
    %get3A_409 = arith.constant 0 : index
    %get3A_410 = vector.load %arg4[%get3A_408, %get3A_409] : memref<80x80xf32, #tpu.memory_space<vmem>>, vector<80x80xf32>
    %dot_general3A_411 = arith.constant dense<0.000000e+00> : vector<512x80xf32>
    %dot_general3A_412 = tpu.matmul %exp3A_407, %get3A_410, %dot_general3A_411 {dimension_numbers = #tpu.dot_dimension_numbers<[1], [0], [0], [1], [0, 0, 1, 1], [], []>, transpose_lhs_hint = false} : vector<512x80xf32>, vector<80x80xf32>, vector<512x80xf32> -> vector<512x80xf32>
    %div3A_413 = arith.divf %exp3A_407, %dot_general3A_412 : vector<512x80xf32>
    %get3A_414 = arith.constant 0 : index
    %get3A_415 = arith.constant 0 : index
    %get3A_416 = vector.load %arg5[%get3A_414, %get3A_415] : memref<80x640xf32, #tpu.memory_space<vmem>>, vector<80x640xf32>
    %dot_general3A_417 = arith.constant dense<0.000000e+00> : vector<512x640xf32>
    %dot_general3A_418 = tpu.matmul %div3A_413, %get3A_416, %dot_general3A_417 {dimension_numbers = #tpu.dot_dimension_numbers<[1], [0], [0], [1], [0, 0, 1, 1], [], []>, transpose_lhs_hint = false} : vector<512x80xf32>, vector<80x640xf32>, vector<512x640xf32> -> vector<512x640xf32>
    %mul3A_419 = arith.mulf %dot_general3A_418, %concatenate3A_36 : vector<512x640xf32>
    %slice3A_420 = vector.extract_strided_slice %mul3A_419 {offsets = [0, 0], sizes = [512, 64], strides = [1, 1]} : vector<512x640xf32> to vector<512x64xf32>
    %slice3A_421 = vector.extract_strided_slice %mul3A_419 {offsets = [0, 64], sizes = [512, 64], strides = [1, 1]} : vector<512x640xf32> to vector<512x64xf32>
    %add3A_422 = arith.addf %slice3A_420, %slice3A_421 : vector<512x64xf32>
    %slice3A_423 = vector.extract_strided_slice %mul3A_419 {offsets = [0, 128], sizes = [512, 64], strides = [1, 1]} : vector<512x640xf32> to vector<512x64xf32>
    %add3A_424 = arith.addf %add3A_422, %slice3A_423 : vector<512x64xf32>
    %slice3A_425 = vector.extract_strided_slice %mul3A_419 {offsets = [0, 192], sizes = [512, 64], strides = [1, 1]} : vector<512x640xf32> to vector<512x64xf32>
    %add3A_426 = arith.addf %add3A_424, %slice3A_425 : vector<512x64xf32>
    %slice3A_427 = vector.extract_strided_slice %mul3A_419 {offsets = [0, 256], sizes = [512, 64], strides = [1, 1]} : vector<512x640xf32> to vector<512x64xf32>
    %add3A_428 = arith.addf %add3A_426, %slice3A_427 : vector<512x64xf32>
    %slice3A_429 = vector.extract_strided_slice %mul3A_419 {offsets = [0, 320], sizes = [512, 64], strides = [1, 1]} : vector<512x640xf32> to vector<512x64xf32>
    %add3A_430 = arith.addf %add3A_428, %slice3A_429 : vector<512x64xf32>
    %slice3A_431 = vector.extract_strided_slice %mul3A_419 {offsets = [0, 384], sizes = [512, 64], strides = [1, 1]} : vector<512x640xf32> to vector<512x64xf32>
    %add3A_432 = arith.addf %add3A_430, %slice3A_431 : vector<512x64xf32>
    %slice3A_433 = vector.extract_strided_slice %mul3A_419 {offsets = [0, 448], sizes = [512, 64], strides = [1, 1]} : vector<512x640xf32> to vector<512x64xf32>
    %add3A_434 = arith.addf %add3A_432, %slice3A_433 : vector<512x64xf32>
    %slice3A_435 = vector.extract_strided_slice %mul3A_419 {offsets = [0, 512], sizes = [512, 64], strides = [1, 1]} : vector<512x640xf32> to vector<512x64xf32>
    %add3A_436 = arith.addf %add3A_434, %slice3A_435 : vector<512x64xf32>
    %slice3A_437 = vector.extract_strided_slice %mul3A_419 {offsets = [0, 576], sizes = [512, 64], strides = [1, 1]} : vector<512x640xf32> to vector<512x64xf32>
    %add3A_438 = arith.addf %add3A_436, %slice3A_437 : vector<512x64xf32>
    %slice3A_439 = vector.extract_strided_slice %slice3A {offsets = [4096, 0], sizes = [512, 64], strides = [1, 1]} : vector<5120x64xf32> to vector<512x64xf32>
    %concatenate3A_440 = tpu.concatenate %slice3A_439, %slice3A_439, %slice3A_439, %slice3A_439, %slice3A_439, %slice3A_439, %slice3A_439, %slice3A_439, %slice3A_439, %slice3A_439 in 1 : vector<512x64xf32>, vector<512x64xf32>, vector<512x64xf32>, vector<512x64xf32>, vector<512x64xf32>, vector<512x64xf32>, vector<512x64xf32>, vector<512x64xf32>, vector<512x64xf32>, vector<512x64xf32> -> vector<512x640xf32>
    %mul3A_441 = arith.mulf %concatenate3A_440, %concatenate3A : vector<512x640xf32>
    %get3A_442 = arith.constant 0 : index
    %get3A_443 = arith.constant 0 : index
    %get3A_444 = vector.load %arg3[%get3A_442, %get3A_443] : memref<640x80xf32, #tpu.memory_space<vmem>>, vector<640x80xf32>
    %dot_general3A_445 = arith.constant dense<0.000000e+00> : vector<512x80xf32>
    %dot_general3A_446 = tpu.matmul %mul3A_441, %get3A_444, %dot_general3A_445 {dimension_numbers = #tpu.dot_dimension_numbers<[1], [0], [0], [1], [0, 0, 1, 1], [], []>, transpose_lhs_hint = false} : vector<512x640xf32>, vector<640x80xf32>, vector<512x80xf32> -> vector<512x80xf32>
    %reduce_max3A_447 = vector.shape_cast %dot_general3A_446 : vector<512x80xf32> to vector<1x512x80xf32>
    %reduce_max3A_448 = arith.constant dense<0xFF800000> : vector<1xf32>
    %reduce_max3A_449 = vector.multi_reduction <maximumf>, %reduce_max3A_447, %reduce_max3A_448 [1, 2] : vector<1x512x80xf32> to vector<1xf32>
    %reduce_max3A_450 = vector.shape_cast %reduce_max3A_449 : vector<1xf32> to vector<1x1x1xf32>
    %reduce_max3A_451 = vector.extract %reduce_max3A_450[0, 0, 0] : f32 from vector<1x1x1xf32>
    %sub3A_452 = arith.constant 3.000000e+01 : f32
    %sub3A_453 = arith.subf %reduce_max3A_451, %sub3A_452 : f32
    %max3A_454 = arith.constant 0.000000e+00 : f32
    %max3A_455 = arith.maximumf %sub3A_453, %max3A_454 : f32
    %sub3A_456 = vector.broadcast %max3A_455 : f32 to vector<512x80xf32>
    %sub3A_457 = arith.subf %dot_general3A_446, %sub3A_456 : vector<512x80xf32>
    %exp3A_458 = math.exp %sub3A_457 : vector<512x80xf32>
    %get3A_459 = arith.constant 0 : index
    %get3A_460 = arith.constant 0 : index
    %get3A_461 = vector.load %arg4[%get3A_459, %get3A_460] : memref<80x80xf32, #tpu.memory_space<vmem>>, vector<80x80xf32>
    %dot_general3A_462 = arith.constant dense<0.000000e+00> : vector<512x80xf32>
    %dot_general3A_463 = tpu.matmul %exp3A_458, %get3A_461, %dot_general3A_462 {dimension_numbers = #tpu.dot_dimension_numbers<[1], [0], [0], [1], [0, 0, 1, 1], [], []>, transpose_lhs_hint = false} : vector<512x80xf32>, vector<80x80xf32>, vector<512x80xf32> -> vector<512x80xf32>
    %div3A_464 = arith.divf %exp3A_458, %dot_general3A_463 : vector<512x80xf32>
    %get3A_465 = arith.constant 0 : index
    %get3A_466 = arith.constant 0 : index
    %get3A_467 = vector.load %arg5[%get3A_465, %get3A_466] : memref<80x640xf32, #tpu.memory_space<vmem>>, vector<80x640xf32>
    %dot_general3A_468 = arith.constant dense<0.000000e+00> : vector<512x640xf32>
    %dot_general3A_469 = tpu.matmul %div3A_464, %get3A_467, %dot_general3A_468 {dimension_numbers = #tpu.dot_dimension_numbers<[1], [0], [0], [1], [0, 0, 1, 1], [], []>, transpose_lhs_hint = false} : vector<512x80xf32>, vector<80x640xf32>, vector<512x640xf32> -> vector<512x640xf32>
    %mul3A_470 = arith.mulf %dot_general3A_469, %concatenate3A_36 : vector<512x640xf32>
    %slice3A_471 = vector.extract_strided_slice %mul3A_470 {offsets = [0, 0], sizes = [512, 64], strides = [1, 1]} : vector<512x640xf32> to vector<512x64xf32>
    %slice3A_472 = vector.extract_strided_slice %mul3A_470 {offsets = [0, 64], sizes = [512, 64], strides = [1, 1]} : vector<512x640xf32> to vector<512x64xf32>
    %add3A_473 = arith.addf %slice3A_471, %slice3A_472 : vector<512x64xf32>
    %slice3A_474 = vector.extract_strided_slice %mul3A_470 {offsets = [0, 128], sizes = [512, 64], strides = [1, 1]} : vector<512x640xf32> to vector<512x64xf32>
    %add3A_475 = arith.addf %add3A_473, %slice3A_474 : vector<512x64xf32>
    %slice3A_476 = vector.extract_strided_slice %mul3A_470 {offsets = [0, 192], sizes = [512, 64], strides = [1, 1]} : vector<512x640xf32> to vector<512x64xf32>
    %add3A_477 = arith.addf %add3A_475, %slice3A_476 : vector<512x64xf32>
    %slice3A_478 = vector.extract_strided_slice %mul3A_470 {offsets = [0, 256], sizes = [512, 64], strides = [1, 1]} : vector<512x640xf32> to vector<512x64xf32>
    %add3A_479 = arith.addf %add3A_477, %slice3A_478 : vector<512x64xf32>
    %slice3A_480 = vector.extract_strided_slice %mul3A_470 {offsets = [0, 320], sizes = [512, 64], strides = [1, 1]} : vector<512x640xf32> to vector<512x64xf32>
    %add3A_481 = arith.addf %add3A_479, %slice3A_480 : vector<512x64xf32>
    %slice3A_482 = vector.extract_strided_slice %mul3A_470 {offsets = [0, 384], sizes = [512, 64], strides = [1, 1]} : vector<512x640xf32> to vector<512x64xf32>
    %add3A_483 = arith.addf %add3A_481, %slice3A_482 : vector<512x64xf32>
    %slice3A_484 = vector.extract_strided_slice %mul3A_470 {offsets = [0, 448], sizes = [512, 64], strides = [1, 1]} : vector<512x640xf32> to vector<512x64xf32>
    %add3A_485 = arith.addf %add3A_483, %slice3A_484 : vector<512x64xf32>
    %slice3A_486 = vector.extract_strided_slice %mul3A_470 {offsets = [0, 512], sizes = [512, 64], strides = [1, 1]} : vector<512x640xf32> to vector<512x64xf32>
    %add3A_487 = arith.addf %add3A_485, %slice3A_486 : vector<512x64xf32>
    %slice3A_488 = vector.extract_strided_slice %mul3A_470 {offsets = [0, 576], sizes = [512, 64], strides = [1, 1]} : vector<512x640xf32> to vector<512x64xf32>
    %add3A_489 = arith.addf %add3A_487, %slice3A_488 : vector<512x64xf32>
    %slice3A_490 = vector.extract_strided_slice %slice3A {offsets = [4608, 0], sizes = [512, 64], strides = [1, 1]} : vector<5120x64xf32> to vector<512x64xf32>
    %concatenate3A_491 = tpu.concatenate %slice3A_490, %slice3A_490, %slice3A_490, %slice3A_490, %slice3A_490, %slice3A_490, %slice3A_490, %slice3A_490, %slice3A_490, %slice3A_490 in 1 : vector<512x64xf32>, vector<512x64xf32>, vector<512x64xf32>, vector<512x64xf32>, vector<512x64xf32>, vector<512x64xf32>, vector<512x64xf32>, vector<512x64xf32>, vector<512x64xf32>, vector<512x64xf32> -> vector<512x640xf32>
    %mul3A_492 = arith.mulf %concatenate3A_491, %concatenate3A : vector<512x640xf32>
    %get3A_493 = arith.constant 0 : index
    %get3A_494 = arith.constant 0 : index
    %get3A_495 = vector.load %arg3[%get3A_493, %get3A_494] : memref<640x80xf32, #tpu.memory_space<vmem>>, vector<640x80xf32>
    %dot_general3A_496 = arith.constant dense<0.000000e+00> : vector<512x80xf32>
    %dot_general3A_497 = tpu.matmul %mul3A_492, %get3A_495, %dot_general3A_496 {dimension_numbers = #tpu.dot_dimension_numbers<[1], [0], [0], [1], [0, 0, 1, 1], [], []>, transpose_lhs_hint = false} : vector<512x640xf32>, vector<640x80xf32>, vector<512x80xf32> -> vector<512x80xf32>
    %reduce_max3A_498 = vector.shape_cast %dot_general3A_497 : vector<512x80xf32> to vector<1x512x80xf32>
    %reduce_max3A_499 = arith.constant dense<0xFF800000> : vector<1xf32>
    %reduce_max3A_500 = vector.multi_reduction <maximumf>, %reduce_max3A_498, %reduce_max3A_499 [1, 2] : vector<1x512x80xf32> to vector<1xf32>
    %reduce_max3A_501 = vector.shape_cast %reduce_max3A_500 : vector<1xf32> to vector<1x1x1xf32>
    %reduce_max3A_502 = vector.extract %reduce_max3A_501[0, 0, 0] : f32 from vector<1x1x1xf32>
    %sub3A_503 = arith.constant 3.000000e+01 : f32
    %sub3A_504 = arith.subf %reduce_max3A_502, %sub3A_503 : f32
    %max3A_505 = arith.constant 0.000000e+00 : f32
    %max3A_506 = arith.maximumf %sub3A_504, %max3A_505 : f32
    %sub3A_507 = vector.broadcast %max3A_506 : f32 to vector<512x80xf32>
    %sub3A_508 = arith.subf %dot_general3A_497, %sub3A_507 : vector<512x80xf32>
    %exp3A_509 = math.exp %sub3A_508 : vector<512x80xf32>
    %get3A_510 = arith.constant 0 : index
    %get3A_511 = arith.constant 0 : index
    %get3A_512 = vector.load %arg4[%get3A_510, %get3A_511] : memref<80x80xf32, #tpu.memory_space<vmem>>, vector<80x80xf32>
    %dot_general3A_513 = arith.constant dense<0.000000e+00> : vector<512x80xf32>
    %dot_general3A_514 = tpu.matmul %exp3A_509, %get3A_512, %dot_general3A_513 {dimension_numbers = #tpu.dot_dimension_numbers<[1], [0], [0], [1], [0, 0, 1, 1], [], []>, transpose_lhs_hint = false} : vector<512x80xf32>, vector<80x80xf32>, vector<512x80xf32> -> vector<512x80xf32>
    %div3A_515 = arith.divf %exp3A_509, %dot_general3A_514 : vector<512x80xf32>
    %get3A_516 = arith.constant 0 : index
    %get3A_517 = arith.constant 0 : index
    %get3A_518 = vector.load %arg5[%get3A_516, %get3A_517] : memref<80x640xf32, #tpu.memory_space<vmem>>, vector<80x640xf32>
    %dot_general3A_519 = arith.constant dense<0.000000e+00> : vector<512x640xf32>
    %dot_general3A_520 = tpu.matmul %div3A_515, %get3A_518, %dot_general3A_519 {dimension_numbers = #tpu.dot_dimension_numbers<[1], [0], [0], [1], [0, 0, 1, 1], [], []>, transpose_lhs_hint = false} : vector<512x80xf32>, vector<80x640xf32>, vector<512x640xf32> -> vector<512x640xf32>
    %mul3A_521 = arith.mulf %dot_general3A_520, %concatenate3A_36 : vector<512x640xf32>
    %slice3A_522 = vector.extract_strided_slice %mul3A_521 {offsets = [0, 0], sizes = [512, 64], strides = [1, 1]} : vector<512x640xf32> to vector<512x64xf32>
    %slice3A_523 = vector.extract_strided_slice %mul3A_521 {offsets = [0, 64], sizes = [512, 64], strides = [1, 1]} : vector<512x640xf32> to vector<512x64xf32>
    %add3A_524 = arith.addf %slice3A_522, %slice3A_523 : vector<512x64xf32>
    %slice3A_525 = vector.extract_strided_slice %mul3A_521 {offsets = [0, 128], sizes = [512, 64], strides = [1, 1]} : vector<512x640xf32> to vector<512x64xf32>
    %add3A_526 = arith.addf %add3A_524, %slice3A_525 : vector<512x64xf32>
    %slice3A_527 = vector.extract_strided_slice %mul3A_521 {offsets = [0, 192], sizes = [512, 64], strides = [1, 1]} : vector<512x640xf32> to vector<512x64xf32>
    %add3A_528 = arith.addf %add3A_526, %slice3A_527 : vector<512x64xf32>
    %slice3A_529 = vector.extract_strided_slice %mul3A_521 {offsets = [0, 256], sizes = [512, 64], strides = [1, 1]} : vector<512x640xf32> to vector<512x64xf32>
    %add3A_530 = arith.addf %add3A_528, %slice3A_529 : vector<512x64xf32>
    %slice3A_531 = vector.extract_strided_slice %mul3A_521 {offsets = [0, 320], sizes = [512, 64], strides = [1, 1]} : vector<512x640xf32> to vector<512x64xf32>
    %add3A_532 = arith.addf %add3A_530, %slice3A_531 : vector<512x64xf32>
    %slice3A_533 = vector.extract_strided_slice %mul3A_521 {offsets = [0, 384], sizes = [512, 64], strides = [1, 1]} : vector<512x640xf32> to vector<512x64xf32>
    %add3A_534 = arith.addf %add3A_532, %slice3A_533 : vector<512x64xf32>
    %slice3A_535 = vector.extract_strided_slice %mul3A_521 {offsets = [0, 448], sizes = [512, 64], strides = [1, 1]} : vector<512x640xf32> to vector<512x64xf32>
    %add3A_536 = arith.addf %add3A_534, %slice3A_535 : vector<512x64xf32>
    %slice3A_537 = vector.extract_strided_slice %mul3A_521 {offsets = [0, 512], sizes = [512, 64], strides = [1, 1]} : vector<512x640xf32> to vector<512x64xf32>
    %add3A_538 = arith.addf %add3A_536, %slice3A_537 : vector<512x64xf32>
    %slice3A_539 = vector.extract_strided_slice %mul3A_521 {offsets = [0, 576], sizes = [512, 64], strides = [1, 1]} : vector<512x640xf32> to vector<512x64xf32>
    %add3A_540 = arith.addf %add3A_538, %slice3A_539 : vector<512x64xf32>
    %concatenate3A_541 = tpu.concatenate %add3A_81, %add3A_132, %add3A_183, %add3A_234, %add3A_285, %add3A_336, %add3A_387, %add3A_438, %add3A_489, %add3A_540 in 0 : vector<512x64xf32>, vector<512x64xf32>, vector<512x64xf32>, vector<512x64xf32>, vector<512x64xf32>, vector<512x64xf32>, vector<512x64xf32>, vector<512x64xf32>, vector<512x64xf32>, vector<512x64xf32> -> vector<5120x64xf32>
    %get3A_542 = arith.constant 0 : index
    %get3A_543 = arith.constant 0 : index
    %get3A_544 = vector.load %arg8[%get3A_542, %get3A_543] : memref<64x64xf32, #tpu.memory_space<vmem>>, vector<64x64xf32>
    %dot_general3A_545 = arith.constant dense<0.000000e+00> : vector<5120x64xf32>
    %dot_general3A_546 = tpu.matmul %concatenate3A_541, %get3A_544, %dot_general3A_545 {dimension_numbers = #tpu.dot_dimension_numbers<[1], [0], [0], [1], [0, 0, 1, 1], [], []>, transpose_lhs_hint = false} : vector<5120x64xf32>, vector<64x64xf32>, vector<5120x64xf32> -> vector<5120x64xf32>
    %get3A_547 = arith.constant 0 : index
    %get3A_548 = arith.constant 0 : index
    %get3A_549 = vector.load %arg9[%get3A_547, %get3A_548] : memref<1x64xf32, #tpu.memory_space<vmem>>, vector<1x64xf32>
    %add3A_550 = vector.broadcast %get3A_549 : vector<1x64xf32> to vector<5120x64xf32>
    %add3A_551 = arith.addf %dot_general3A_546, %add3A_550 : vector<5120x64xf32>
    %add3A_552 = arith.addf %add3A, %add3A_551 : vector<5120x64xf32>
    %get3A_553 = arith.constant 0 : index
    %get3A_554 = arith.constant 0 : index
    %get3A_555 = vector.load %arg10[%get3A_553, %get3A_554] : memref<2x64xf32, #tpu.memory_space<vmem>>, vector<1x64xf32>
    %get3A_556 = arith.constant 1 : index
    %get3A_557 = arith.constant 0 : index
    %get3A_558 = vector.load %arg10[%get3A_556, %get3A_557] : memref<2x64xf32, #tpu.memory_space<vmem>>, vector<1x64xf32>
    %reduce_sum3A = arith.constant dense<0.000000e+00> : vector<5120xf32>
    %reduce_sum3A_559 = vector.multi_reduction <add>, %add3A_552, %reduce_sum3A [1] : vector<5120x64xf32> to vector<5120xf32>
    %broadcast_in_dim3A = vector.shape_cast %reduce_sum3A_559 : vector<5120xf32> to vector<5120x1xf32>
    %div3A_560 = arith.constant 6.400000e+01 : f32
    %div3A_561 = vector.broadcast %div3A_560 : f32 to vector<5120x1xf32>
    %div3A_562 = arith.divf %broadcast_in_dim3A, %div3A_561 : vector<5120x1xf32>
    %jit3A = arith.constant 0 : i32
    %reduce_sum3A_563 = arith.constant dense<0.000000e+00> : vector<5120xf32>
    %reduce_sum3A_564 = vector.multi_reduction <add>, %add3A_552, %reduce_sum3A_563 [1] : vector<5120x64xf32> to vector<5120xf32>
    %broadcast_in_dim3A_565 = vector.shape_cast %reduce_sum3A_564 : vector<5120xf32> to vector<5120x1xf32>
    %div3A_566 = arith.constant 6.400000e+01 : f32
    %div3A_567 = vector.broadcast %div3A_566 : f32 to vector<5120x1xf32>
    %div3A_568 = arith.divf %broadcast_in_dim3A_565, %div3A_567 : vector<5120x1xf32>
    %sub3A_569 = vector.broadcast %div3A_568 : vector<5120x1xf32> to vector<5120x64xf32>
    %sub3A_570 = arith.subf %add3A_552, %sub3A_569 : vector<5120x64xf32>
    %square3A = arith.mulf %sub3A_570, %sub3A_570 : vector<5120x64xf32>
    %convert_element_type3A = arith.sitofp %jit3A : i32 to f32
    %sub3A_571 = arith.constant 6.400000e+01 : f32
    %sub3A_572 = arith.subf %sub3A_571, %convert_element_type3A : f32
    %reduce_sum3A_573 = arith.constant dense<0.000000e+00> : vector<5120xf32>
    %reduce_sum3A_574 = vector.multi_reduction <add>, %square3A, %reduce_sum3A_573 [1] : vector<5120x64xf32> to vector<5120xf32>
    %broadcast_in_dim3A_575 = vector.shape_cast %reduce_sum3A_574 : vector<5120xf32> to vector<5120x1xf32>
    %div3A_576 = vector.broadcast %sub3A_572 : f32 to vector<5120x1xf32>
    %div3A_577 = arith.divf %broadcast_in_dim3A_575, %div3A_576 : vector<5120x1xf32>
    %gt3A = arith.constant 0.000000e+00 : f32
    %gt3A_578 = arith.cmpf ogt, %sub3A_572, %gt3A : f32
    %jit3A_579 = arith.constant 0x7FC00000 : f32
    %broadcast_in_dim3A_580 = vector.broadcast %jit3A_579 : f32 to vector<5120x1xf32>
    %select_n3A = arith.select %gt3A_578, %div3A_577, %broadcast_in_dim3A_580 : vector<5120x1xf32>
    %sub3A_581 = vector.broadcast %div3A_562 : vector<5120x1xf32> to vector<5120x64xf32>
    %sub3A_582 = arith.subf %add3A_552, %sub3A_581 : vector<5120x64xf32>
    %add3A_583 = arith.constant 9.99999974E-6 : f32
    %add3A_584 = vector.broadcast %add3A_583 : f32 to vector<5120x1xf32>
    %add3A_585 = arith.addf %select_n3A, %add3A_584 : vector<5120x1xf32>
    %sqrt3A = math.sqrt %add3A_585 : vector<5120x1xf32>
    %div3A_586 = vector.broadcast %sqrt3A : vector<5120x1xf32> to vector<5120x64xf32>
    %div3A_587 = arith.divf %sub3A_582, %div3A_586 : vector<5120x64xf32>
    %mul3A_588 = vector.broadcast %get3A_555 : vector<1x64xf32> to vector<5120x64xf32>
    %mul3A_589 = arith.mulf %div3A_587, %mul3A_588 : vector<5120x64xf32>
    %add3A_590 = vector.broadcast %get3A_558 : vector<1x64xf32> to vector<5120x64xf32>
    %add3A_591 = arith.addf %mul3A_589, %add3A_590 : vector<5120x64xf32>
    %get3A_592 = arith.constant 0 : index
    %get3A_593 = arith.constant 0 : index
    %get3A_594 = vector.load %arg12[%get3A_592, %get3A_593] : memref<64x256xf32, #tpu.memory_space<vmem>>, vector<64x256xf32>
    %dot_general3A_595 = arith.constant dense<0.000000e+00> : vector<5120x256xf32>
    %dot_general3A_596 = tpu.matmul %add3A_591, %get3A_594, %dot_general3A_595 {dimension_numbers = #tpu.dot_dimension_numbers<[1], [0], [0], [1], [0, 0, 1, 1], [], []>, transpose_lhs_hint = false} : vector<5120x64xf32>, vector<64x256xf32>, vector<5120x256xf32> -> vector<5120x256xf32>
    %get3A_597 = arith.constant 0 : index
    %get3A_598 = arith.constant 0 : index
    %get3A_599 = vector.load %arg13[%get3A_597, %get3A_598] : memref<1x256xf32, #tpu.memory_space<vmem>>, vector<1x256xf32>
    %add3A_600 = vector.broadcast %get3A_599 : vector<1x256xf32> to vector<5120x256xf32>
    %add3A_601 = arith.addf %dot_general3A_596, %add3A_600 : vector<5120x256xf32>
    %max3A_602 = arith.constant 0.000000e+00 : f32
    %max3A_603 = vector.broadcast %max3A_602 : f32 to vector<5120x256xf32>
    %max3A_604 = arith.maximumf %add3A_601, %max3A_603 : vector<5120x256xf32>
    %get3A_605 = arith.constant 0 : index
    %get3A_606 = arith.constant 0 : index
    %get3A_607 = vector.load %arg14[%get3A_605, %get3A_606] : memref<256x64xf32, #tpu.memory_space<vmem>>, vector<256x64xf32>
    %dot_general3A_608 = arith.constant dense<0.000000e+00> : vector<5120x64xf32>
    %dot_general3A_609 = tpu.matmul %max3A_604, %get3A_607, %dot_general3A_608 {dimension_numbers = #tpu.dot_dimension_numbers<[1], [0], [0], [1], [0, 0, 1, 1], [], []>, transpose_lhs_hint = false} : vector<5120x256xf32>, vector<256x64xf32>, vector<5120x64xf32> -> vector<5120x64xf32>
    %get3A_610 = arith.constant 0 : index
    %get3A_611 = arith.constant 0 : index
    %get3A_612 = vector.load %arg15[%get3A_610, %get3A_611] : memref<1x64xf32, #tpu.memory_space<vmem>>, vector<1x64xf32>
    %add3A_613 = vector.broadcast %get3A_612 : vector<1x64xf32> to vector<5120x64xf32>
    %add3A_614 = arith.addf %dot_general3A_609, %add3A_613 : vector<5120x64xf32>
    %add3A_615 = arith.addf %add3A_591, %add3A_614 : vector<5120x64xf32>
    %get3A_616 = arith.constant 0 : index
    %get3A_617 = arith.constant 0 : index
    %get3A_618 = vector.load %arg11[%get3A_616, %get3A_617] : memref<2x64xf32, #tpu.memory_space<vmem>>, vector<1x64xf32>
    %get3A_619 = arith.constant 1 : index
    %get3A_620 = arith.constant 0 : index
    %get3A_621 = vector.load %arg11[%get3A_619, %get3A_620] : memref<2x64xf32, #tpu.memory_space<vmem>>, vector<1x64xf32>
    %reduce_sum3A_622 = arith.constant dense<0.000000e+00> : vector<5120xf32>
    %reduce_sum3A_623 = vector.multi_reduction <add>, %add3A_615, %reduce_sum3A_622 [1] : vector<5120x64xf32> to vector<5120xf32>
    %broadcast_in_dim3A_624 = vector.shape_cast %reduce_sum3A_623 : vector<5120xf32> to vector<5120x1xf32>
    %div3A_625 = arith.constant 6.400000e+01 : f32
    %div3A_626 = vector.broadcast %div3A_625 : f32 to vector<5120x1xf32>
    %div3A_627 = arith.divf %broadcast_in_dim3A_624, %div3A_626 : vector<5120x1xf32>
    %jit3A_628 = arith.constant 0 : i32
    %reduce_sum3A_629 = arith.constant dense<0.000000e+00> : vector<5120xf32>
    %reduce_sum3A_630 = vector.multi_reduction <add>, %add3A_615, %reduce_sum3A_629 [1] : vector<5120x64xf32> to vector<5120xf32>
    %broadcast_in_dim3A_631 = vector.shape_cast %reduce_sum3A_630 : vector<5120xf32> to vector<5120x1xf32>
    %div3A_632 = arith.constant 6.400000e+01 : f32
    %div3A_633 = vector.broadcast %div3A_632 : f32 to vector<5120x1xf32>
    %div3A_634 = arith.divf %broadcast_in_dim3A_631, %div3A_633 : vector<5120x1xf32>
    %sub3A_635 = vector.broadcast %div3A_634 : vector<5120x1xf32> to vector<5120x64xf32>
    %sub3A_636 = arith.subf %add3A_615, %sub3A_635 : vector<5120x64xf32>
    %square3A_637 = arith.mulf %sub3A_636, %sub3A_636 : vector<5120x64xf32>
    %convert_element_type3A_638 = arith.sitofp %jit3A_628 : i32 to f32
    %sub3A_639 = arith.constant 6.400000e+01 : f32
    %sub3A_640 = arith.subf %sub3A_639, %convert_element_type3A_638 : f32
    %reduce_sum3A_641 = arith.constant dense<0.000000e+00> : vector<5120xf32>
    %reduce_sum3A_642 = vector.multi_reduction <add>, %square3A_637, %reduce_sum3A_641 [1] : vector<5120x64xf32> to vector<5120xf32>
    %broadcast_in_dim3A_643 = vector.shape_cast %reduce_sum3A_642 : vector<5120xf32> to vector<5120x1xf32>
    %div3A_644 = vector.broadcast %sub3A_640 : f32 to vector<5120x1xf32>
    %div3A_645 = arith.divf %broadcast_in_dim3A_643, %div3A_644 : vector<5120x1xf32>
    %gt3A_646 = arith.constant 0.000000e+00 : f32
    %gt3A_647 = arith.cmpf ogt, %sub3A_640, %gt3A_646 : f32
    %jit3A_648 = arith.constant 0x7FC00000 : f32
    %broadcast_in_dim3A_649 = vector.broadcast %jit3A_648 : f32 to vector<5120x1xf32>
    %select_n3A_650 = arith.select %gt3A_647, %div3A_645, %broadcast_in_dim3A_649 : vector<5120x1xf32>
    %sub3A_651 = vector.broadcast %div3A_627 : vector<5120x1xf32> to vector<5120x64xf32>
    %sub3A_652 = arith.subf %add3A_615, %sub3A_651 : vector<5120x64xf32>
    %add3A_653 = arith.constant 9.99999974E-6 : f32
    %add3A_654 = vector.broadcast %add3A_653 : f32 to vector<5120x1xf32>
    %add3A_655 = arith.addf %select_n3A_650, %add3A_654 : vector<5120x1xf32>
    %sqrt3A_656 = math.sqrt %add3A_655 : vector<5120x1xf32>
    %div3A_657 = vector.broadcast %sqrt3A_656 : vector<5120x1xf32> to vector<5120x64xf32>
    %div3A_658 = arith.divf %sub3A_652, %div3A_657 : vector<5120x64xf32>
    %mul3A_659 = vector.broadcast %get3A_618 : vector<1x64xf32> to vector<5120x64xf32>
    %mul3A_660 = arith.mulf %div3A_658, %mul3A_659 : vector<5120x64xf32>
    %add3A_661 = vector.broadcast %get3A_621 : vector<1x64xf32> to vector<5120x64xf32>
    %add3A_662 = arith.addf %mul3A_660, %add3A_661 : vector<5120x64xf32>
    %get3A_663 = arith.constant 0 : index
    %get3A_664 = arith.constant 0 : index
    %get3A_665 = vector.load %arg16[%get3A_663, %get3A_664] : memref<64x192xf32, #tpu.memory_space<vmem>>, vector<64x192xf32>
    %dot_general3A_666 = arith.constant dense<0.000000e+00> : vector<5120x192xf32>
    %dot_general3A_667 = tpu.matmul %add3A_662, %get3A_665, %dot_general3A_666 {dimension_numbers = #tpu.dot_dimension_numbers<[1], [0], [0], [1], [0, 0, 1, 1], [], []>, transpose_lhs_hint = false} : vector<5120x64xf32>, vector<64x192xf32>, vector<5120x192xf32> -> vector<5120x192xf32>
    %get3A_668 = arith.constant 0 : index
    %get3A_669 = arith.constant 0 : index
    %get3A_670 = vector.load %arg17[%get3A_668, %get3A_669] : memref<1x192xf32, #tpu.memory_space<vmem>>, vector<1x192xf32>
    %add3A_671 = vector.broadcast %get3A_670 : vector<1x192xf32> to vector<5120x192xf32>
    %add3A_672 = arith.addf %dot_general3A_667, %add3A_671 : vector<5120x192xf32>
    %slice3A_673 = vector.extract_strided_slice %add3A_672 {offsets = [4608, 0], sizes = [512, 64], strides = [1, 1]} : vector<5120x192xf32> to vector<512x64xf32>
    %slice3A_674 = vector.extract_strided_slice %add3A_672 {offsets = [0, 64], sizes = [5120, 64], strides = [1, 1]} : vector<5120x192xf32> to vector<5120x64xf32>
    %slice3A_675 = vector.extract_strided_slice %slice3A_674 {offsets = [0, 0], sizes = [512, 64], strides = [1, 1]} : vector<5120x64xf32> to vector<512x64xf32>
    %slice3A_676 = vector.extract_strided_slice %slice3A_674 {offsets = [512, 0], sizes = [512, 64], strides = [1, 1]} : vector<5120x64xf32> to vector<512x64xf32>
    %slice3A_677 = vector.extract_strided_slice %slice3A_674 {offsets = [1024, 0], sizes = [512, 64], strides = [1, 1]} : vector<5120x64xf32> to vector<512x64xf32>
    %slice3A_678 = vector.extract_strided_slice %slice3A_674 {offsets = [1536, 0], sizes = [512, 64], strides = [1, 1]} : vector<5120x64xf32> to vector<512x64xf32>
    %slice3A_679 = vector.extract_strided_slice %slice3A_674 {offsets = [2048, 0], sizes = [512, 64], strides = [1, 1]} : vector<5120x64xf32> to vector<512x64xf32>
    %slice3A_680 = vector.extract_strided_slice %slice3A_674 {offsets = [2560, 0], sizes = [512, 64], strides = [1, 1]} : vector<5120x64xf32> to vector<512x64xf32>
    %slice3A_681 = vector.extract_strided_slice %slice3A_674 {offsets = [3072, 0], sizes = [512, 64], strides = [1, 1]} : vector<5120x64xf32> to vector<512x64xf32>
    %slice3A_682 = vector.extract_strided_slice %slice3A_674 {offsets = [3584, 0], sizes = [512, 64], strides = [1, 1]} : vector<5120x64xf32> to vector<512x64xf32>
    %slice3A_683 = vector.extract_strided_slice %slice3A_674 {offsets = [4096, 0], sizes = [512, 64], strides = [1, 1]} : vector<5120x64xf32> to vector<512x64xf32>
    %slice3A_684 = vector.extract_strided_slice %slice3A_674 {offsets = [4608, 0], sizes = [512, 64], strides = [1, 1]} : vector<5120x64xf32> to vector<512x64xf32>
    %concatenate3A_685 = tpu.concatenate %slice3A_675, %slice3A_676, %slice3A_677, %slice3A_678, %slice3A_679, %slice3A_680, %slice3A_681, %slice3A_682, %slice3A_683, %slice3A_684 in 1 : vector<512x64xf32>, vector<512x64xf32>, vector<512x64xf32>, vector<512x64xf32>, vector<512x64xf32>, vector<512x64xf32>, vector<512x64xf32>, vector<512x64xf32>, vector<512x64xf32>, vector<512x64xf32> -> vector<512x640xf32>
    %slice3A_686 = vector.extract_strided_slice %add3A_672 {offsets = [0, 128], sizes = [5120, 64], strides = [1, 1]} : vector<5120x192xf32> to vector<5120x64xf32>
    %slice3A_687 = vector.extract_strided_slice %slice3A_686 {offsets = [0, 0], sizes = [512, 64], strides = [1, 1]} : vector<5120x64xf32> to vector<512x64xf32>
    %slice3A_688 = vector.extract_strided_slice %slice3A_686 {offsets = [512, 0], sizes = [512, 64], strides = [1, 1]} : vector<5120x64xf32> to vector<512x64xf32>
    %slice3A_689 = vector.extract_strided_slice %slice3A_686 {offsets = [1024, 0], sizes = [512, 64], strides = [1, 1]} : vector<5120x64xf32> to vector<512x64xf32>
    %slice3A_690 = vector.extract_strided_slice %slice3A_686 {offsets = [1536, 0], sizes = [512, 64], strides = [1, 1]} : vector<5120x64xf32> to vector<512x64xf32>
    %slice3A_691 = vector.extract_strided_slice %slice3A_686 {offsets = [2048, 0], sizes = [512, 64], strides = [1, 1]} : vector<5120x64xf32> to vector<512x64xf32>
    %slice3A_692 = vector.extract_strided_slice %slice3A_686 {offsets = [2560, 0], sizes = [512, 64], strides = [1, 1]} : vector<5120x64xf32> to vector<512x64xf32>
    %slice3A_693 = vector.extract_strided_slice %slice3A_686 {offsets = [3072, 0], sizes = [512, 64], strides = [1, 1]} : vector<5120x64xf32> to vector<512x64xf32>
    %slice3A_694 = vector.extract_strided_slice %slice3A_686 {offsets = [3584, 0], sizes = [512, 64], strides = [1, 1]} : vector<5120x64xf32> to vector<512x64xf32>
    %slice3A_695 = vector.extract_strided_slice %slice3A_686 {offsets = [4096, 0], sizes = [512, 64], strides = [1, 1]} : vector<5120x64xf32> to vector<512x64xf32>
    %slice3A_696 = vector.extract_strided_slice %slice3A_686 {offsets = [4608, 0], sizes = [512, 64], strides = [1, 1]} : vector<5120x64xf32> to vector<512x64xf32>
    %concatenate3A_697 = tpu.concatenate %slice3A_687, %slice3A_688, %slice3A_689, %slice3A_690, %slice3A_691, %slice3A_692, %slice3A_693, %slice3A_694, %slice3A_695, %slice3A_696 in 1 : vector<512x64xf32>, vector<512x64xf32>, vector<512x64xf32>, vector<512x64xf32>, vector<512x64xf32>, vector<512x64xf32>, vector<512x64xf32>, vector<512x64xf32>, vector<512x64xf32>, vector<512x64xf32> -> vector<512x640xf32>
    %concatenate3A_698 = tpu.concatenate %slice3A_673, %slice3A_673, %slice3A_673, %slice3A_673, %slice3A_673, %slice3A_673, %slice3A_673, %slice3A_673, %slice3A_673, %slice3A_673 in 1 : vector<512x64xf32>, vector<512x64xf32>, vector<512x64xf32>, vector<512x64xf32>, vector<512x64xf32>, vector<512x64xf32>, vector<512x64xf32>, vector<512x64xf32>, vector<512x64xf32>, vector<512x64xf32> -> vector<512x640xf32>
    %mul3A_699 = arith.mulf %concatenate3A_698, %concatenate3A_685 : vector<512x640xf32>
    %get3A_700 = arith.constant 0 : index
    %get3A_701 = arith.constant 0 : index
    %get3A_702 = vector.load %arg3[%get3A_700, %get3A_701] : memref<640x80xf32, #tpu.memory_space<vmem>>, vector<640x80xf32>
    %dot_general3A_703 = arith.constant dense<0.000000e+00> : vector<512x80xf32>
    %dot_general3A_704 = tpu.matmul %mul3A_699, %get3A_702, %dot_general3A_703 {dimension_numbers = #tpu.dot_dimension_numbers<[1], [0], [0], [1], [0, 0, 1, 1], [], []>, transpose_lhs_hint = false} : vector<512x640xf32>, vector<640x80xf32>, vector<512x80xf32> -> vector<512x80xf32>
    %reduce_max3A_705 = vector.shape_cast %dot_general3A_704 : vector<512x80xf32> to vector<1x512x80xf32>
    %reduce_max3A_706 = arith.constant dense<0xFF800000> : vector<1xf32>
    %reduce_max3A_707 = vector.multi_reduction <maximumf>, %reduce_max3A_705, %reduce_max3A_706 [1, 2] : vector<1x512x80xf32> to vector<1xf32>
    %reduce_max3A_708 = vector.shape_cast %reduce_max3A_707 : vector<1xf32> to vector<1x1x1xf32>
    %reduce_max3A_709 = vector.extract %reduce_max3A_708[0, 0, 0] : f32 from vector<1x1x1xf32>
    %sub3A_710 = arith.constant 3.000000e+01 : f32
    %sub3A_711 = arith.subf %reduce_max3A_709, %sub3A_710 : f32
    %max3A_712 = arith.constant 0.000000e+00 : f32
    %max3A_713 = arith.maximumf %sub3A_711, %max3A_712 : f32
    %sub3A_714 = vector.broadcast %max3A_713 : f32 to vector<512x80xf32>
    %sub3A_715 = arith.subf %dot_general3A_704, %sub3A_714 : vector<512x80xf32>
    %exp3A_716 = math.exp %sub3A_715 : vector<512x80xf32>
    %get3A_717 = arith.constant 0 : index
    %get3A_718 = arith.constant 0 : index
    %get3A_719 = vector.load %arg4[%get3A_717, %get3A_718] : memref<80x80xf32, #tpu.memory_space<vmem>>, vector<80x80xf32>
    %dot_general3A_720 = arith.constant dense<0.000000e+00> : vector<512x80xf32>
    %dot_general3A_721 = tpu.matmul %exp3A_716, %get3A_719, %dot_general3A_720 {dimension_numbers = #tpu.dot_dimension_numbers<[1], [0], [0], [1], [0, 0, 1, 1], [], []>, transpose_lhs_hint = false} : vector<512x80xf32>, vector<80x80xf32>, vector<512x80xf32> -> vector<512x80xf32>
    %div3A_722 = arith.divf %exp3A_716, %dot_general3A_721 : vector<512x80xf32>
    %get3A_723 = arith.constant 0 : index
    %get3A_724 = arith.constant 0 : index
    %get3A_725 = vector.load %arg5[%get3A_723, %get3A_724] : memref<80x640xf32, #tpu.memory_space<vmem>>, vector<80x640xf32>
    %dot_general3A_726 = arith.constant dense<0.000000e+00> : vector<512x640xf32>
    %dot_general3A_727 = tpu.matmul %div3A_722, %get3A_725, %dot_general3A_726 {dimension_numbers = #tpu.dot_dimension_numbers<[1], [0], [0], [1], [0, 0, 1, 1], [], []>, transpose_lhs_hint = false} : vector<512x80xf32>, vector<80x640xf32>, vector<512x640xf32> -> vector<512x640xf32>
    %mul3A_728 = arith.mulf %dot_general3A_727, %concatenate3A_697 : vector<512x640xf32>
    %slice3A_729 = vector.extract_strided_slice %mul3A_728 {offsets = [0, 0], sizes = [512, 64], strides = [1, 1]} : vector<512x640xf32> to vector<512x64xf32>
    %slice3A_730 = vector.extract_strided_slice %mul3A_728 {offsets = [0, 64], sizes = [512, 64], strides = [1, 1]} : vector<512x640xf32> to vector<512x64xf32>
    %add3A_731 = arith.addf %slice3A_729, %slice3A_730 : vector<512x64xf32>
    %slice3A_732 = vector.extract_strided_slice %mul3A_728 {offsets = [0, 128], sizes = [512, 64], strides = [1, 1]} : vector<512x640xf32> to vector<512x64xf32>
    %add3A_733 = arith.addf %add3A_731, %slice3A_732 : vector<512x64xf32>
    %slice3A_734 = vector.extract_strided_slice %mul3A_728 {offsets = [0, 192], sizes = [512, 64], strides = [1, 1]} : vector<512x640xf32> to vector<512x64xf32>
    %add3A_735 = arith.addf %add3A_733, %slice3A_734 : vector<512x64xf32>
    %slice3A_736 = vector.extract_strided_slice %mul3A_728 {offsets = [0, 256], sizes = [512, 64], strides = [1, 1]} : vector<512x640xf32> to vector<512x64xf32>
    %add3A_737 = arith.addf %add3A_735, %slice3A_736 : vector<512x64xf32>
    %slice3A_738 = vector.extract_strided_slice %mul3A_728 {offsets = [0, 320], sizes = [512, 64], strides = [1, 1]} : vector<512x640xf32> to vector<512x64xf32>
    %add3A_739 = arith.addf %add3A_737, %slice3A_738 : vector<512x64xf32>
    %slice3A_740 = vector.extract_strided_slice %mul3A_728 {offsets = [0, 384], sizes = [512, 64], strides = [1, 1]} : vector<512x640xf32> to vector<512x64xf32>
    %add3A_741 = arith.addf %add3A_739, %slice3A_740 : vector<512x64xf32>
    %slice3A_742 = vector.extract_strided_slice %mul3A_728 {offsets = [0, 448], sizes = [512, 64], strides = [1, 1]} : vector<512x640xf32> to vector<512x64xf32>
    %add3A_743 = arith.addf %add3A_741, %slice3A_742 : vector<512x64xf32>
    %slice3A_744 = vector.extract_strided_slice %mul3A_728 {offsets = [0, 512], sizes = [512, 64], strides = [1, 1]} : vector<512x640xf32> to vector<512x64xf32>
    %add3A_745 = arith.addf %add3A_743, %slice3A_744 : vector<512x64xf32>
    %slice3A_746 = vector.extract_strided_slice %mul3A_728 {offsets = [0, 576], sizes = [512, 64], strides = [1, 1]} : vector<512x640xf32> to vector<512x64xf32>
    %add3A_747 = arith.addf %add3A_745, %slice3A_746 : vector<512x64xf32>
    %get3A_748 = arith.constant 0 : index
    %get3A_749 = arith.constant 0 : index
    %get3A_750 = vector.load %arg18[%get3A_748, %get3A_749] : memref<64x64xf32, #tpu.memory_space<vmem>>, vector<64x64xf32>
    %dot_general3A_751 = arith.constant dense<0.000000e+00> : vector<512x64xf32>
    %dot_general3A_752 = tpu.matmul %add3A_747, %get3A_750, %dot_general3A_751 {dimension_numbers = #tpu.dot_dimension_numbers<[1], [0], [0], [1], [0, 0, 1, 1], [], []>, transpose_lhs_hint = false} : vector<512x64xf32>, vector<64x64xf32>, vector<512x64xf32> -> vector<512x64xf32>
    %get3A_753 = arith.constant 0 : index
    %get3A_754 = arith.constant 0 : index
    %get3A_755 = vector.load %arg19[%get3A_753, %get3A_754] : memref<1x64xf32, #tpu.memory_space<vmem>>, vector<1x64xf32>
    %add3A_756 = vector.broadcast %get3A_755 : vector<1x64xf32> to vector<512x64xf32>
    %add3A_757 = arith.addf %dot_general3A_752, %add3A_756 : vector<512x64xf32>
    %slice3A_758 = vector.extract_strided_slice %add3A_662 {offsets = [4608, 0], sizes = [512, 64], strides = [1, 1]} : vector<5120x64xf32> to vector<512x64xf32>
    %add3A_759 = arith.addf %slice3A_758, %add3A_757 : vector<512x64xf32>
    %get3A_760 = arith.constant 0 : index
    %get3A_761 = arith.constant 0 : index
    %get3A_762 = vector.load %arg20[%get3A_760, %get3A_761] : memref<2x64xf32, #tpu.memory_space<vmem>>, vector<1x64xf32>
    %get3A_763 = arith.constant 1 : index
    %get3A_764 = arith.constant 0 : index
    %get3A_765 = vector.load %arg20[%get3A_763, %get3A_764] : memref<2x64xf32, #tpu.memory_space<vmem>>, vector<1x64xf32>
    %reduce_sum3A_766 = arith.constant dense<0.000000e+00> : vector<512xf32>
    %reduce_sum3A_767 = vector.multi_reduction <add>, %add3A_759, %reduce_sum3A_766 [1] : vector<512x64xf32> to vector<512xf32>
    %broadcast_in_dim3A_768 = vector.shape_cast %reduce_sum3A_767 : vector<512xf32> to vector<512x1xf32>
    %div3A_769 = arith.constant 6.400000e+01 : f32
    %div3A_770 = vector.broadcast %div3A_769 : f32 to vector<512x1xf32>
    %div3A_771 = arith.divf %broadcast_in_dim3A_768, %div3A_770 : vector<512x1xf32>
    %jit3A_772 = arith.constant 0 : i32
    %reduce_sum3A_773 = arith.constant dense<0.000000e+00> : vector<512xf32>
    %reduce_sum3A_774 = vector.multi_reduction <add>, %add3A_759, %reduce_sum3A_773 [1] : vector<512x64xf32> to vector<512xf32>
    %broadcast_in_dim3A_775 = vector.shape_cast %reduce_sum3A_774 : vector<512xf32> to vector<512x1xf32>
    %div3A_776 = arith.constant 6.400000e+01 : f32
    %div3A_777 = vector.broadcast %div3A_776 : f32 to vector<512x1xf32>
    %div3A_778 = arith.divf %broadcast_in_dim3A_775, %div3A_777 : vector<512x1xf32>
    %sub3A_779 = vector.broadcast %div3A_778 : vector<512x1xf32> to vector<512x64xf32>
    %sub3A_780 = arith.subf %add3A_759, %sub3A_779 : vector<512x64xf32>
    %square3A_781 = arith.mulf %sub3A_780, %sub3A_780 : vector<512x64xf32>
    %convert_element_type3A_782 = arith.sitofp %jit3A_772 : i32 to f32
    %sub3A_783 = arith.constant 6.400000e+01 : f32
    %sub3A_784 = arith.subf %sub3A_783, %convert_element_type3A_782 : f32
    %reduce_sum3A_785 = arith.constant dense<0.000000e+00> : vector<512xf32>
    %reduce_sum3A_786 = vector.multi_reduction <add>, %square3A_781, %reduce_sum3A_785 [1] : vector<512x64xf32> to vector<512xf32>
    %broadcast_in_dim3A_787 = vector.shape_cast %reduce_sum3A_786 : vector<512xf32> to vector<512x1xf32>
    %div3A_788 = vector.broadcast %sub3A_784 : f32 to vector<512x1xf32>
    %div3A_789 = arith.divf %broadcast_in_dim3A_787, %div3A_788 : vector<512x1xf32>
    %gt3A_790 = arith.constant 0.000000e+00 : f32
    %gt3A_791 = arith.cmpf ogt, %sub3A_784, %gt3A_790 : f32
    %jit3A_792 = arith.constant 0x7FC00000 : f32
    %broadcast_in_dim3A_793 = vector.broadcast %jit3A_792 : f32 to vector<512x1xf32>
    %select_n3A_794 = arith.select %gt3A_791, %div3A_789, %broadcast_in_dim3A_793 : vector<512x1xf32>
    %sub3A_795 = vector.broadcast %div3A_771 : vector<512x1xf32> to vector<512x64xf32>
    %sub3A_796 = arith.subf %add3A_759, %sub3A_795 : vector<512x64xf32>
    %add3A_797 = arith.constant 9.99999974E-6 : f32
    %add3A_798 = vector.broadcast %add3A_797 : f32 to vector<512x1xf32>
    %add3A_799 = arith.addf %select_n3A_794, %add3A_798 : vector<512x1xf32>
    %sqrt3A_800 = math.sqrt %add3A_799 : vector<512x1xf32>
    %div3A_801 = vector.broadcast %sqrt3A_800 : vector<512x1xf32> to vector<512x64xf32>
    %div3A_802 = arith.divf %sub3A_796, %div3A_801 : vector<512x64xf32>
    %mul3A_803 = vector.broadcast %get3A_762 : vector<1x64xf32> to vector<512x64xf32>
    %mul3A_804 = arith.mulf %div3A_802, %mul3A_803 : vector<512x64xf32>
    %add3A_805 = vector.broadcast %get3A_765 : vector<1x64xf32> to vector<512x64xf32>
    %add3A_806 = arith.addf %mul3A_804, %add3A_805 : vector<512x64xf32>
    %get3A_807 = arith.constant 0 : index
    %get3A_808 = arith.constant 0 : index
    %get3A_809 = vector.load %arg22[%get3A_807, %get3A_808] : memref<64x256xf32, #tpu.memory_space<vmem>>, vector<64x256xf32>
    %dot_general3A_810 = arith.constant dense<0.000000e+00> : vector<512x256xf32>
    %dot_general3A_811 = tpu.matmul %add3A_806, %get3A_809, %dot_general3A_810 {dimension_numbers = #tpu.dot_dimension_numbers<[1], [0], [0], [1], [0, 0, 1, 1], [], []>, transpose_lhs_hint = false} : vector<512x64xf32>, vector<64x256xf32>, vector<512x256xf32> -> vector<512x256xf32>
    %get3A_812 = arith.constant 0 : index
    %get3A_813 = arith.constant 0 : index
    %get3A_814 = vector.load %arg23[%get3A_812, %get3A_813] : memref<1x256xf32, #tpu.memory_space<vmem>>, vector<1x256xf32>
    %add3A_815 = vector.broadcast %get3A_814 : vector<1x256xf32> to vector<512x256xf32>
    %add3A_816 = arith.addf %dot_general3A_811, %add3A_815 : vector<512x256xf32>
    %max3A_817 = arith.constant 0.000000e+00 : f32
    %max3A_818 = vector.broadcast %max3A_817 : f32 to vector<512x256xf32>
    %max3A_819 = arith.maximumf %add3A_816, %max3A_818 : vector<512x256xf32>
    %get3A_820 = arith.constant 0 : index
    %get3A_821 = arith.constant 0 : index
    %get3A_822 = vector.load %arg24[%get3A_820, %get3A_821] : memref<256x64xf32, #tpu.memory_space<vmem>>, vector<256x64xf32>
    %dot_general3A_823 = arith.constant dense<0.000000e+00> : vector<512x64xf32>
    %dot_general3A_824 = tpu.matmul %max3A_819, %get3A_822, %dot_general3A_823 {dimension_numbers = #tpu.dot_dimension_numbers<[1], [0], [0], [1], [0, 0, 1, 1], [], []>, transpose_lhs_hint = false} : vector<512x256xf32>, vector<256x64xf32>, vector<512x64xf32> -> vector<512x64xf32>
    %get3A_825 = arith.constant 0 : index
    %get3A_826 = arith.constant 0 : index
    %get3A_827 = vector.load %arg25[%get3A_825, %get3A_826] : memref<1x64xf32, #tpu.memory_space<vmem>>, vector<1x64xf32>
    %add3A_828 = vector.broadcast %get3A_827 : vector<1x64xf32> to vector<512x64xf32>
    %add3A_829 = arith.addf %dot_general3A_824, %add3A_828 : vector<512x64xf32>
    %add3A_830 = arith.addf %add3A_806, %add3A_829 : vector<512x64xf32>
    %get3A_831 = arith.constant 0 : index
    %get3A_832 = arith.constant 0 : index
    %get3A_833 = vector.load %arg21[%get3A_831, %get3A_832] : memref<2x64xf32, #tpu.memory_space<vmem>>, vector<1x64xf32>
    %get3A_834 = arith.constant 1 : index
    %get3A_835 = arith.constant 0 : index
    %get3A_836 = vector.load %arg21[%get3A_834, %get3A_835] : memref<2x64xf32, #tpu.memory_space<vmem>>, vector<1x64xf32>
    %reduce_sum3A_837 = arith.constant dense<0.000000e+00> : vector<512xf32>
    %reduce_sum3A_838 = vector.multi_reduction <add>, %add3A_830, %reduce_sum3A_837 [1] : vector<512x64xf32> to vector<512xf32>
    %broadcast_in_dim3A_839 = vector.shape_cast %reduce_sum3A_838 : vector<512xf32> to vector<512x1xf32>
    %div3A_840 = arith.constant 6.400000e+01 : f32
    %div3A_841 = vector.broadcast %div3A_840 : f32 to vector<512x1xf32>
    %div3A_842 = arith.divf %broadcast_in_dim3A_839, %div3A_841 : vector<512x1xf32>
    %jit3A_843 = arith.constant 0 : i32
    %reduce_sum3A_844 = arith.constant dense<0.000000e+00> : vector<512xf32>
    %reduce_sum3A_845 = vector.multi_reduction <add>, %add3A_830, %reduce_sum3A_844 [1] : vector<512x64xf32> to vector<512xf32>
    %broadcast_in_dim3A_846 = vector.shape_cast %reduce_sum3A_845 : vector<512xf32> to vector<512x1xf32>
    %div3A_847 = arith.constant 6.400000e+01 : f32
    %div3A_848 = vector.broadcast %div3A_847 : f32 to vector<512x1xf32>
    %div3A_849 = arith.divf %broadcast_in_dim3A_846, %div3A_848 : vector<512x1xf32>
    %sub3A_850 = vector.broadcast %div3A_849 : vector<512x1xf32> to vector<512x64xf32>
    %sub3A_851 = arith.subf %add3A_830, %sub3A_850 : vector<512x64xf32>
    %square3A_852 = arith.mulf %sub3A_851, %sub3A_851 : vector<512x64xf32>
    %convert_element_type3A_853 = arith.sitofp %jit3A_843 : i32 to f32
    %sub3A_854 = arith.constant 6.400000e+01 : f32
    %sub3A_855 = arith.subf %sub3A_854, %convert_element_type3A_853 : f32
    %reduce_sum3A_856 = arith.constant dense<0.000000e+00> : vector<512xf32>
    %reduce_sum3A_857 = vector.multi_reduction <add>, %square3A_852, %reduce_sum3A_856 [1] : vector<512x64xf32> to vector<512xf32>
    %broadcast_in_dim3A_858 = vector.shape_cast %reduce_sum3A_857 : vector<512xf32> to vector<512x1xf32>
    %div3A_859 = vector.broadcast %sub3A_855 : f32 to vector<512x1xf32>
    %div3A_860 = arith.divf %broadcast_in_dim3A_858, %div3A_859 : vector<512x1xf32>
    %gt3A_861 = arith.constant 0.000000e+00 : f32
    %gt3A_862 = arith.cmpf ogt, %sub3A_855, %gt3A_861 : f32
    %jit3A_863 = arith.constant 0x7FC00000 : f32
    %broadcast_in_dim3A_864 = vector.broadcast %jit3A_863 : f32 to vector<512x1xf32>
    %select_n3A_865 = arith.select %gt3A_862, %div3A_860, %broadcast_in_dim3A_864 : vector<512x1xf32>
    %sub3A_866 = vector.broadcast %div3A_842 : vector<512x1xf32> to vector<512x64xf32>
    %sub3A_867 = arith.subf %add3A_830, %sub3A_866 : vector<512x64xf32>
    %add3A_868 = arith.constant 9.99999974E-6 : f32
    %add3A_869 = vector.broadcast %add3A_868 : f32 to vector<512x1xf32>
    %add3A_870 = arith.addf %select_n3A_865, %add3A_869 : vector<512x1xf32>
    %sqrt3A_871 = math.sqrt %add3A_870 : vector<512x1xf32>
    %div3A_872 = vector.broadcast %sqrt3A_871 : vector<512x1xf32> to vector<512x64xf32>
    %div3A_873 = arith.divf %sub3A_867, %div3A_872 : vector<512x64xf32>
    %mul3A_874 = vector.broadcast %get3A_833 : vector<1x64xf32> to vector<512x64xf32>
    %mul3A_875 = arith.mulf %div3A_873, %mul3A_874 : vector<512x64xf32>
    %add3A_876 = vector.broadcast %get3A_836 : vector<1x64xf32> to vector<512x64xf32>
    %add3A_877 = arith.addf %mul3A_875, %add3A_876 : vector<512x64xf32>
    %swap3A = arith.constant 0 : index
    %swap3A_878 = arith.constant 0 : index
    %swap3A_879 = vector.load %arg26[%swap3A, %swap3A_878] : memref<512x64xf32, #tpu.memory_space<vmem>>, vector<512x64xf32>
    tpu.vector_store %arg26[%swap3A, %swap3A_878], %add3A_877 {strides = array<i32>} : memref<512x64xf32, #tpu.memory_space<vmem>>, vector<512x64xf32>,
    return
  }
  func.func @transform_0(%arg0: i32) -> (i32, i32) {
    %c0_i32 = arith.constant 0 : i32
    %c0_i32_0 = arith.constant 0 : i32
    return %arg0, %c0_i32 : i32, i32
  }
  func.func @transform_1(%arg0: i32) -> (i32, i32) {
    %c0_i32 = arith.constant 0 : i32
    %c0_i32_0 = arith.constant 0 : i32
    %c0_i32_1 = arith.constant 0 : i32
    return %c0_i32, %c0_i32_0 : i32, i32
  }
  func.func @transform_2(%arg0: i32) -> (i32, i32) {
    %c0_i32 = arith.constant 0 : i32
    %c0_i32_0 = arith.constant 0 : i32
    %c0_i32_1 = arith.constant 0 : i32
    return %c0_i32, %c0_i32_0 : i32, i32
  }
  func.func @transform_3(%arg0: i32) -> (i32, i32) {
    %c0_i32 = arith.constant 0 : i32
    %c0_i32_0 = arith.constant 0 : i32
    %c0_i32_1 = arith.constant 0 : i32
    return %c0_i32, %c0_i32_0 : i32, i32
  }
  func.func @transform_4(%arg0: i32) -> (i32, i32) {
    %c0_i32 = arith.constant 0 : i32
    %c0_i32_0 = arith.constant 0 : i32
    %c0_i32_1 = arith.constant 0 : i32
    return %c0_i32, %c0_i32_0 : i32, i32
  }
  func.func @transform_5(%arg0: i32) -> (i32, i32) {
    %c0_i32 = arith.constant 0 : i32
    %c0_i32_0 = arith.constant 0 : i32
    %c0_i32_1 = arith.constant 0 : i32
    return %c0_i32, %c0_i32_0 : i32, i32
  }
  func.func @transform_6(%arg0: i32) -> (i32, i32) {
    %c0_i32 = arith.constant 0 : i32
    %c0_i32_0 = arith.constant 0 : i32
    %c0_i32_1 = arith.constant 0 : i32
    return %c0_i32, %c0_i32_0 : i32, i32
  }
  func.func @transform_7(%arg0: i32) -> (i32, i32) {
    %c0_i32 = arith.constant 0 : i32
    %c0_i32_0 = arith.constant 0 : i32
    %c0_i32_1 = arith.constant 0 : i32
    return %c0_i32, %c0_i32_0 : i32, i32
  }
  func.func @transform_8(%arg0: i32) -> (i32, i32) {
    %c0_i32 = arith.constant 0 : i32
    %c0_i32_0 = arith.constant 0 : i32
    %c0_i32_1 = arith.constant 0 : i32
    return %c0_i32, %c0_i32_0 : i32, i32
  }
  func.func @transform_9(%arg0: i32) -> (i32, i32) {
    %c0_i32 = arith.constant 0 : i32
    %c0_i32_0 = arith.constant 0 : i32
    %c0_i32_1 = arith.constant 0 : i32
    return %c0_i32, %c0_i32_0 : i32, i32
  }
  func.func @transform_10(%arg0: i32) -> (i32, i32) {
    %c0_i32 = arith.constant 0 : i32
    %c0_i32_0 = arith.constant 0 : i32
    %c0_i32_1 = arith.constant 0 : i32
    return %c0_i32, %c0_i32_0 : i32, i32
  }
  func.func @transform_11(%arg0: i32) -> (i32, i32) {
    %c0_i32 = arith.constant 0 : i32
    %c0_i32_0 = arith.constant 0 : i32
    %c0_i32_1 = arith.constant 0 : i32
    return %c0_i32, %c0_i32_0 : i32, i32
  }
  func.func @transform_12(%arg0: i32) -> (i32, i32) {
    %c0_i32 = arith.constant 0 : i32
    %c0_i32_0 = arith.constant 0 : i32
    %c0_i32_1 = arith.constant 0 : i32
    return %c0_i32, %c0_i32_0 : i32, i32
  }
  func.func @transform_13(%arg0: i32) -> (i32, i32) {
    %c0_i32 = arith.constant 0 : i32
    %c0_i32_0 = arith.constant 0 : i32
    %c0_i32_1 = arith.constant 0 : i32
    return %c0_i32, %c0_i32_0 : i32, i32
  }
  func.func @transform_14(%arg0: i32) -> (i32, i32) {
    %c0_i32 = arith.constant 0 : i32
    %c0_i32_0 = arith.constant 0 : i32
    %c0_i32_1 = arith.constant 0 : i32
    return %c0_i32, %c0_i32_0 : i32, i32
  }
  func.func @transform_15(%arg0: i32) -> (i32, i32) {
    %c0_i32 = arith.constant 0 : i32
    %c0_i32_0 = arith.constant 0 : i32
    %c0_i32_1 = arith.constant 0 : i32
    return %c0_i32, %c0_i32_0 : i32, i32
  }
  func.func @transform_16(%arg0: i32) -> (i32, i32) {
    %c0_i32 = arith.constant 0 : i32
    %c0_i32_0 = arith.constant 0 : i32
    %c0_i32_1 = arith.constant 0 : i32
    return %c0_i32, %c0_i32_0 : i32, i32
  }
  func.func @transform_17(%arg0: i32) -> (i32, i32) {
    %c0_i32 = arith.constant 0 : i32
    %c0_i32_0 = arith.constant 0 : i32
    %c0_i32_1 = arith.constant 0 : i32
    return %c0_i32, %c0_i32_0 : i32, i32
  }
  func.func @transform_18(%arg0: i32) -> (i32, i32) {
    %c0_i32 = arith.constant 0 : i32
    %c0_i32_0 = arith.constant 0 : i32
    %c0_i32_1 = arith.constant 0 : i32
    return %c0_i32, %c0_i32_0 : i32, i32
  }
  func.func @transform_19(%arg0: i32) -> (i32, i32) {
    %c0_i32 = arith.constant 0 : i32
    %c0_i32_0 = arith.constant 0 : i32
    %c0_i32_1 = arith.constant 0 : i32
    return %c0_i32, %c0_i32_0 : i32, i32
  }
  func.func @transform_20(%arg0: i32) -> (i32, i32) {
    %c0_i32 = arith.constant 0 : i32
    %c0_i32_0 = arith.constant 0 : i32
    %c0_i32_1 = arith.constant 0 : i32
    return %c0_i32, %c0_i32_0 : i32, i32
  }
  func.func @transform_21(%arg0: i32) -> (i32, i32) {
    %c0_i32 = arith.constant 0 : i32
    %c0_i32_0 = arith.constant 0 : i32
    %c0_i32_1 = arith.constant 0 : i32
    return %c0_i32, %c0_i32_0 : i32, i32
  }
  func.func @transform_22(%arg0: i32) -> (i32, i32) {
    %c0_i32 = arith.constant 0 : i32
    %c0_i32_0 = arith.constant 0 : i32
    %c0_i32_1 = arith.constant 0 : i32
    return %c0_i32, %c0_i32_0 : i32, i32
  }
  func.func @transform_23(%arg0: i32) -> (i32, i32) {
    %c0_i32 = arith.constant 0 : i32
    %c0_i32_0 = arith.constant 0 : i32
    %c0_i32_1 = arith.constant 0 : i32
    return %c0_i32, %c0_i32_0 : i32, i32
  }
  func.func @transform_24(%arg0: i32) -> (i32, i32) {
    %c0_i32 = arith.constant 0 : i32
    %c0_i32_0 = arith.constant 0 : i32
    %c0_i32_1 = arith.constant 0 : i32
    return %c0_i32, %c0_i32_0 : i32, i32
  }
  func.func @transform_25(%arg0: i32) -> (i32, i32) {
    %c0_i32 = arith.constant 0 : i32
    %c0_i32_0 = arith.constant 0 : i32
    return %arg0, %c0_i32 : i32, i32
  }
}

module attributes {stable_mosaic.version = 14 : i64} {
  func.func @_mlp_kernel(%arg0: memref<4096x64xf32, #tpu.memory_space<vmem>>, %arg1: memref<4096x416xf32, #tpu.memory_space<vmem>>, %arg2: memref<4096x416xf32, #tpu.memory_space<vmem>>, %arg3: memref<2x64xf32, #tpu.memory_space<vmem>>, %arg4: memref<2x416xf32, #tpu.memory_space<vmem>>, %arg5: memref<2x416xf32, #tpu.memory_space<vmem>>, %arg6: memref<64x256xf32, #tpu.memory_space<vmem>>, %arg7: memref<416x256xf32, #tpu.memory_space<vmem>>, %arg8: memref<416x256xf32, #tpu.memory_space<vmem>>, %arg9: memref<1x256xf32, #tpu.memory_space<vmem>>, %arg10: memref<2x256xf32, #tpu.memory_space<vmem>>, %arg11: memref<256x128xf32, #tpu.memory_space<vmem>>, %arg12: memref<1x128xf32, #tpu.memory_space<vmem>>, %arg13: memref<2x128xf32, #tpu.memory_space<vmem>>, %arg14: memref<128x544xf32, #tpu.memory_space<vmem>>, %arg15: memref<1x544xf32, #tpu.memory_space<vmem>>, %arg16: memref<2x544xf32, #tpu.memory_space<vmem>>, %arg17: memref<7x64x32xf32, #tpu.memory_space<vmem>>, %arg18: memref<7x32xf32, #tpu.memory_space<vmem>>, %arg19: memref<14x32xf32, #tpu.memory_space<vmem>>, %arg20: memref<7x32xf32, #tpu.memory_space<vmem>>, %arg21: memref<7x1xf32, #tpu.memory_space<vmem>>, %arg22: memref<7x2xf32, #tpu.memory_space<vmem>>, %arg23: memref<64x7xf32, #tpu.memory_space<vmem>>, %arg24: memref<1x7xf32, #tpu.memory_space<vmem>>, %arg25: memref<2x7xf32, #tpu.memory_space<vmem>>, %arg26: memref<1x32xf32, #tpu.memory_space<vmem>>, %arg27: memref<1x1xf32, #tpu.memory_space<vmem>>, %arg28: memref<1x2xf32, #tpu.memory_space<vmem>>, %arg29: memref<4096x15xf32, #tpu.memory_space<vmem>>) attributes {dimension_semantics = [], scalar_prefetch = 0 : i64, scratch_operands = 0 : i64, tpu.core_type = #tpu.core_type<tc>} {
    %get3A = arith.constant 0 : index
    %get3A_0 = arith.constant 0 : index
    %get3A_1 = vector.load %arg0[%get3A, %get3A_0] : memref<4096x64xf32, #tpu.memory_space<vmem>>, vector<4096x64xf32>
    %get3A_2 = arith.constant 0 : index
    %get3A_3 = arith.constant 0 : index
    %get3A_4 = vector.load %arg3[%get3A_2, %get3A_3] : memref<2x64xf32, #tpu.memory_space<vmem>>, vector<1x64xf32>
    %get3A_5 = arith.constant 1 : index
    %get3A_6 = arith.constant 0 : index
    %get3A_7 = vector.load %arg3[%get3A_5, %get3A_6] : memref<2x64xf32, #tpu.memory_space<vmem>>, vector<1x64xf32>
    %broadcast_in_dim3A = arith.constant 1.000000e+00 : f32
    %broadcast_in_dim3A_8 = vector.broadcast %broadcast_in_dim3A : f32 to vector<1x4096xf32>
    %dot_general3A = arith.constant dense<0.000000e+00> : vector<1x64xf32>
    %dot_general3A_9 = tpu.matmul %broadcast_in_dim3A_8, %get3A_1, %dot_general3A {dimension_numbers = #tpu.dot_dimension_numbers<[1], [0], [0], [1], [0, 0, 1, 1], [], []>, transpose_lhs_hint = false} : vector<1x4096xf32>, vector<4096x64xf32>, vector<1x64xf32> -> vector<1x64xf32>
    %mul3A = arith.constant 2.44140625E-4 : f32
    %mul3A_10 = vector.broadcast %mul3A : f32 to vector<1x64xf32>
    %mul3A_11 = arith.mulf %dot_general3A_9, %mul3A_10 : vector<1x64xf32>
    %mul3A_12 = arith.mulf %get3A_1, %get3A_1 : vector<4096x64xf32>
    %dot_general3A_13 = arith.constant dense<0.000000e+00> : vector<1x64xf32>
    %dot_general3A_14 = tpu.matmul %broadcast_in_dim3A_8, %mul3A_12, %dot_general3A_13 {dimension_numbers = #tpu.dot_dimension_numbers<[1], [0], [0], [1], [0, 0, 1, 1], [], []>, transpose_lhs_hint = false} : vector<1x4096xf32>, vector<4096x64xf32>, vector<1x64xf32> -> vector<1x64xf32>
    %mul3A_15 = arith.constant 2.44140625E-4 : f32
    %mul3A_16 = vector.broadcast %mul3A_15 : f32 to vector<1x64xf32>
    %mul3A_17 = arith.mulf %dot_general3A_14, %mul3A_16 : vector<1x64xf32>
    %mul3A_18 = arith.mulf %mul3A_11, %mul3A_11 : vector<1x64xf32>
    %sub3A = arith.subf %mul3A_17, %mul3A_18 : vector<1x64xf32>
    %add3A = arith.constant 9.99999974E-6 : f32
    %add3A_19 = vector.broadcast %add3A : f32 to vector<1x64xf32>
    %add3A_20 = arith.addf %sub3A, %add3A_19 : vector<1x64xf32>
    %rsqrt3A = math.rsqrt %add3A_20 : vector<1x64xf32>
    %mul3A_21 = arith.mulf %rsqrt3A, %get3A_4 : vector<1x64xf32>
    %mul3A_22 = vector.broadcast %mul3A_21 : vector<1x64xf32> to vector<4096x64xf32>
    %mul3A_23 = arith.mulf %get3A_1, %mul3A_22 : vector<4096x64xf32>
    %mul3A_24 = arith.mulf %mul3A_11, %mul3A_21 : vector<1x64xf32>
    %sub3A_25 = arith.subf %get3A_7, %mul3A_24 : vector<1x64xf32>
    %add3A_26 = vector.broadcast %sub3A_25 : vector<1x64xf32> to vector<4096x64xf32>
    %add3A_27 = arith.addf %mul3A_23, %add3A_26 : vector<4096x64xf32>
    %get3A_28 = arith.constant 0 : index
    %get3A_29 = arith.constant 0 : index
    %get3A_30 = vector.load %arg1[%get3A_28, %get3A_29] : memref<4096x416xf32, #tpu.memory_space<vmem>>, vector<4096x416xf32>
    %get3A_31 = arith.constant 0 : index
    %get3A_32 = arith.constant 0 : index
    %get3A_33 = vector.load %arg4[%get3A_31, %get3A_32] : memref<2x416xf32, #tpu.memory_space<vmem>>, vector<1x416xf32>
    %get3A_34 = arith.constant 1 : index
    %get3A_35 = arith.constant 0 : index
    %get3A_36 = vector.load %arg4[%get3A_34, %get3A_35] : memref<2x416xf32, #tpu.memory_space<vmem>>, vector<1x416xf32>
    %broadcast_in_dim3A_37 = arith.constant 1.000000e+00 : f32
    %broadcast_in_dim3A_38 = vector.broadcast %broadcast_in_dim3A_37 : f32 to vector<1x4096xf32>
    %dot_general3A_39 = arith.constant dense<0.000000e+00> : vector<1x416xf32>
    %dot_general3A_40 = tpu.matmul %broadcast_in_dim3A_38, %get3A_30, %dot_general3A_39 {dimension_numbers = #tpu.dot_dimension_numbers<[1], [0], [0], [1], [0, 0, 1, 1], [], []>, transpose_lhs_hint = false} : vector<1x4096xf32>, vector<4096x416xf32>, vector<1x416xf32> -> vector<1x416xf32>
    %mul3A_41 = arith.constant 2.44140625E-4 : f32
    %mul3A_42 = vector.broadcast %mul3A_41 : f32 to vector<1x416xf32>
    %mul3A_43 = arith.mulf %dot_general3A_40, %mul3A_42 : vector<1x416xf32>
    %mul3A_44 = arith.mulf %get3A_30, %get3A_30 : vector<4096x416xf32>
    %dot_general3A_45 = arith.constant dense<0.000000e+00> : vector<1x416xf32>
    %dot_general3A_46 = tpu.matmul %broadcast_in_dim3A_38, %mul3A_44, %dot_general3A_45 {dimension_numbers = #tpu.dot_dimension_numbers<[1], [0], [0], [1], [0, 0, 1, 1], [], []>, transpose_lhs_hint = false} : vector<1x4096xf32>, vector<4096x416xf32>, vector<1x416xf32> -> vector<1x416xf32>
    %mul3A_47 = arith.constant 2.44140625E-4 : f32
    %mul3A_48 = vector.broadcast %mul3A_47 : f32 to vector<1x416xf32>
    %mul3A_49 = arith.mulf %dot_general3A_46, %mul3A_48 : vector<1x416xf32>
    %mul3A_50 = arith.mulf %mul3A_43, %mul3A_43 : vector<1x416xf32>
    %sub3A_51 = arith.subf %mul3A_49, %mul3A_50 : vector<1x416xf32>
    %add3A_52 = arith.constant 9.99999974E-6 : f32
    %add3A_53 = vector.broadcast %add3A_52 : f32 to vector<1x416xf32>
    %add3A_54 = arith.addf %sub3A_51, %add3A_53 : vector<1x416xf32>
    %rsqrt3A_55 = math.rsqrt %add3A_54 : vector<1x416xf32>
    %mul3A_56 = arith.mulf %rsqrt3A_55, %get3A_33 : vector<1x416xf32>
    %mul3A_57 = vector.broadcast %mul3A_56 : vector<1x416xf32> to vector<4096x416xf32>
    %mul3A_58 = arith.mulf %get3A_30, %mul3A_57 : vector<4096x416xf32>
    %mul3A_59 = arith.mulf %mul3A_43, %mul3A_56 : vector<1x416xf32>
    %sub3A_60 = arith.subf %get3A_36, %mul3A_59 : vector<1x416xf32>
    %add3A_61 = vector.broadcast %sub3A_60 : vector<1x416xf32> to vector<4096x416xf32>
    %add3A_62 = arith.addf %mul3A_58, %add3A_61 : vector<4096x416xf32>
    %get3A_63 = arith.constant 0 : index
    %get3A_64 = arith.constant 0 : index
    %get3A_65 = vector.load %arg2[%get3A_63, %get3A_64] : memref<4096x416xf32, #tpu.memory_space<vmem>>, vector<4096x416xf32>
    %get3A_66 = arith.constant 0 : index
    %get3A_67 = arith.constant 0 : index
    %get3A_68 = vector.load %arg5[%get3A_66, %get3A_67] : memref<2x416xf32, #tpu.memory_space<vmem>>, vector<1x416xf32>
    %get3A_69 = arith.constant 1 : index
    %get3A_70 = arith.constant 0 : index
    %get3A_71 = vector.load %arg5[%get3A_69, %get3A_70] : memref<2x416xf32, #tpu.memory_space<vmem>>, vector<1x416xf32>
    %broadcast_in_dim3A_72 = arith.constant 1.000000e+00 : f32
    %broadcast_in_dim3A_73 = vector.broadcast %broadcast_in_dim3A_72 : f32 to vector<1x4096xf32>
    %dot_general3A_74 = arith.constant dense<0.000000e+00> : vector<1x416xf32>
    %dot_general3A_75 = tpu.matmul %broadcast_in_dim3A_73, %get3A_65, %dot_general3A_74 {dimension_numbers = #tpu.dot_dimension_numbers<[1], [0], [0], [1], [0, 0, 1, 1], [], []>, transpose_lhs_hint = false} : vector<1x4096xf32>, vector<4096x416xf32>, vector<1x416xf32> -> vector<1x416xf32>
    %mul3A_76 = arith.constant 2.44140625E-4 : f32
    %mul3A_77 = vector.broadcast %mul3A_76 : f32 to vector<1x416xf32>
    %mul3A_78 = arith.mulf %dot_general3A_75, %mul3A_77 : vector<1x416xf32>
    %mul3A_79 = arith.mulf %get3A_65, %get3A_65 : vector<4096x416xf32>
    %dot_general3A_80 = arith.constant dense<0.000000e+00> : vector<1x416xf32>
    %dot_general3A_81 = tpu.matmul %broadcast_in_dim3A_73, %mul3A_79, %dot_general3A_80 {dimension_numbers = #tpu.dot_dimension_numbers<[1], [0], [0], [1], [0, 0, 1, 1], [], []>, transpose_lhs_hint = false} : vector<1x4096xf32>, vector<4096x416xf32>, vector<1x416xf32> -> vector<1x416xf32>
    %mul3A_82 = arith.constant 2.44140625E-4 : f32
    %mul3A_83 = vector.broadcast %mul3A_82 : f32 to vector<1x416xf32>
    %mul3A_84 = arith.mulf %dot_general3A_81, %mul3A_83 : vector<1x416xf32>
    %mul3A_85 = arith.mulf %mul3A_78, %mul3A_78 : vector<1x416xf32>
    %sub3A_86 = arith.subf %mul3A_84, %mul3A_85 : vector<1x416xf32>
    %add3A_87 = arith.constant 9.99999974E-6 : f32
    %add3A_88 = vector.broadcast %add3A_87 : f32 to vector<1x416xf32>
    %add3A_89 = arith.addf %sub3A_86, %add3A_88 : vector<1x416xf32>
    %rsqrt3A_90 = math.rsqrt %add3A_89 : vector<1x416xf32>
    %mul3A_91 = arith.mulf %rsqrt3A_90, %get3A_68 : vector<1x416xf32>
    %mul3A_92 = vector.broadcast %mul3A_91 : vector<1x416xf32> to vector<4096x416xf32>
    %mul3A_93 = arith.mulf %get3A_65, %mul3A_92 : vector<4096x416xf32>
    %mul3A_94 = arith.mulf %mul3A_78, %mul3A_91 : vector<1x416xf32>
    %sub3A_95 = arith.subf %get3A_71, %mul3A_94 : vector<1x416xf32>
    %add3A_96 = vector.broadcast %sub3A_95 : vector<1x416xf32> to vector<4096x416xf32>
    %add3A_97 = arith.addf %mul3A_93, %add3A_96 : vector<4096x416xf32>
    %get3A_98 = arith.constant 0 : index
    %get3A_99 = arith.constant 0 : index
    %get3A_100 = vector.load %arg6[%get3A_98, %get3A_99] : memref<64x256xf32, #tpu.memory_space<vmem>>, vector<64x256xf32>
    %dot_general3A_101 = arith.constant dense<0.000000e+00> : vector<4096x256xf32>
    %dot_general3A_102 = tpu.matmul %add3A_27, %get3A_100, %dot_general3A_101 {dimension_numbers = #tpu.dot_dimension_numbers<[1], [0], [0], [1], [0, 0, 1, 1], [], []>, transpose_lhs_hint = false} : vector<4096x64xf32>, vector<64x256xf32>, vector<4096x256xf32> -> vector<4096x256xf32>
    %get3A_103 = arith.constant 0 : index
    %get3A_104 = arith.constant 0 : index
    %get3A_105 = vector.load %arg7[%get3A_103, %get3A_104] : memref<416x256xf32, #tpu.memory_space<vmem>>, vector<416x256xf32>
    %dot_general3A_106 = arith.constant dense<0.000000e+00> : vector<4096x256xf32>
    %dot_general3A_107 = tpu.matmul %add3A_62, %get3A_105, %dot_general3A_106 {dimension_numbers = #tpu.dot_dimension_numbers<[1], [0], [0], [1], [0, 0, 1, 1], [], []>, transpose_lhs_hint = false} : vector<4096x416xf32>, vector<416x256xf32>, vector<4096x256xf32> -> vector<4096x256xf32>
    %add3A_108 = arith.addf %dot_general3A_102, %dot_general3A_107 : vector<4096x256xf32>
    %get3A_109 = arith.constant 0 : index
    %get3A_110 = arith.constant 0 : index
    %get3A_111 = vector.load %arg8[%get3A_109, %get3A_110] : memref<416x256xf32, #tpu.memory_space<vmem>>, vector<416x256xf32>
    %dot_general3A_112 = arith.constant dense<0.000000e+00> : vector<4096x256xf32>
    %dot_general3A_113 = tpu.matmul %add3A_97, %get3A_111, %dot_general3A_112 {dimension_numbers = #tpu.dot_dimension_numbers<[1], [0], [0], [1], [0, 0, 1, 1], [], []>, transpose_lhs_hint = false} : vector<4096x416xf32>, vector<416x256xf32>, vector<4096x256xf32> -> vector<4096x256xf32>
    %add3A_114 = arith.addf %add3A_108, %dot_general3A_113 : vector<4096x256xf32>
    %get3A_115 = arith.constant 0 : index
    %get3A_116 = arith.constant 0 : index
    %get3A_117 = vector.load %arg9[%get3A_115, %get3A_116] : memref<1x256xf32, #tpu.memory_space<vmem>>, vector<1x256xf32>
    %add3A_118 = vector.broadcast %get3A_117 : vector<1x256xf32> to vector<4096x256xf32>
    %add3A_119 = arith.addf %add3A_114, %add3A_118 : vector<4096x256xf32>
    %get3A_120 = arith.constant 0 : index
    %get3A_121 = arith.constant 0 : index
    %get3A_122 = vector.load %arg10[%get3A_120, %get3A_121] : memref<2x256xf32, #tpu.memory_space<vmem>>, vector<1x256xf32>
    %get3A_123 = arith.constant 1 : index
    %get3A_124 = arith.constant 0 : index
    %get3A_125 = vector.load %arg10[%get3A_123, %get3A_124] : memref<2x256xf32, #tpu.memory_space<vmem>>, vector<1x256xf32>
    %broadcast_in_dim3A_126 = arith.constant 1.000000e+00 : f32
    %broadcast_in_dim3A_127 = vector.broadcast %broadcast_in_dim3A_126 : f32 to vector<1x4096xf32>
    %dot_general3A_128 = arith.constant dense<0.000000e+00> : vector<1x256xf32>
    %dot_general3A_129 = tpu.matmul %broadcast_in_dim3A_127, %add3A_119, %dot_general3A_128 {dimension_numbers = #tpu.dot_dimension_numbers<[1], [0], [0], [1], [0, 0, 1, 1], [], []>, transpose_lhs_hint = false} : vector<1x4096xf32>, vector<4096x256xf32>, vector<1x256xf32> -> vector<1x256xf32>
    %mul3A_130 = arith.constant 2.44140625E-4 : f32
    %mul3A_131 = vector.broadcast %mul3A_130 : f32 to vector<1x256xf32>
    %mul3A_132 = arith.mulf %dot_general3A_129, %mul3A_131 : vector<1x256xf32>
    %mul3A_133 = arith.mulf %add3A_119, %add3A_119 : vector<4096x256xf32>
    %dot_general3A_134 = arith.constant dense<0.000000e+00> : vector<1x256xf32>
    %dot_general3A_135 = tpu.matmul %broadcast_in_dim3A_127, %mul3A_133, %dot_general3A_134 {dimension_numbers = #tpu.dot_dimension_numbers<[1], [0], [0], [1], [0, 0, 1, 1], [], []>, transpose_lhs_hint = false} : vector<1x4096xf32>, vector<4096x256xf32>, vector<1x256xf32> -> vector<1x256xf32>
    %mul3A_136 = arith.constant 2.44140625E-4 : f32
    %mul3A_137 = vector.broadcast %mul3A_136 : f32 to vector<1x256xf32>
    %mul3A_138 = arith.mulf %dot_general3A_135, %mul3A_137 : vector<1x256xf32>
    %mul3A_139 = arith.mulf %mul3A_132, %mul3A_132 : vector<1x256xf32>
    %sub3A_140 = arith.subf %mul3A_138, %mul3A_139 : vector<1x256xf32>
    %add3A_141 = arith.constant 9.99999974E-6 : f32
    %add3A_142 = vector.broadcast %add3A_141 : f32 to vector<1x256xf32>
    %add3A_143 = arith.addf %sub3A_140, %add3A_142 : vector<1x256xf32>
    %rsqrt3A_144 = math.rsqrt %add3A_143 : vector<1x256xf32>
    %mul3A_145 = arith.mulf %rsqrt3A_144, %get3A_122 : vector<1x256xf32>
    %mul3A_146 = vector.broadcast %mul3A_145 : vector<1x256xf32> to vector<4096x256xf32>
    %mul3A_147 = arith.mulf %add3A_119, %mul3A_146 : vector<4096x256xf32>
    %mul3A_148 = arith.mulf %mul3A_132, %mul3A_145 : vector<1x256xf32>
    %sub3A_149 = arith.subf %get3A_125, %mul3A_148 : vector<1x256xf32>
    %add3A_150 = vector.broadcast %sub3A_149 : vector<1x256xf32> to vector<4096x256xf32>
    %add3A_151 = arith.addf %mul3A_147, %add3A_150 : vector<4096x256xf32>
    %max3A = arith.constant 0.000000e+00 : f32
    %max3A_152 = vector.broadcast %max3A : f32 to vector<4096x256xf32>
    %max3A_153 = arith.maximumf %add3A_151, %max3A_152 : vector<4096x256xf32>
    %get3A_154 = arith.constant 0 : index
    %get3A_155 = arith.constant 0 : index
    %get3A_156 = vector.load %arg11[%get3A_154, %get3A_155] : memref<256x128xf32, #tpu.memory_space<vmem>>, vector<256x128xf32>
    %dot_general3A_157 = arith.constant dense<0.000000e+00> : vector<4096x128xf32>
    %dot_general3A_158 = tpu.matmul %max3A_153, %get3A_156, %dot_general3A_157 {dimension_numbers = #tpu.dot_dimension_numbers<[1], [0], [0], [1], [0, 0, 1, 1], [], []>, transpose_lhs_hint = false} : vector<4096x256xf32>, vector<256x128xf32>, vector<4096x128xf32> -> vector<4096x128xf32>
    %get3A_159 = arith.constant 0 : index
    %get3A_160 = arith.constant 0 : index
    %get3A_161 = vector.load %arg12[%get3A_159, %get3A_160] : memref<1x128xf32, #tpu.memory_space<vmem>>, vector<1x128xf32>
    %add3A_162 = vector.broadcast %get3A_161 : vector<1x128xf32> to vector<4096x128xf32>
    %add3A_163 = arith.addf %dot_general3A_158, %add3A_162 : vector<4096x128xf32>
    %get3A_164 = arith.constant 0 : index
    %get3A_165 = arith.constant 0 : index
    %get3A_166 = vector.load %arg13[%get3A_164, %get3A_165] : memref<2x128xf32, #tpu.memory_space<vmem>>, vector<1x128xf32>
    %get3A_167 = arith.constant 1 : index
    %get3A_168 = arith.constant 0 : index
    %get3A_169 = vector.load %arg13[%get3A_167, %get3A_168] : memref<2x128xf32, #tpu.memory_space<vmem>>, vector<1x128xf32>
    %broadcast_in_dim3A_170 = arith.constant 1.000000e+00 : f32
    %broadcast_in_dim3A_171 = vector.broadcast %broadcast_in_dim3A_170 : f32 to vector<1x4096xf32>
    %dot_general3A_172 = arith.constant dense<0.000000e+00> : vector<1x128xf32>
    %dot_general3A_173 = tpu.matmul %broadcast_in_dim3A_171, %add3A_163, %dot_general3A_172 {dimension_numbers = #tpu.dot_dimension_numbers<[1], [0], [0], [1], [0, 0, 1, 1], [], []>, transpose_lhs_hint = false} : vector<1x4096xf32>, vector<4096x128xf32>, vector<1x128xf32> -> vector<1x128xf32>
    %mul3A_174 = arith.constant 2.44140625E-4 : f32
    %mul3A_175 = vector.broadcast %mul3A_174 : f32 to vector<1x128xf32>
    %mul3A_176 = arith.mulf %dot_general3A_173, %mul3A_175 : vector<1x128xf32>
    %mul3A_177 = arith.mulf %add3A_163, %add3A_163 : vector<4096x128xf32>
    %dot_general3A_178 = arith.constant dense<0.000000e+00> : vector<1x128xf32>
    %dot_general3A_179 = tpu.matmul %broadcast_in_dim3A_171, %mul3A_177, %dot_general3A_178 {dimension_numbers = #tpu.dot_dimension_numbers<[1], [0], [0], [1], [0, 0, 1, 1], [], []>, transpose_lhs_hint = false} : vector<1x4096xf32>, vector<4096x128xf32>, vector<1x128xf32> -> vector<1x128xf32>
    %mul3A_180 = arith.constant 2.44140625E-4 : f32
    %mul3A_181 = vector.broadcast %mul3A_180 : f32 to vector<1x128xf32>
    %mul3A_182 = arith.mulf %dot_general3A_179, %mul3A_181 : vector<1x128xf32>
    %mul3A_183 = arith.mulf %mul3A_176, %mul3A_176 : vector<1x128xf32>
    %sub3A_184 = arith.subf %mul3A_182, %mul3A_183 : vector<1x128xf32>
    %add3A_185 = arith.constant 9.99999974E-6 : f32
    %add3A_186 = vector.broadcast %add3A_185 : f32 to vector<1x128xf32>
    %add3A_187 = arith.addf %sub3A_184, %add3A_186 : vector<1x128xf32>
    %rsqrt3A_188 = math.rsqrt %add3A_187 : vector<1x128xf32>
    %mul3A_189 = arith.mulf %rsqrt3A_188, %get3A_166 : vector<1x128xf32>
    %mul3A_190 = vector.broadcast %mul3A_189 : vector<1x128xf32> to vector<4096x128xf32>
    %mul3A_191 = arith.mulf %add3A_163, %mul3A_190 : vector<4096x128xf32>
    %mul3A_192 = arith.mulf %mul3A_176, %mul3A_189 : vector<1x128xf32>
    %sub3A_193 = arith.subf %get3A_169, %mul3A_192 : vector<1x128xf32>
    %add3A_194 = vector.broadcast %sub3A_193 : vector<1x128xf32> to vector<4096x128xf32>
    %add3A_195 = arith.addf %mul3A_191, %add3A_194 : vector<4096x128xf32>
    %max3A_196 = arith.constant 0.000000e+00 : f32
    %max3A_197 = vector.broadcast %max3A_196 : f32 to vector<4096x128xf32>
    %max3A_198 = arith.maximumf %add3A_195, %max3A_197 : vector<4096x128xf32>
    %broadcast_in_dim3A_199 = arith.constant 1.000000e+00 : f32
    %broadcast_in_dim3A_200 = vector.broadcast %broadcast_in_dim3A_199 : f32 to vector<1x4096xf32>
    %dot_general3A_201 = arith.constant dense<0.000000e+00> : vector<1x128xf32>
    %dot_general3A_202 = tpu.matmul %broadcast_in_dim3A_200, %max3A_198, %dot_general3A_201 {dimension_numbers = #tpu.dot_dimension_numbers<[1], [0], [0], [1], [0, 0, 1, 1], [], []>, transpose_lhs_hint = false} : vector<1x4096xf32>, vector<4096x128xf32>, vector<1x128xf32> -> vector<1x128xf32>
    %mul3A_203 = arith.constant 2.44140625E-4 : f32
    %mul3A_204 = vector.broadcast %mul3A_203 : f32 to vector<1x128xf32>
    %mul3A_205 = arith.mulf %dot_general3A_202, %mul3A_204 : vector<1x128xf32>
    %mul3A_206 = arith.mulf %max3A_198, %max3A_198 : vector<4096x128xf32>
    %dot_general3A_207 = arith.constant dense<0.000000e+00> : vector<1x128xf32>
    %dot_general3A_208 = tpu.matmul %broadcast_in_dim3A_200, %mul3A_206, %dot_general3A_207 {dimension_numbers = #tpu.dot_dimension_numbers<[1], [0], [0], [1], [0, 0, 1, 1], [], []>, transpose_lhs_hint = false} : vector<1x4096xf32>, vector<4096x128xf32>, vector<1x128xf32> -> vector<1x128xf32>
    %mul3A_209 = arith.constant 2.44140625E-4 : f32
    %mul3A_210 = vector.broadcast %mul3A_209 : f32 to vector<1x128xf32>
    %mul3A_211 = arith.mulf %dot_general3A_208, %mul3A_210 : vector<1x128xf32>
    %mul3A_212 = arith.mulf %mul3A_205, %mul3A_205 : vector<1x128xf32>
    %sub3A_213 = arith.subf %mul3A_211, %mul3A_212 : vector<1x128xf32>
    %add3A_214 = arith.constant 9.99999974E-6 : f32
    %add3A_215 = vector.broadcast %add3A_214 : f32 to vector<1x128xf32>
    %add3A_216 = arith.addf %sub3A_213, %add3A_215 : vector<1x128xf32>
    %rsqrt3A_217 = math.rsqrt %add3A_216 : vector<1x128xf32>
    %mul3A_218 = vector.broadcast %rsqrt3A_217 : vector<1x128xf32> to vector<4096x128xf32>
    %mul3A_219 = arith.mulf %max3A_198, %mul3A_218 : vector<4096x128xf32>
    %mul3A_220 = arith.mulf %mul3A_205, %rsqrt3A_217 : vector<1x128xf32>
    %sub3A_221 = vector.broadcast %mul3A_220 : vector<1x128xf32> to vector<4096x128xf32>
    %sub3A_222 = arith.subf %mul3A_219, %sub3A_221 : vector<4096x128xf32>
    %get3A_223 = arith.constant 0 : index
    %get3A_224 = arith.constant 0 : index
    %get3A_225 = vector.load %arg14[%get3A_223, %get3A_224] : memref<128x544xf32, #tpu.memory_space<vmem>>, vector<128x544xf32>
    %dot_general3A_226 = arith.constant dense<0.000000e+00> : vector<4096x544xf32>
    %dot_general3A_227 = tpu.matmul %sub3A_222, %get3A_225, %dot_general3A_226 {dimension_numbers = #tpu.dot_dimension_numbers<[1], [0], [0], [1], [0, 0, 1, 1], [], []>, transpose_lhs_hint = false} : vector<4096x128xf32>, vector<128x544xf32>, vector<4096x544xf32> -> vector<4096x544xf32>
    %get3A_228 = arith.constant 0 : index
    %get3A_229 = arith.constant 0 : index
    %get3A_230 = vector.load %arg15[%get3A_228, %get3A_229] : memref<1x544xf32, #tpu.memory_space<vmem>>, vector<1x544xf32>
    %add3A_231 = vector.broadcast %get3A_230 : vector<1x544xf32> to vector<4096x544xf32>
    %add3A_232 = arith.addf %dot_general3A_227, %add3A_231 : vector<4096x544xf32>
    %get3A_233 = arith.constant 0 : index
    %get3A_234 = arith.constant 0 : index
    %get3A_235 = vector.load %arg16[%get3A_233, %get3A_234] : memref<2x544xf32, #tpu.memory_space<vmem>>, vector<1x544xf32>
    %get3A_236 = arith.constant 1 : index
    %get3A_237 = arith.constant 0 : index
    %get3A_238 = vector.load %arg16[%get3A_236, %get3A_237] : memref<2x544xf32, #tpu.memory_space<vmem>>, vector<1x544xf32>
    %broadcast_in_dim3A_239 = arith.constant 1.000000e+00 : f32
    %broadcast_in_dim3A_240 = vector.broadcast %broadcast_in_dim3A_239 : f32 to vector<1x4096xf32>
    %dot_general3A_241 = arith.constant dense<0.000000e+00> : vector<1x544xf32>
    %dot_general3A_242 = tpu.matmul %broadcast_in_dim3A_240, %add3A_232, %dot_general3A_241 {dimension_numbers = #tpu.dot_dimension_numbers<[1], [0], [0], [1], [0, 0, 1, 1], [], []>, transpose_lhs_hint = false} : vector<1x4096xf32>, vector<4096x544xf32>, vector<1x544xf32> -> vector<1x544xf32>
    %mul3A_243 = arith.constant 2.44140625E-4 : f32
    %mul3A_244 = vector.broadcast %mul3A_243 : f32 to vector<1x544xf32>
    %mul3A_245 = arith.mulf %dot_general3A_242, %mul3A_244 : vector<1x544xf32>
    %mul3A_246 = arith.mulf %add3A_232, %add3A_232 : vector<4096x544xf32>
    %dot_general3A_247 = arith.constant dense<0.000000e+00> : vector<1x544xf32>
    %dot_general3A_248 = tpu.matmul %broadcast_in_dim3A_240, %mul3A_246, %dot_general3A_247 {dimension_numbers = #tpu.dot_dimension_numbers<[1], [0], [0], [1], [0, 0, 1, 1], [], []>, transpose_lhs_hint = false} : vector<1x4096xf32>, vector<4096x544xf32>, vector<1x544xf32> -> vector<1x544xf32>
    %mul3A_249 = arith.constant 2.44140625E-4 : f32
    %mul3A_250 = vector.broadcast %mul3A_249 : f32 to vector<1x544xf32>
    %mul3A_251 = arith.mulf %dot_general3A_248, %mul3A_250 : vector<1x544xf32>
    %mul3A_252 = arith.mulf %mul3A_245, %mul3A_245 : vector<1x544xf32>
    %sub3A_253 = arith.subf %mul3A_251, %mul3A_252 : vector<1x544xf32>
    %add3A_254 = arith.constant 9.99999974E-6 : f32
    %add3A_255 = vector.broadcast %add3A_254 : f32 to vector<1x544xf32>
    %add3A_256 = arith.addf %sub3A_253, %add3A_255 : vector<1x544xf32>
    %rsqrt3A_257 = math.rsqrt %add3A_256 : vector<1x544xf32>
    %mul3A_258 = arith.mulf %rsqrt3A_257, %get3A_235 : vector<1x544xf32>
    %mul3A_259 = vector.broadcast %mul3A_258 : vector<1x544xf32> to vector<4096x544xf32>
    %mul3A_260 = arith.mulf %add3A_232, %mul3A_259 : vector<4096x544xf32>
    %mul3A_261 = arith.mulf %mul3A_245, %mul3A_258 : vector<1x544xf32>
    %sub3A_262 = arith.subf %get3A_238, %mul3A_261 : vector<1x544xf32>
    %add3A_263 = vector.broadcast %sub3A_262 : vector<1x544xf32> to vector<4096x544xf32>
    %add3A_264 = arith.addf %mul3A_260, %add3A_263 : vector<4096x544xf32>
    %max3A_265 = arith.constant 0.000000e+00 : f32
    %max3A_266 = vector.broadcast %max3A_265 : f32 to vector<4096x544xf32>
    %max3A_267 = arith.maximumf %add3A_264, %max3A_266 : vector<4096x544xf32>
    %slice3A = vector.extract_strided_slice %max3A_267 {offsets = [0, 0], sizes = [4096, 64], strides = [1, 1]} : vector<4096x544xf32> to vector<4096x64xf32>
    %get3A_268 = arith.constant 0 : index
    %get3A_269 = arith.constant 0 : index
    %get3A_270 = arith.constant 0 : index
    %get3A_271 = vector.load %arg17[%get3A_268, %get3A_269, %get3A_270] : memref<7x64x32xf32, #tpu.memory_space<vmem>>, vector<1x64x32xf32>
    %get3A_272 = vector.shape_cast %get3A_271 : vector<1x64x32xf32> to vector<64x32xf32>
    %dot_general3A_273 = arith.constant dense<0.000000e+00> : vector<4096x32xf32>
    %dot_general3A_274 = tpu.matmul %slice3A, %get3A_272, %dot_general3A_273 {dimension_numbers = #tpu.dot_dimension_numbers<[1], [0], [0], [1], [0, 0, 1, 1], [], []>, transpose_lhs_hint = false} : vector<4096x64xf32>, vector<64x32xf32>, vector<4096x32xf32> -> vector<4096x32xf32>
    %get3A_275 = arith.constant 0 : index
    %get3A_276 = arith.constant 0 : index
    %get3A_277 = vector.load %arg18[%get3A_275, %get3A_276] : memref<7x32xf32, #tpu.memory_space<vmem>>, vector<1x32xf32>
    %add3A_278 = vector.broadcast %get3A_277 : vector<1x32xf32> to vector<4096x32xf32>
    %add3A_279 = arith.addf %dot_general3A_274, %add3A_278 : vector<4096x32xf32>
    %get3A_280 = arith.constant 0 : index
    %get3A_281 = arith.constant 0 : index
    %get3A_282 = vector.load %arg19[%get3A_280, %get3A_281] : memref<14x32xf32, #tpu.memory_space<vmem>>, vector<1x32xf32>
    %get3A_283 = arith.constant 1 : index
    %get3A_284 = arith.constant 0 : index
    %get3A_285 = vector.load %arg19[%get3A_283, %get3A_284] : memref<14x32xf32, #tpu.memory_space<vmem>>, vector<1x32xf32>
    %broadcast_in_dim3A_286 = arith.constant 1.000000e+00 : f32
    %broadcast_in_dim3A_287 = vector.broadcast %broadcast_in_dim3A_286 : f32 to vector<1x4096xf32>
    %dot_general3A_288 = arith.constant dense<0.000000e+00> : vector<1x32xf32>
    %dot_general3A_289 = tpu.matmul %broadcast_in_dim3A_287, %add3A_279, %dot_general3A_288 {dimension_numbers = #tpu.dot_dimension_numbers<[1], [0], [0], [1], [0, 0, 1, 1], [], []>, transpose_lhs_hint = false} : vector<1x4096xf32>, vector<4096x32xf32>, vector<1x32xf32> -> vector<1x32xf32>
    %mul3A_290 = arith.constant 2.44140625E-4 : f32
    %mul3A_291 = vector.broadcast %mul3A_290 : f32 to vector<1x32xf32>
    %mul3A_292 = arith.mulf %dot_general3A_289, %mul3A_291 : vector<1x32xf32>
    %mul3A_293 = arith.mulf %add3A_279, %add3A_279 : vector<4096x32xf32>
    %dot_general3A_294 = arith.constant dense<0.000000e+00> : vector<1x32xf32>
    %dot_general3A_295 = tpu.matmul %broadcast_in_dim3A_287, %mul3A_293, %dot_general3A_294 {dimension_numbers = #tpu.dot_dimension_numbers<[1], [0], [0], [1], [0, 0, 1, 1], [], []>, transpose_lhs_hint = false} : vector<1x4096xf32>, vector<4096x32xf32>, vector<1x32xf32> -> vector<1x32xf32>
    %mul3A_296 = arith.constant 2.44140625E-4 : f32
    %mul3A_297 = vector.broadcast %mul3A_296 : f32 to vector<1x32xf32>
    %mul3A_298 = arith.mulf %dot_general3A_295, %mul3A_297 : vector<1x32xf32>
    %mul3A_299 = arith.mulf %mul3A_292, %mul3A_292 : vector<1x32xf32>
    %sub3A_300 = arith.subf %mul3A_298, %mul3A_299 : vector<1x32xf32>
    %add3A_301 = arith.constant 9.99999974E-6 : f32
    %add3A_302 = vector.broadcast %add3A_301 : f32 to vector<1x32xf32>
    %add3A_303 = arith.addf %sub3A_300, %add3A_302 : vector<1x32xf32>
    %rsqrt3A_304 = math.rsqrt %add3A_303 : vector<1x32xf32>
    %mul3A_305 = arith.mulf %rsqrt3A_304, %get3A_282 : vector<1x32xf32>
    %mul3A_306 = vector.broadcast %mul3A_305 : vector<1x32xf32> to vector<4096x32xf32>
    %mul3A_307 = arith.mulf %add3A_279, %mul3A_306 : vector<4096x32xf32>
    %mul3A_308 = arith.mulf %mul3A_292, %mul3A_305 : vector<1x32xf32>
    %sub3A_309 = arith.subf %get3A_285, %mul3A_308 : vector<1x32xf32>
    %add3A_310 = vector.broadcast %sub3A_309 : vector<1x32xf32> to vector<4096x32xf32>
    %add3A_311 = arith.addf %mul3A_307, %add3A_310 : vector<4096x32xf32>
    %max3A_312 = arith.constant 0.000000e+00 : f32
    %max3A_313 = vector.broadcast %max3A_312 : f32 to vector<4096x32xf32>
    %max3A_314 = arith.maximumf %add3A_311, %max3A_313 : vector<4096x32xf32>
    %get3A_315 = arith.constant 0 : index
    %get3A_316 = arith.constant 0 : index
    %get3A_317 = vector.load %arg20[%get3A_315, %get3A_316] : memref<7x32xf32, #tpu.memory_space<vmem>>, vector<1x32xf32>
    %mul3A_318 = vector.broadcast %get3A_317 : vector<1x32xf32> to vector<4096x32xf32>
    %mul3A_319 = arith.mulf %max3A_314, %mul3A_318 : vector<4096x32xf32>
    %reduce_sum3A = arith.constant dense<0.000000e+00> : vector<4096xf32>
    %reduce_sum3A_320 = vector.multi_reduction <add>, %mul3A_319, %reduce_sum3A [1] : vector<4096x32xf32> to vector<4096xf32>
    %broadcast_in_dim3A_321 = vector.shape_cast %reduce_sum3A_320 : vector<4096xf32> to vector<4096x1xf32>
    %get3A_322 = arith.constant 0 : index
    %get3A_323 = arith.constant 0 : index
    %get3A_324 = vector.load %arg21[%get3A_322, %get3A_323] : memref<7x1xf32, #tpu.memory_space<vmem>>, vector<1x1xf32>
    %add3A_325 = vector.broadcast %get3A_324 : vector<1x1xf32> to vector<4096x1xf32>
    %add3A_326 = arith.addf %broadcast_in_dim3A_321, %add3A_325 : vector<4096x1xf32>
    %get3A_327 = arith.constant 0 : index
    %get3A_328 = arith.constant 0 : index
    %get3A_329 = vector.load %arg22[%get3A_327, %get3A_328] : memref<7x2xf32, #tpu.memory_space<vmem>>, vector<1x1xf32>
    %get3A_330 = arith.constant 0 : index
    %get3A_331 = arith.constant 1 : index
    %get3A_332 = vector.load %arg22[%get3A_330, %get3A_331] : memref<7x2xf32, #tpu.memory_space<vmem>>, vector<1x1xf32>
    %broadcast_in_dim3A_333 = arith.constant 1.000000e+00 : f32
    %broadcast_in_dim3A_334 = vector.broadcast %broadcast_in_dim3A_333 : f32 to vector<1x4096xf32>
    %dot_general3A_335 = arith.constant dense<0.000000e+00> : vector<1x1xf32>
    %dot_general3A_336 = tpu.matmul %broadcast_in_dim3A_334, %add3A_326, %dot_general3A_335 {dimension_numbers = #tpu.dot_dimension_numbers<[1], [0], [0], [1], [0, 0, 1, 1], [], []>, transpose_lhs_hint = false} : vector<1x4096xf32>, vector<4096x1xf32>, vector<1x1xf32> -> vector<1x1xf32>
    %mul3A_337 = arith.constant 2.44140625E-4 : f32
    %mul3A_338 = vector.broadcast %mul3A_337 : f32 to vector<1x1xf32>
    %mul3A_339 = arith.mulf %dot_general3A_336, %mul3A_338 : vector<1x1xf32>
    %mul3A_340 = arith.mulf %add3A_326, %add3A_326 : vector<4096x1xf32>
    %dot_general3A_341 = arith.constant dense<0.000000e+00> : vector<1x1xf32>
    %dot_general3A_342 = tpu.matmul %broadcast_in_dim3A_334, %mul3A_340, %dot_general3A_341 {dimension_numbers = #tpu.dot_dimension_numbers<[1], [0], [0], [1], [0, 0, 1, 1], [], []>, transpose_lhs_hint = false} : vector<1x4096xf32>, vector<4096x1xf32>, vector<1x1xf32> -> vector<1x1xf32>
    %mul3A_343 = arith.constant 2.44140625E-4 : f32
    %mul3A_344 = vector.broadcast %mul3A_343 : f32 to vector<1x1xf32>
    %mul3A_345 = arith.mulf %dot_general3A_342, %mul3A_344 : vector<1x1xf32>
    %mul3A_346 = arith.mulf %mul3A_339, %mul3A_339 : vector<1x1xf32>
    %sub3A_347 = arith.subf %mul3A_345, %mul3A_346 : vector<1x1xf32>
    %add3A_348 = arith.constant 9.99999974E-6 : f32
    %add3A_349 = vector.broadcast %add3A_348 : f32 to vector<1x1xf32>
    %add3A_350 = arith.addf %sub3A_347, %add3A_349 : vector<1x1xf32>
    %rsqrt3A_351 = math.rsqrt %add3A_350 : vector<1x1xf32>
    %mul3A_352 = arith.mulf %rsqrt3A_351, %get3A_329 : vector<1x1xf32>
    %mul3A_353 = vector.broadcast %mul3A_352 : vector<1x1xf32> to vector<4096x1xf32>
    %mul3A_354 = arith.mulf %add3A_326, %mul3A_353 : vector<4096x1xf32>
    %mul3A_355 = arith.mulf %mul3A_339, %mul3A_352 : vector<1x1xf32>
    %sub3A_356 = arith.subf %get3A_332, %mul3A_355 : vector<1x1xf32>
    %add3A_357 = vector.broadcast %sub3A_356 : vector<1x1xf32> to vector<4096x1xf32>
    %add3A_358 = arith.addf %mul3A_354, %add3A_357 : vector<4096x1xf32>
    %logistic3A = arith.negf %add3A_358 : vector<4096x1xf32>
    %logistic3A_359 = math.exp %logistic3A : vector<4096x1xf32>
    %logistic3A_360 = arith.constant 1.000000e+00 : f32
    %logistic3A_361 = vector.broadcast %logistic3A_360 : f32 to vector<4096x1xf32>
    %logistic3A_362 = arith.addf %logistic3A_361, %logistic3A_359 : vector<4096x1xf32>
    %logistic3A_363 = arith.divf %logistic3A_361, %logistic3A_362 : vector<4096x1xf32>
    %slice3A_364 = vector.extract_strided_slice %max3A_267 {offsets = [0, 64], sizes = [4096, 64], strides = [1, 1]} : vector<4096x544xf32> to vector<4096x64xf32>
    %get3A_365 = arith.constant 1 : index
    %get3A_366 = arith.constant 0 : index
    %get3A_367 = arith.constant 0 : index
    %get3A_368 = vector.load %arg17[%get3A_365, %get3A_366, %get3A_367] : memref<7x64x32xf32, #tpu.memory_space<vmem>>, vector<1x64x32xf32>
    %get3A_369 = vector.shape_cast %get3A_368 : vector<1x64x32xf32> to vector<64x32xf32>
    %dot_general3A_370 = arith.constant dense<0.000000e+00> : vector<4096x32xf32>
    %dot_general3A_371 = tpu.matmul %slice3A_364, %get3A_369, %dot_general3A_370 {dimension_numbers = #tpu.dot_dimension_numbers<[1], [0], [0], [1], [0, 0, 1, 1], [], []>, transpose_lhs_hint = false} : vector<4096x64xf32>, vector<64x32xf32>, vector<4096x32xf32> -> vector<4096x32xf32>
    %get3A_372 = arith.constant 1 : index
    %get3A_373 = arith.constant 0 : index
    %get3A_374 = vector.load %arg18[%get3A_372, %get3A_373] : memref<7x32xf32, #tpu.memory_space<vmem>>, vector<1x32xf32>
    %add3A_375 = vector.broadcast %get3A_374 : vector<1x32xf32> to vector<4096x32xf32>
    %add3A_376 = arith.addf %dot_general3A_371, %add3A_375 : vector<4096x32xf32>
    %get3A_377 = arith.constant 2 : index
    %get3A_378 = arith.constant 0 : index
    %get3A_379 = vector.load %arg19[%get3A_377, %get3A_378] : memref<14x32xf32, #tpu.memory_space<vmem>>, vector<1x32xf32>
    %get3A_380 = arith.constant 3 : index
    %get3A_381 = arith.constant 0 : index
    %get3A_382 = vector.load %arg19[%get3A_380, %get3A_381] : memref<14x32xf32, #tpu.memory_space<vmem>>, vector<1x32xf32>
    %broadcast_in_dim3A_383 = arith.constant 1.000000e+00 : f32
    %broadcast_in_dim3A_384 = vector.broadcast %broadcast_in_dim3A_383 : f32 to vector<1x4096xf32>
    %dot_general3A_385 = arith.constant dense<0.000000e+00> : vector<1x32xf32>
    %dot_general3A_386 = tpu.matmul %broadcast_in_dim3A_384, %add3A_376, %dot_general3A_385 {dimension_numbers = #tpu.dot_dimension_numbers<[1], [0], [0], [1], [0, 0, 1, 1], [], []>, transpose_lhs_hint = false} : vector<1x4096xf32>, vector<4096x32xf32>, vector<1x32xf32> -> vector<1x32xf32>
    %mul3A_387 = arith.constant 2.44140625E-4 : f32
    %mul3A_388 = vector.broadcast %mul3A_387 : f32 to vector<1x32xf32>
    %mul3A_389 = arith.mulf %dot_general3A_386, %mul3A_388 : vector<1x32xf32>
    %mul3A_390 = arith.mulf %add3A_376, %add3A_376 : vector<4096x32xf32>
    %dot_general3A_391 = arith.constant dense<0.000000e+00> : vector<1x32xf32>
    %dot_general3A_392 = tpu.matmul %broadcast_in_dim3A_384, %mul3A_390, %dot_general3A_391 {dimension_numbers = #tpu.dot_dimension_numbers<[1], [0], [0], [1], [0, 0, 1, 1], [], []>, transpose_lhs_hint = false} : vector<1x4096xf32>, vector<4096x32xf32>, vector<1x32xf32> -> vector<1x32xf32>
    %mul3A_393 = arith.constant 2.44140625E-4 : f32
    %mul3A_394 = vector.broadcast %mul3A_393 : f32 to vector<1x32xf32>
    %mul3A_395 = arith.mulf %dot_general3A_392, %mul3A_394 : vector<1x32xf32>
    %mul3A_396 = arith.mulf %mul3A_389, %mul3A_389 : vector<1x32xf32>
    %sub3A_397 = arith.subf %mul3A_395, %mul3A_396 : vector<1x32xf32>
    %add3A_398 = arith.constant 9.99999974E-6 : f32
    %add3A_399 = vector.broadcast %add3A_398 : f32 to vector<1x32xf32>
    %add3A_400 = arith.addf %sub3A_397, %add3A_399 : vector<1x32xf32>
    %rsqrt3A_401 = math.rsqrt %add3A_400 : vector<1x32xf32>
    %mul3A_402 = arith.mulf %rsqrt3A_401, %get3A_379 : vector<1x32xf32>
    %mul3A_403 = vector.broadcast %mul3A_402 : vector<1x32xf32> to vector<4096x32xf32>
    %mul3A_404 = arith.mulf %add3A_376, %mul3A_403 : vector<4096x32xf32>
    %mul3A_405 = arith.mulf %mul3A_389, %mul3A_402 : vector<1x32xf32>
    %sub3A_406 = arith.subf %get3A_382, %mul3A_405 : vector<1x32xf32>
    %add3A_407 = vector.broadcast %sub3A_406 : vector<1x32xf32> to vector<4096x32xf32>
    %add3A_408 = arith.addf %mul3A_404, %add3A_407 : vector<4096x32xf32>
    %max3A_409 = arith.constant 0.000000e+00 : f32
    %max3A_410 = vector.broadcast %max3A_409 : f32 to vector<4096x32xf32>
    %max3A_411 = arith.maximumf %add3A_408, %max3A_410 : vector<4096x32xf32>
    %get3A_412 = arith.constant 1 : index
    %get3A_413 = arith.constant 0 : index
    %get3A_414 = vector.load %arg20[%get3A_412, %get3A_413] : memref<7x32xf32, #tpu.memory_space<vmem>>, vector<1x32xf32>
    %mul3A_415 = vector.broadcast %get3A_414 : vector<1x32xf32> to vector<4096x32xf32>
    %mul3A_416 = arith.mulf %max3A_411, %mul3A_415 : vector<4096x32xf32>
    %reduce_sum3A_417 = arith.constant dense<0.000000e+00> : vector<4096xf32>
    %reduce_sum3A_418 = vector.multi_reduction <add>, %mul3A_416, %reduce_sum3A_417 [1] : vector<4096x32xf32> to vector<4096xf32>
    %broadcast_in_dim3A_419 = vector.shape_cast %reduce_sum3A_418 : vector<4096xf32> to vector<4096x1xf32>
    %get3A_420 = arith.constant 1 : index
    %get3A_421 = arith.constant 0 : index
    %get3A_422 = vector.load %arg21[%get3A_420, %get3A_421] : memref<7x1xf32, #tpu.memory_space<vmem>>, vector<1x1xf32>
    %add3A_423 = vector.broadcast %get3A_422 : vector<1x1xf32> to vector<4096x1xf32>
    %add3A_424 = arith.addf %broadcast_in_dim3A_419, %add3A_423 : vector<4096x1xf32>
    %get3A_425 = arith.constant 1 : index
    %get3A_426 = arith.constant 0 : index
    %get3A_427 = vector.load %arg22[%get3A_425, %get3A_426] : memref<7x2xf32, #tpu.memory_space<vmem>>, vector<1x1xf32>
    %get3A_428 = arith.constant 1 : index
    %get3A_429 = arith.constant 1 : index
    %get3A_430 = vector.load %arg22[%get3A_428, %get3A_429] : memref<7x2xf32, #tpu.memory_space<vmem>>, vector<1x1xf32>
    %broadcast_in_dim3A_431 = arith.constant 1.000000e+00 : f32
    %broadcast_in_dim3A_432 = vector.broadcast %broadcast_in_dim3A_431 : f32 to vector<1x4096xf32>
    %dot_general3A_433 = arith.constant dense<0.000000e+00> : vector<1x1xf32>
    %dot_general3A_434 = tpu.matmul %broadcast_in_dim3A_432, %add3A_424, %dot_general3A_433 {dimension_numbers = #tpu.dot_dimension_numbers<[1], [0], [0], [1], [0, 0, 1, 1], [], []>, transpose_lhs_hint = false} : vector<1x4096xf32>, vector<4096x1xf32>, vector<1x1xf32> -> vector<1x1xf32>
    %mul3A_435 = arith.constant 2.44140625E-4 : f32
    %mul3A_436 = vector.broadcast %mul3A_435 : f32 to vector<1x1xf32>
    %mul3A_437 = arith.mulf %dot_general3A_434, %mul3A_436 : vector<1x1xf32>
    %mul3A_438 = arith.mulf %add3A_424, %add3A_424 : vector<4096x1xf32>
    %dot_general3A_439 = arith.constant dense<0.000000e+00> : vector<1x1xf32>
    %dot_general3A_440 = tpu.matmul %broadcast_in_dim3A_432, %mul3A_438, %dot_general3A_439 {dimension_numbers = #tpu.dot_dimension_numbers<[1], [0], [0], [1], [0, 0, 1, 1], [], []>, transpose_lhs_hint = false} : vector<1x4096xf32>, vector<4096x1xf32>, vector<1x1xf32> -> vector<1x1xf32>
    %mul3A_441 = arith.constant 2.44140625E-4 : f32
    %mul3A_442 = vector.broadcast %mul3A_441 : f32 to vector<1x1xf32>
    %mul3A_443 = arith.mulf %dot_general3A_440, %mul3A_442 : vector<1x1xf32>
    %mul3A_444 = arith.mulf %mul3A_437, %mul3A_437 : vector<1x1xf32>
    %sub3A_445 = arith.subf %mul3A_443, %mul3A_444 : vector<1x1xf32>
    %add3A_446 = arith.constant 9.99999974E-6 : f32
    %add3A_447 = vector.broadcast %add3A_446 : f32 to vector<1x1xf32>
    %add3A_448 = arith.addf %sub3A_445, %add3A_447 : vector<1x1xf32>
    %rsqrt3A_449 = math.rsqrt %add3A_448 : vector<1x1xf32>
    %mul3A_450 = arith.mulf %rsqrt3A_449, %get3A_427 : vector<1x1xf32>
    %mul3A_451 = vector.broadcast %mul3A_450 : vector<1x1xf32> to vector<4096x1xf32>
    %mul3A_452 = arith.mulf %add3A_424, %mul3A_451 : vector<4096x1xf32>
    %mul3A_453 = arith.mulf %mul3A_437, %mul3A_450 : vector<1x1xf32>
    %sub3A_454 = arith.subf %get3A_430, %mul3A_453 : vector<1x1xf32>
    %add3A_455 = vector.broadcast %sub3A_454 : vector<1x1xf32> to vector<4096x1xf32>
    %add3A_456 = arith.addf %mul3A_452, %add3A_455 : vector<4096x1xf32>
    %logistic3A_457 = arith.negf %add3A_456 : vector<4096x1xf32>
    %logistic3A_458 = math.exp %logistic3A_457 : vector<4096x1xf32>
    %logistic3A_459 = arith.constant 1.000000e+00 : f32
    %logistic3A_460 = vector.broadcast %logistic3A_459 : f32 to vector<4096x1xf32>
    %logistic3A_461 = arith.addf %logistic3A_460, %logistic3A_458 : vector<4096x1xf32>
    %logistic3A_462 = arith.divf %logistic3A_460, %logistic3A_461 : vector<4096x1xf32>
    %slice3A_463 = vector.extract_strided_slice %max3A_267 {offsets = [0, 128], sizes = [4096, 64], strides = [1, 1]} : vector<4096x544xf32> to vector<4096x64xf32>
    %get3A_464 = arith.constant 2 : index
    %get3A_465 = arith.constant 0 : index
    %get3A_466 = arith.constant 0 : index
    %get3A_467 = vector.load %arg17[%get3A_464, %get3A_465, %get3A_466] : memref<7x64x32xf32, #tpu.memory_space<vmem>>, vector<1x64x32xf32>
    %get3A_468 = vector.shape_cast %get3A_467 : vector<1x64x32xf32> to vector<64x32xf32>
    %dot_general3A_469 = arith.constant dense<0.000000e+00> : vector<4096x32xf32>
    %dot_general3A_470 = tpu.matmul %slice3A_463, %get3A_468, %dot_general3A_469 {dimension_numbers = #tpu.dot_dimension_numbers<[1], [0], [0], [1], [0, 0, 1, 1], [], []>, transpose_lhs_hint = false} : vector<4096x64xf32>, vector<64x32xf32>, vector<4096x32xf32> -> vector<4096x32xf32>
    %get3A_471 = arith.constant 2 : index
    %get3A_472 = arith.constant 0 : index
    %get3A_473 = vector.load %arg18[%get3A_471, %get3A_472] : memref<7x32xf32, #tpu.memory_space<vmem>>, vector<1x32xf32>
    %add3A_474 = vector.broadcast %get3A_473 : vector<1x32xf32> to vector<4096x32xf32>
    %add3A_475 = arith.addf %dot_general3A_470, %add3A_474 : vector<4096x32xf32>
    %get3A_476 = arith.constant 4 : index
    %get3A_477 = arith.constant 0 : index
    %get3A_478 = vector.load %arg19[%get3A_476, %get3A_477] : memref<14x32xf32, #tpu.memory_space<vmem>>, vector<1x32xf32>
    %get3A_479 = arith.constant 5 : index
    %get3A_480 = arith.constant 0 : index
    %get3A_481 = vector.load %arg19[%get3A_479, %get3A_480] : memref<14x32xf32, #tpu.memory_space<vmem>>, vector<1x32xf32>
    %broadcast_in_dim3A_482 = arith.constant 1.000000e+00 : f32
    %broadcast_in_dim3A_483 = vector.broadcast %broadcast_in_dim3A_482 : f32 to vector<1x4096xf32>
    %dot_general3A_484 = arith.constant dense<0.000000e+00> : vector<1x32xf32>
    %dot_general3A_485 = tpu.matmul %broadcast_in_dim3A_483, %add3A_475, %dot_general3A_484 {dimension_numbers = #tpu.dot_dimension_numbers<[1], [0], [0], [1], [0, 0, 1, 1], [], []>, transpose_lhs_hint = false} : vector<1x4096xf32>, vector<4096x32xf32>, vector<1x32xf32> -> vector<1x32xf32>
    %mul3A_486 = arith.constant 2.44140625E-4 : f32
    %mul3A_487 = vector.broadcast %mul3A_486 : f32 to vector<1x32xf32>
    %mul3A_488 = arith.mulf %dot_general3A_485, %mul3A_487 : vector<1x32xf32>
    %mul3A_489 = arith.mulf %add3A_475, %add3A_475 : vector<4096x32xf32>
    %dot_general3A_490 = arith.constant dense<0.000000e+00> : vector<1x32xf32>
    %dot_general3A_491 = tpu.matmul %broadcast_in_dim3A_483, %mul3A_489, %dot_general3A_490 {dimension_numbers = #tpu.dot_dimension_numbers<[1], [0], [0], [1], [0, 0, 1, 1], [], []>, transpose_lhs_hint = false} : vector<1x4096xf32>, vector<4096x32xf32>, vector<1x32xf32> -> vector<1x32xf32>
    %mul3A_492 = arith.constant 2.44140625E-4 : f32
    %mul3A_493 = vector.broadcast %mul3A_492 : f32 to vector<1x32xf32>
    %mul3A_494 = arith.mulf %dot_general3A_491, %mul3A_493 : vector<1x32xf32>
    %mul3A_495 = arith.mulf %mul3A_488, %mul3A_488 : vector<1x32xf32>
    %sub3A_496 = arith.subf %mul3A_494, %mul3A_495 : vector<1x32xf32>
    %add3A_497 = arith.constant 9.99999974E-6 : f32
    %add3A_498 = vector.broadcast %add3A_497 : f32 to vector<1x32xf32>
    %add3A_499 = arith.addf %sub3A_496, %add3A_498 : vector<1x32xf32>
    %rsqrt3A_500 = math.rsqrt %add3A_499 : vector<1x32xf32>
    %mul3A_501 = arith.mulf %rsqrt3A_500, %get3A_478 : vector<1x32xf32>
    %mul3A_502 = vector.broadcast %mul3A_501 : vector<1x32xf32> to vector<4096x32xf32>
    %mul3A_503 = arith.mulf %add3A_475, %mul3A_502 : vector<4096x32xf32>
    %mul3A_504 = arith.mulf %mul3A_488, %mul3A_501 : vector<1x32xf32>
    %sub3A_505 = arith.subf %get3A_481, %mul3A_504 : vector<1x32xf32>
    %add3A_506 = vector.broadcast %sub3A_505 : vector<1x32xf32> to vector<4096x32xf32>
    %add3A_507 = arith.addf %mul3A_503, %add3A_506 : vector<4096x32xf32>
    %max3A_508 = arith.constant 0.000000e+00 : f32
    %max3A_509 = vector.broadcast %max3A_508 : f32 to vector<4096x32xf32>
    %max3A_510 = arith.maximumf %add3A_507, %max3A_509 : vector<4096x32xf32>
    %get3A_511 = arith.constant 2 : index
    %get3A_512 = arith.constant 0 : index
    %get3A_513 = vector.load %arg20[%get3A_511, %get3A_512] : memref<7x32xf32, #tpu.memory_space<vmem>>, vector<1x32xf32>
    %mul3A_514 = vector.broadcast %get3A_513 : vector<1x32xf32> to vector<4096x32xf32>
    %mul3A_515 = arith.mulf %max3A_510, %mul3A_514 : vector<4096x32xf32>
    %reduce_sum3A_516 = arith.constant dense<0.000000e+00> : vector<4096xf32>
    %reduce_sum3A_517 = vector.multi_reduction <add>, %mul3A_515, %reduce_sum3A_516 [1] : vector<4096x32xf32> to vector<4096xf32>
    %broadcast_in_dim3A_518 = vector.shape_cast %reduce_sum3A_517 : vector<4096xf32> to vector<4096x1xf32>
    %get3A_519 = arith.constant 2 : index
    %get3A_520 = arith.constant 0 : index
    %get3A_521 = vector.load %arg21[%get3A_519, %get3A_520] : memref<7x1xf32, #tpu.memory_space<vmem>>, vector<1x1xf32>
    %add3A_522 = vector.broadcast %get3A_521 : vector<1x1xf32> to vector<4096x1xf32>
    %add3A_523 = arith.addf %broadcast_in_dim3A_518, %add3A_522 : vector<4096x1xf32>
    %get3A_524 = arith.constant 2 : index
    %get3A_525 = arith.constant 0 : index
    %get3A_526 = vector.load %arg22[%get3A_524, %get3A_525] : memref<7x2xf32, #tpu.memory_space<vmem>>, vector<1x1xf32>
    %get3A_527 = arith.constant 2 : index
    %get3A_528 = arith.constant 1 : index
    %get3A_529 = vector.load %arg22[%get3A_527, %get3A_528] : memref<7x2xf32, #tpu.memory_space<vmem>>, vector<1x1xf32>
    %broadcast_in_dim3A_530 = arith.constant 1.000000e+00 : f32
    %broadcast_in_dim3A_531 = vector.broadcast %broadcast_in_dim3A_530 : f32 to vector<1x4096xf32>
    %dot_general3A_532 = arith.constant dense<0.000000e+00> : vector<1x1xf32>
    %dot_general3A_533 = tpu.matmul %broadcast_in_dim3A_531, %add3A_523, %dot_general3A_532 {dimension_numbers = #tpu.dot_dimension_numbers<[1], [0], [0], [1], [0, 0, 1, 1], [], []>, transpose_lhs_hint = false} : vector<1x4096xf32>, vector<4096x1xf32>, vector<1x1xf32> -> vector<1x1xf32>
    %mul3A_534 = arith.constant 2.44140625E-4 : f32
    %mul3A_535 = vector.broadcast %mul3A_534 : f32 to vector<1x1xf32>
    %mul3A_536 = arith.mulf %dot_general3A_533, %mul3A_535 : vector<1x1xf32>
    %mul3A_537 = arith.mulf %add3A_523, %add3A_523 : vector<4096x1xf32>
    %dot_general3A_538 = arith.constant dense<0.000000e+00> : vector<1x1xf32>
    %dot_general3A_539 = tpu.matmul %broadcast_in_dim3A_531, %mul3A_537, %dot_general3A_538 {dimension_numbers = #tpu.dot_dimension_numbers<[1], [0], [0], [1], [0, 0, 1, 1], [], []>, transpose_lhs_hint = false} : vector<1x4096xf32>, vector<4096x1xf32>, vector<1x1xf32> -> vector<1x1xf32>
    %mul3A_540 = arith.constant 2.44140625E-4 : f32
    %mul3A_541 = vector.broadcast %mul3A_540 : f32 to vector<1x1xf32>
    %mul3A_542 = arith.mulf %dot_general3A_539, %mul3A_541 : vector<1x1xf32>
    %mul3A_543 = arith.mulf %mul3A_536, %mul3A_536 : vector<1x1xf32>
    %sub3A_544 = arith.subf %mul3A_542, %mul3A_543 : vector<1x1xf32>
    %add3A_545 = arith.constant 9.99999974E-6 : f32
    %add3A_546 = vector.broadcast %add3A_545 : f32 to vector<1x1xf32>
    %add3A_547 = arith.addf %sub3A_544, %add3A_546 : vector<1x1xf32>
    %rsqrt3A_548 = math.rsqrt %add3A_547 : vector<1x1xf32>
    %mul3A_549 = arith.mulf %rsqrt3A_548, %get3A_526 : vector<1x1xf32>
    %mul3A_550 = vector.broadcast %mul3A_549 : vector<1x1xf32> to vector<4096x1xf32>
    %mul3A_551 = arith.mulf %add3A_523, %mul3A_550 : vector<4096x1xf32>
    %mul3A_552 = arith.mulf %mul3A_536, %mul3A_549 : vector<1x1xf32>
    %sub3A_553 = arith.subf %get3A_529, %mul3A_552 : vector<1x1xf32>
    %add3A_554 = vector.broadcast %sub3A_553 : vector<1x1xf32> to vector<4096x1xf32>
    %add3A_555 = arith.addf %mul3A_551, %add3A_554 : vector<4096x1xf32>
    %logistic3A_556 = arith.negf %add3A_555 : vector<4096x1xf32>
    %logistic3A_557 = math.exp %logistic3A_556 : vector<4096x1xf32>
    %logistic3A_558 = arith.constant 1.000000e+00 : f32
    %logistic3A_559 = vector.broadcast %logistic3A_558 : f32 to vector<4096x1xf32>
    %logistic3A_560 = arith.addf %logistic3A_559, %logistic3A_557 : vector<4096x1xf32>
    %logistic3A_561 = arith.divf %logistic3A_559, %logistic3A_560 : vector<4096x1xf32>
    %slice3A_562 = vector.extract_strided_slice %max3A_267 {offsets = [0, 192], sizes = [4096, 64], strides = [1, 1]} : vector<4096x544xf32> to vector<4096x64xf32>
    %get3A_563 = arith.constant 3 : index
    %get3A_564 = arith.constant 0 : index
    %get3A_565 = arith.constant 0 : index
    %get3A_566 = vector.load %arg17[%get3A_563, %get3A_564, %get3A_565] : memref<7x64x32xf32, #tpu.memory_space<vmem>>, vector<1x64x32xf32>
    %get3A_567 = vector.shape_cast %get3A_566 : vector<1x64x32xf32> to vector<64x32xf32>
    %dot_general3A_568 = arith.constant dense<0.000000e+00> : vector<4096x32xf32>
    %dot_general3A_569 = tpu.matmul %slice3A_562, %get3A_567, %dot_general3A_568 {dimension_numbers = #tpu.dot_dimension_numbers<[1], [0], [0], [1], [0, 0, 1, 1], [], []>, transpose_lhs_hint = false} : vector<4096x64xf32>, vector<64x32xf32>, vector<4096x32xf32> -> vector<4096x32xf32>
    %get3A_570 = arith.constant 3 : index
    %get3A_571 = arith.constant 0 : index
    %get3A_572 = vector.load %arg18[%get3A_570, %get3A_571] : memref<7x32xf32, #tpu.memory_space<vmem>>, vector<1x32xf32>
    %add3A_573 = vector.broadcast %get3A_572 : vector<1x32xf32> to vector<4096x32xf32>
    %add3A_574 = arith.addf %dot_general3A_569, %add3A_573 : vector<4096x32xf32>
    %get3A_575 = arith.constant 6 : index
    %get3A_576 = arith.constant 0 : index
    %get3A_577 = vector.load %arg19[%get3A_575, %get3A_576] : memref<14x32xf32, #tpu.memory_space<vmem>>, vector<1x32xf32>
    %get3A_578 = arith.constant 7 : index
    %get3A_579 = arith.constant 0 : index
    %get3A_580 = vector.load %arg19[%get3A_578, %get3A_579] : memref<14x32xf32, #tpu.memory_space<vmem>>, vector<1x32xf32>
    %broadcast_in_dim3A_581 = arith.constant 1.000000e+00 : f32
    %broadcast_in_dim3A_582 = vector.broadcast %broadcast_in_dim3A_581 : f32 to vector<1x4096xf32>
    %dot_general3A_583 = arith.constant dense<0.000000e+00> : vector<1x32xf32>
    %dot_general3A_584 = tpu.matmul %broadcast_in_dim3A_582, %add3A_574, %dot_general3A_583 {dimension_numbers = #tpu.dot_dimension_numbers<[1], [0], [0], [1], [0, 0, 1, 1], [], []>, transpose_lhs_hint = false} : vector<1x4096xf32>, vector<4096x32xf32>, vector<1x32xf32> -> vector<1x32xf32>
    %mul3A_585 = arith.constant 2.44140625E-4 : f32
    %mul3A_586 = vector.broadcast %mul3A_585 : f32 to vector<1x32xf32>
    %mul3A_587 = arith.mulf %dot_general3A_584, %mul3A_586 : vector<1x32xf32>
    %mul3A_588 = arith.mulf %add3A_574, %add3A_574 : vector<4096x32xf32>
    %dot_general3A_589 = arith.constant dense<0.000000e+00> : vector<1x32xf32>
    %dot_general3A_590 = tpu.matmul %broadcast_in_dim3A_582, %mul3A_588, %dot_general3A_589 {dimension_numbers = #tpu.dot_dimension_numbers<[1], [0], [0], [1], [0, 0, 1, 1], [], []>, transpose_lhs_hint = false} : vector<1x4096xf32>, vector<4096x32xf32>, vector<1x32xf32> -> vector<1x32xf32>
    %mul3A_591 = arith.constant 2.44140625E-4 : f32
    %mul3A_592 = vector.broadcast %mul3A_591 : f32 to vector<1x32xf32>
    %mul3A_593 = arith.mulf %dot_general3A_590, %mul3A_592 : vector<1x32xf32>
    %mul3A_594 = arith.mulf %mul3A_587, %mul3A_587 : vector<1x32xf32>
    %sub3A_595 = arith.subf %mul3A_593, %mul3A_594 : vector<1x32xf32>
    %add3A_596 = arith.constant 9.99999974E-6 : f32
    %add3A_597 = vector.broadcast %add3A_596 : f32 to vector<1x32xf32>
    %add3A_598 = arith.addf %sub3A_595, %add3A_597 : vector<1x32xf32>
    %rsqrt3A_599 = math.rsqrt %add3A_598 : vector<1x32xf32>
    %mul3A_600 = arith.mulf %rsqrt3A_599, %get3A_577 : vector<1x32xf32>
    %mul3A_601 = vector.broadcast %mul3A_600 : vector<1x32xf32> to vector<4096x32xf32>
    %mul3A_602 = arith.mulf %add3A_574, %mul3A_601 : vector<4096x32xf32>
    %mul3A_603 = arith.mulf %mul3A_587, %mul3A_600 : vector<1x32xf32>
    %sub3A_604 = arith.subf %get3A_580, %mul3A_603 : vector<1x32xf32>
    %add3A_605 = vector.broadcast %sub3A_604 : vector<1x32xf32> to vector<4096x32xf32>
    %add3A_606 = arith.addf %mul3A_602, %add3A_605 : vector<4096x32xf32>
    %max3A_607 = arith.constant 0.000000e+00 : f32
    %max3A_608 = vector.broadcast %max3A_607 : f32 to vector<4096x32xf32>
    %max3A_609 = arith.maximumf %add3A_606, %max3A_608 : vector<4096x32xf32>
    %get3A_610 = arith.constant 3 : index
    %get3A_611 = arith.constant 0 : index
    %get3A_612 = vector.load %arg20[%get3A_610, %get3A_611] : memref<7x32xf32, #tpu.memory_space<vmem>>, vector<1x32xf32>
    %mul3A_613 = vector.broadcast %get3A_612 : vector<1x32xf32> to vector<4096x32xf32>
    %mul3A_614 = arith.mulf %max3A_609, %mul3A_613 : vector<4096x32xf32>
    %reduce_sum3A_615 = arith.constant dense<0.000000e+00> : vector<4096xf32>
    %reduce_sum3A_616 = vector.multi_reduction <add>, %mul3A_614, %reduce_sum3A_615 [1] : vector<4096x32xf32> to vector<4096xf32>
    %broadcast_in_dim3A_617 = vector.shape_cast %reduce_sum3A_616 : vector<4096xf32> to vector<4096x1xf32>
    %get3A_618 = arith.constant 3 : index
    %get3A_619 = arith.constant 0 : index
    %get3A_620 = vector.load %arg21[%get3A_618, %get3A_619] : memref<7x1xf32, #tpu.memory_space<vmem>>, vector<1x1xf32>
    %add3A_621 = vector.broadcast %get3A_620 : vector<1x1xf32> to vector<4096x1xf32>
    %add3A_622 = arith.addf %broadcast_in_dim3A_617, %add3A_621 : vector<4096x1xf32>
    %get3A_623 = arith.constant 3 : index
    %get3A_624 = arith.constant 0 : index
    %get3A_625 = vector.load %arg22[%get3A_623, %get3A_624] : memref<7x2xf32, #tpu.memory_space<vmem>>, vector<1x1xf32>
    %get3A_626 = arith.constant 3 : index
    %get3A_627 = arith.constant 1 : index
    %get3A_628 = vector.load %arg22[%get3A_626, %get3A_627] : memref<7x2xf32, #tpu.memory_space<vmem>>, vector<1x1xf32>
    %broadcast_in_dim3A_629 = arith.constant 1.000000e+00 : f32
    %broadcast_in_dim3A_630 = vector.broadcast %broadcast_in_dim3A_629 : f32 to vector<1x4096xf32>
    %dot_general3A_631 = arith.constant dense<0.000000e+00> : vector<1x1xf32>
    %dot_general3A_632 = tpu.matmul %broadcast_in_dim3A_630, %add3A_622, %dot_general3A_631 {dimension_numbers = #tpu.dot_dimension_numbers<[1], [0], [0], [1], [0, 0, 1, 1], [], []>, transpose_lhs_hint = false} : vector<1x4096xf32>, vector<4096x1xf32>, vector<1x1xf32> -> vector<1x1xf32>
    %mul3A_633 = arith.constant 2.44140625E-4 : f32
    %mul3A_634 = vector.broadcast %mul3A_633 : f32 to vector<1x1xf32>
    %mul3A_635 = arith.mulf %dot_general3A_632, %mul3A_634 : vector<1x1xf32>
    %mul3A_636 = arith.mulf %add3A_622, %add3A_622 : vector<4096x1xf32>
    %dot_general3A_637 = arith.constant dense<0.000000e+00> : vector<1x1xf32>
    %dot_general3A_638 = tpu.matmul %broadcast_in_dim3A_630, %mul3A_636, %dot_general3A_637 {dimension_numbers = #tpu.dot_dimension_numbers<[1], [0], [0], [1], [0, 0, 1, 1], [], []>, transpose_lhs_hint = false} : vector<1x4096xf32>, vector<4096x1xf32>, vector<1x1xf32> -> vector<1x1xf32>
    %mul3A_639 = arith.constant 2.44140625E-4 : f32
    %mul3A_640 = vector.broadcast %mul3A_639 : f32 to vector<1x1xf32>
    %mul3A_641 = arith.mulf %dot_general3A_638, %mul3A_640 : vector<1x1xf32>
    %mul3A_642 = arith.mulf %mul3A_635, %mul3A_635 : vector<1x1xf32>
    %sub3A_643 = arith.subf %mul3A_641, %mul3A_642 : vector<1x1xf32>
    %add3A_644 = arith.constant 9.99999974E-6 : f32
    %add3A_645 = vector.broadcast %add3A_644 : f32 to vector<1x1xf32>
    %add3A_646 = arith.addf %sub3A_643, %add3A_645 : vector<1x1xf32>
    %rsqrt3A_647 = math.rsqrt %add3A_646 : vector<1x1xf32>
    %mul3A_648 = arith.mulf %rsqrt3A_647, %get3A_625 : vector<1x1xf32>
    %mul3A_649 = vector.broadcast %mul3A_648 : vector<1x1xf32> to vector<4096x1xf32>
    %mul3A_650 = arith.mulf %add3A_622, %mul3A_649 : vector<4096x1xf32>
    %mul3A_651 = arith.mulf %mul3A_635, %mul3A_648 : vector<1x1xf32>
    %sub3A_652 = arith.subf %get3A_628, %mul3A_651 : vector<1x1xf32>
    %add3A_653 = vector.broadcast %sub3A_652 : vector<1x1xf32> to vector<4096x1xf32>
    %add3A_654 = arith.addf %mul3A_650, %add3A_653 : vector<4096x1xf32>
    %logistic3A_655 = arith.negf %add3A_654 : vector<4096x1xf32>
    %logistic3A_656 = math.exp %logistic3A_655 : vector<4096x1xf32>
    %logistic3A_657 = arith.constant 1.000000e+00 : f32
    %logistic3A_658 = vector.broadcast %logistic3A_657 : f32 to vector<4096x1xf32>
    %logistic3A_659 = arith.addf %logistic3A_658, %logistic3A_656 : vector<4096x1xf32>
    %logistic3A_660 = arith.divf %logistic3A_658, %logistic3A_659 : vector<4096x1xf32>
    %slice3A_661 = vector.extract_strided_slice %max3A_267 {offsets = [0, 256], sizes = [4096, 64], strides = [1, 1]} : vector<4096x544xf32> to vector<4096x64xf32>
    %get3A_662 = arith.constant 4 : index
    %get3A_663 = arith.constant 0 : index
    %get3A_664 = arith.constant 0 : index
    %get3A_665 = vector.load %arg17[%get3A_662, %get3A_663, %get3A_664] : memref<7x64x32xf32, #tpu.memory_space<vmem>>, vector<1x64x32xf32>
    %get3A_666 = vector.shape_cast %get3A_665 : vector<1x64x32xf32> to vector<64x32xf32>
    %dot_general3A_667 = arith.constant dense<0.000000e+00> : vector<4096x32xf32>
    %dot_general3A_668 = tpu.matmul %slice3A_661, %get3A_666, %dot_general3A_667 {dimension_numbers = #tpu.dot_dimension_numbers<[1], [0], [0], [1], [0, 0, 1, 1], [], []>, transpose_lhs_hint = false} : vector<4096x64xf32>, vector<64x32xf32>, vector<4096x32xf32> -> vector<4096x32xf32>
    %get3A_669 = arith.constant 4 : index
    %get3A_670 = arith.constant 0 : index
    %get3A_671 = vector.load %arg18[%get3A_669, %get3A_670] : memref<7x32xf32, #tpu.memory_space<vmem>>, vector<1x32xf32>
    %add3A_672 = vector.broadcast %get3A_671 : vector<1x32xf32> to vector<4096x32xf32>
    %add3A_673 = arith.addf %dot_general3A_668, %add3A_672 : vector<4096x32xf32>
    %get3A_674 = arith.constant 8 : index
    %get3A_675 = arith.constant 0 : index
    %get3A_676 = vector.load %arg19[%get3A_674, %get3A_675] : memref<14x32xf32, #tpu.memory_space<vmem>>, vector<1x32xf32>
    %get3A_677 = arith.constant 9 : index
    %get3A_678 = arith.constant 0 : index
    %get3A_679 = vector.load %arg19[%get3A_677, %get3A_678] : memref<14x32xf32, #tpu.memory_space<vmem>>, vector<1x32xf32>
    %broadcast_in_dim3A_680 = arith.constant 1.000000e+00 : f32
    %broadcast_in_dim3A_681 = vector.broadcast %broadcast_in_dim3A_680 : f32 to vector<1x4096xf32>
    %dot_general3A_682 = arith.constant dense<0.000000e+00> : vector<1x32xf32>
    %dot_general3A_683 = tpu.matmul %broadcast_in_dim3A_681, %add3A_673, %dot_general3A_682 {dimension_numbers = #tpu.dot_dimension_numbers<[1], [0], [0], [1], [0, 0, 1, 1], [], []>, transpose_lhs_hint = false} : vector<1x4096xf32>, vector<4096x32xf32>, vector<1x32xf32> -> vector<1x32xf32>
    %mul3A_684 = arith.constant 2.44140625E-4 : f32
    %mul3A_685 = vector.broadcast %mul3A_684 : f32 to vector<1x32xf32>
    %mul3A_686 = arith.mulf %dot_general3A_683, %mul3A_685 : vector<1x32xf32>
    %mul3A_687 = arith.mulf %add3A_673, %add3A_673 : vector<4096x32xf32>
    %dot_general3A_688 = arith.constant dense<0.000000e+00> : vector<1x32xf32>
    %dot_general3A_689 = tpu.matmul %broadcast_in_dim3A_681, %mul3A_687, %dot_general3A_688 {dimension_numbers = #tpu.dot_dimension_numbers<[1], [0], [0], [1], [0, 0, 1, 1], [], []>, transpose_lhs_hint = false} : vector<1x4096xf32>, vector<4096x32xf32>, vector<1x32xf32> -> vector<1x32xf32>
    %mul3A_690 = arith.constant 2.44140625E-4 : f32
    %mul3A_691 = vector.broadcast %mul3A_690 : f32 to vector<1x32xf32>
    %mul3A_692 = arith.mulf %dot_general3A_689, %mul3A_691 : vector<1x32xf32>
    %mul3A_693 = arith.mulf %mul3A_686, %mul3A_686 : vector<1x32xf32>
    %sub3A_694 = arith.subf %mul3A_692, %mul3A_693 : vector<1x32xf32>
    %add3A_695 = arith.constant 9.99999974E-6 : f32
    %add3A_696 = vector.broadcast %add3A_695 : f32 to vector<1x32xf32>
    %add3A_697 = arith.addf %sub3A_694, %add3A_696 : vector<1x32xf32>
    %rsqrt3A_698 = math.rsqrt %add3A_697 : vector<1x32xf32>
    %mul3A_699 = arith.mulf %rsqrt3A_698, %get3A_676 : vector<1x32xf32>
    %mul3A_700 = vector.broadcast %mul3A_699 : vector<1x32xf32> to vector<4096x32xf32>
    %mul3A_701 = arith.mulf %add3A_673, %mul3A_700 : vector<4096x32xf32>
    %mul3A_702 = arith.mulf %mul3A_686, %mul3A_699 : vector<1x32xf32>
    %sub3A_703 = arith.subf %get3A_679, %mul3A_702 : vector<1x32xf32>
    %add3A_704 = vector.broadcast %sub3A_703 : vector<1x32xf32> to vector<4096x32xf32>
    %add3A_705 = arith.addf %mul3A_701, %add3A_704 : vector<4096x32xf32>
    %max3A_706 = arith.constant 0.000000e+00 : f32
    %max3A_707 = vector.broadcast %max3A_706 : f32 to vector<4096x32xf32>
    %max3A_708 = arith.maximumf %add3A_705, %max3A_707 : vector<4096x32xf32>
    %get3A_709 = arith.constant 4 : index
    %get3A_710 = arith.constant 0 : index
    %get3A_711 = vector.load %arg20[%get3A_709, %get3A_710] : memref<7x32xf32, #tpu.memory_space<vmem>>, vector<1x32xf32>
    %mul3A_712 = vector.broadcast %get3A_711 : vector<1x32xf32> to vector<4096x32xf32>
    %mul3A_713 = arith.mulf %max3A_708, %mul3A_712 : vector<4096x32xf32>
    %reduce_sum3A_714 = arith.constant dense<0.000000e+00> : vector<4096xf32>
    %reduce_sum3A_715 = vector.multi_reduction <add>, %mul3A_713, %reduce_sum3A_714 [1] : vector<4096x32xf32> to vector<4096xf32>
    %broadcast_in_dim3A_716 = vector.shape_cast %reduce_sum3A_715 : vector<4096xf32> to vector<4096x1xf32>
    %get3A_717 = arith.constant 4 : index
    %get3A_718 = arith.constant 0 : index
    %get3A_719 = vector.load %arg21[%get3A_717, %get3A_718] : memref<7x1xf32, #tpu.memory_space<vmem>>, vector<1x1xf32>
    %add3A_720 = vector.broadcast %get3A_719 : vector<1x1xf32> to vector<4096x1xf32>
    %add3A_721 = arith.addf %broadcast_in_dim3A_716, %add3A_720 : vector<4096x1xf32>
    %get3A_722 = arith.constant 4 : index
    %get3A_723 = arith.constant 0 : index
    %get3A_724 = vector.load %arg22[%get3A_722, %get3A_723] : memref<7x2xf32, #tpu.memory_space<vmem>>, vector<1x1xf32>
    %get3A_725 = arith.constant 4 : index
    %get3A_726 = arith.constant 1 : index
    %get3A_727 = vector.load %arg22[%get3A_725, %get3A_726] : memref<7x2xf32, #tpu.memory_space<vmem>>, vector<1x1xf32>
    %broadcast_in_dim3A_728 = arith.constant 1.000000e+00 : f32
    %broadcast_in_dim3A_729 = vector.broadcast %broadcast_in_dim3A_728 : f32 to vector<1x4096xf32>
    %dot_general3A_730 = arith.constant dense<0.000000e+00> : vector<1x1xf32>
    %dot_general3A_731 = tpu.matmul %broadcast_in_dim3A_729, %add3A_721, %dot_general3A_730 {dimension_numbers = #tpu.dot_dimension_numbers<[1], [0], [0], [1], [0, 0, 1, 1], [], []>, transpose_lhs_hint = false} : vector<1x4096xf32>, vector<4096x1xf32>, vector<1x1xf32> -> vector<1x1xf32>
    %mul3A_732 = arith.constant 2.44140625E-4 : f32
    %mul3A_733 = vector.broadcast %mul3A_732 : f32 to vector<1x1xf32>
    %mul3A_734 = arith.mulf %dot_general3A_731, %mul3A_733 : vector<1x1xf32>
    %mul3A_735 = arith.mulf %add3A_721, %add3A_721 : vector<4096x1xf32>
    %dot_general3A_736 = arith.constant dense<0.000000e+00> : vector<1x1xf32>
    %dot_general3A_737 = tpu.matmul %broadcast_in_dim3A_729, %mul3A_735, %dot_general3A_736 {dimension_numbers = #tpu.dot_dimension_numbers<[1], [0], [0], [1], [0, 0, 1, 1], [], []>, transpose_lhs_hint = false} : vector<1x4096xf32>, vector<4096x1xf32>, vector<1x1xf32> -> vector<1x1xf32>
    %mul3A_738 = arith.constant 2.44140625E-4 : f32
    %mul3A_739 = vector.broadcast %mul3A_738 : f32 to vector<1x1xf32>
    %mul3A_740 = arith.mulf %dot_general3A_737, %mul3A_739 : vector<1x1xf32>
    %mul3A_741 = arith.mulf %mul3A_734, %mul3A_734 : vector<1x1xf32>
    %sub3A_742 = arith.subf %mul3A_740, %mul3A_741 : vector<1x1xf32>
    %add3A_743 = arith.constant 9.99999974E-6 : f32
    %add3A_744 = vector.broadcast %add3A_743 : f32 to vector<1x1xf32>
    %add3A_745 = arith.addf %sub3A_742, %add3A_744 : vector<1x1xf32>
    %rsqrt3A_746 = math.rsqrt %add3A_745 : vector<1x1xf32>
    %mul3A_747 = arith.mulf %rsqrt3A_746, %get3A_724 : vector<1x1xf32>
    %mul3A_748 = vector.broadcast %mul3A_747 : vector<1x1xf32> to vector<4096x1xf32>
    %mul3A_749 = arith.mulf %add3A_721, %mul3A_748 : vector<4096x1xf32>
    %mul3A_750 = arith.mulf %mul3A_734, %mul3A_747 : vector<1x1xf32>
    %sub3A_751 = arith.subf %get3A_727, %mul3A_750 : vector<1x1xf32>
    %add3A_752 = vector.broadcast %sub3A_751 : vector<1x1xf32> to vector<4096x1xf32>
    %add3A_753 = arith.addf %mul3A_749, %add3A_752 : vector<4096x1xf32>
    %logistic3A_754 = arith.negf %add3A_753 : vector<4096x1xf32>
    %logistic3A_755 = math.exp %logistic3A_754 : vector<4096x1xf32>
    %logistic3A_756 = arith.constant 1.000000e+00 : f32
    %logistic3A_757 = vector.broadcast %logistic3A_756 : f32 to vector<4096x1xf32>
    %logistic3A_758 = arith.addf %logistic3A_757, %logistic3A_755 : vector<4096x1xf32>
    %logistic3A_759 = arith.divf %logistic3A_757, %logistic3A_758 : vector<4096x1xf32>
    %slice3A_760 = vector.extract_strided_slice %max3A_267 {offsets = [0, 320], sizes = [4096, 64], strides = [1, 1]} : vector<4096x544xf32> to vector<4096x64xf32>
    %get3A_761 = arith.constant 5 : index
    %get3A_762 = arith.constant 0 : index
    %get3A_763 = arith.constant 0 : index
    %get3A_764 = vector.load %arg17[%get3A_761, %get3A_762, %get3A_763] : memref<7x64x32xf32, #tpu.memory_space<vmem>>, vector<1x64x32xf32>
    %get3A_765 = vector.shape_cast %get3A_764 : vector<1x64x32xf32> to vector<64x32xf32>
    %dot_general3A_766 = arith.constant dense<0.000000e+00> : vector<4096x32xf32>
    %dot_general3A_767 = tpu.matmul %slice3A_760, %get3A_765, %dot_general3A_766 {dimension_numbers = #tpu.dot_dimension_numbers<[1], [0], [0], [1], [0, 0, 1, 1], [], []>, transpose_lhs_hint = false} : vector<4096x64xf32>, vector<64x32xf32>, vector<4096x32xf32> -> vector<4096x32xf32>
    %get3A_768 = arith.constant 5 : index
    %get3A_769 = arith.constant 0 : index
    %get3A_770 = vector.load %arg18[%get3A_768, %get3A_769] : memref<7x32xf32, #tpu.memory_space<vmem>>, vector<1x32xf32>
    %add3A_771 = vector.broadcast %get3A_770 : vector<1x32xf32> to vector<4096x32xf32>
    %add3A_772 = arith.addf %dot_general3A_767, %add3A_771 : vector<4096x32xf32>
    %get3A_773 = arith.constant 10 : index
    %get3A_774 = arith.constant 0 : index
    %get3A_775 = vector.load %arg19[%get3A_773, %get3A_774] : memref<14x32xf32, #tpu.memory_space<vmem>>, vector<1x32xf32>
    %get3A_776 = arith.constant 11 : index
    %get3A_777 = arith.constant 0 : index
    %get3A_778 = vector.load %arg19[%get3A_776, %get3A_777] : memref<14x32xf32, #tpu.memory_space<vmem>>, vector<1x32xf32>
    %broadcast_in_dim3A_779 = arith.constant 1.000000e+00 : f32
    %broadcast_in_dim3A_780 = vector.broadcast %broadcast_in_dim3A_779 : f32 to vector<1x4096xf32>
    %dot_general3A_781 = arith.constant dense<0.000000e+00> : vector<1x32xf32>
    %dot_general3A_782 = tpu.matmul %broadcast_in_dim3A_780, %add3A_772, %dot_general3A_781 {dimension_numbers = #tpu.dot_dimension_numbers<[1], [0], [0], [1], [0, 0, 1, 1], [], []>, transpose_lhs_hint = false} : vector<1x4096xf32>, vector<4096x32xf32>, vector<1x32xf32> -> vector<1x32xf32>
    %mul3A_783 = arith.constant 2.44140625E-4 : f32
    %mul3A_784 = vector.broadcast %mul3A_783 : f32 to vector<1x32xf32>
    %mul3A_785 = arith.mulf %dot_general3A_782, %mul3A_784 : vector<1x32xf32>
    %mul3A_786 = arith.mulf %add3A_772, %add3A_772 : vector<4096x32xf32>
    %dot_general3A_787 = arith.constant dense<0.000000e+00> : vector<1x32xf32>
    %dot_general3A_788 = tpu.matmul %broadcast_in_dim3A_780, %mul3A_786, %dot_general3A_787 {dimension_numbers = #tpu.dot_dimension_numbers<[1], [0], [0], [1], [0, 0, 1, 1], [], []>, transpose_lhs_hint = false} : vector<1x4096xf32>, vector<4096x32xf32>, vector<1x32xf32> -> vector<1x32xf32>
    %mul3A_789 = arith.constant 2.44140625E-4 : f32
    %mul3A_790 = vector.broadcast %mul3A_789 : f32 to vector<1x32xf32>
    %mul3A_791 = arith.mulf %dot_general3A_788, %mul3A_790 : vector<1x32xf32>
    %mul3A_792 = arith.mulf %mul3A_785, %mul3A_785 : vector<1x32xf32>
    %sub3A_793 = arith.subf %mul3A_791, %mul3A_792 : vector<1x32xf32>
    %add3A_794 = arith.constant 9.99999974E-6 : f32
    %add3A_795 = vector.broadcast %add3A_794 : f32 to vector<1x32xf32>
    %add3A_796 = arith.addf %sub3A_793, %add3A_795 : vector<1x32xf32>
    %rsqrt3A_797 = math.rsqrt %add3A_796 : vector<1x32xf32>
    %mul3A_798 = arith.mulf %rsqrt3A_797, %get3A_775 : vector<1x32xf32>
    %mul3A_799 = vector.broadcast %mul3A_798 : vector<1x32xf32> to vector<4096x32xf32>
    %mul3A_800 = arith.mulf %add3A_772, %mul3A_799 : vector<4096x32xf32>
    %mul3A_801 = arith.mulf %mul3A_785, %mul3A_798 : vector<1x32xf32>
    %sub3A_802 = arith.subf %get3A_778, %mul3A_801 : vector<1x32xf32>
    %add3A_803 = vector.broadcast %sub3A_802 : vector<1x32xf32> to vector<4096x32xf32>
    %add3A_804 = arith.addf %mul3A_800, %add3A_803 : vector<4096x32xf32>
    %max3A_805 = arith.constant 0.000000e+00 : f32
    %max3A_806 = vector.broadcast %max3A_805 : f32 to vector<4096x32xf32>
    %max3A_807 = arith.maximumf %add3A_804, %max3A_806 : vector<4096x32xf32>
    %get3A_808 = arith.constant 5 : index
    %get3A_809 = arith.constant 0 : index
    %get3A_810 = vector.load %arg20[%get3A_808, %get3A_809] : memref<7x32xf32, #tpu.memory_space<vmem>>, vector<1x32xf32>
    %mul3A_811 = vector.broadcast %get3A_810 : vector<1x32xf32> to vector<4096x32xf32>
    %mul3A_812 = arith.mulf %max3A_807, %mul3A_811 : vector<4096x32xf32>
    %reduce_sum3A_813 = arith.constant dense<0.000000e+00> : vector<4096xf32>
    %reduce_sum3A_814 = vector.multi_reduction <add>, %mul3A_812, %reduce_sum3A_813 [1] : vector<4096x32xf32> to vector<4096xf32>
    %broadcast_in_dim3A_815 = vector.shape_cast %reduce_sum3A_814 : vector<4096xf32> to vector<4096x1xf32>
    %get3A_816 = arith.constant 5 : index
    %get3A_817 = arith.constant 0 : index
    %get3A_818 = vector.load %arg21[%get3A_816, %get3A_817] : memref<7x1xf32, #tpu.memory_space<vmem>>, vector<1x1xf32>
    %add3A_819 = vector.broadcast %get3A_818 : vector<1x1xf32> to vector<4096x1xf32>
    %add3A_820 = arith.addf %broadcast_in_dim3A_815, %add3A_819 : vector<4096x1xf32>
    %get3A_821 = arith.constant 5 : index
    %get3A_822 = arith.constant 0 : index
    %get3A_823 = vector.load %arg22[%get3A_821, %get3A_822] : memref<7x2xf32, #tpu.memory_space<vmem>>, vector<1x1xf32>
    %get3A_824 = arith.constant 5 : index
    %get3A_825 = arith.constant 1 : index
    %get3A_826 = vector.load %arg22[%get3A_824, %get3A_825] : memref<7x2xf32, #tpu.memory_space<vmem>>, vector<1x1xf32>
    %broadcast_in_dim3A_827 = arith.constant 1.000000e+00 : f32
    %broadcast_in_dim3A_828 = vector.broadcast %broadcast_in_dim3A_827 : f32 to vector<1x4096xf32>
    %dot_general3A_829 = arith.constant dense<0.000000e+00> : vector<1x1xf32>
    %dot_general3A_830 = tpu.matmul %broadcast_in_dim3A_828, %add3A_820, %dot_general3A_829 {dimension_numbers = #tpu.dot_dimension_numbers<[1], [0], [0], [1], [0, 0, 1, 1], [], []>, transpose_lhs_hint = false} : vector<1x4096xf32>, vector<4096x1xf32>, vector<1x1xf32> -> vector<1x1xf32>
    %mul3A_831 = arith.constant 2.44140625E-4 : f32
    %mul3A_832 = vector.broadcast %mul3A_831 : f32 to vector<1x1xf32>
    %mul3A_833 = arith.mulf %dot_general3A_830, %mul3A_832 : vector<1x1xf32>
    %mul3A_834 = arith.mulf %add3A_820, %add3A_820 : vector<4096x1xf32>
    %dot_general3A_835 = arith.constant dense<0.000000e+00> : vector<1x1xf32>
    %dot_general3A_836 = tpu.matmul %broadcast_in_dim3A_828, %mul3A_834, %dot_general3A_835 {dimension_numbers = #tpu.dot_dimension_numbers<[1], [0], [0], [1], [0, 0, 1, 1], [], []>, transpose_lhs_hint = false} : vector<1x4096xf32>, vector<4096x1xf32>, vector<1x1xf32> -> vector<1x1xf32>
    %mul3A_837 = arith.constant 2.44140625E-4 : f32
    %mul3A_838 = vector.broadcast %mul3A_837 : f32 to vector<1x1xf32>
    %mul3A_839 = arith.mulf %dot_general3A_836, %mul3A_838 : vector<1x1xf32>
    %mul3A_840 = arith.mulf %mul3A_833, %mul3A_833 : vector<1x1xf32>
    %sub3A_841 = arith.subf %mul3A_839, %mul3A_840 : vector<1x1xf32>
    %add3A_842 = arith.constant 9.99999974E-6 : f32
    %add3A_843 = vector.broadcast %add3A_842 : f32 to vector<1x1xf32>
    %add3A_844 = arith.addf %sub3A_841, %add3A_843 : vector<1x1xf32>
    %rsqrt3A_845 = math.rsqrt %add3A_844 : vector<1x1xf32>
    %mul3A_846 = arith.mulf %rsqrt3A_845, %get3A_823 : vector<1x1xf32>
    %mul3A_847 = vector.broadcast %mul3A_846 : vector<1x1xf32> to vector<4096x1xf32>
    %mul3A_848 = arith.mulf %add3A_820, %mul3A_847 : vector<4096x1xf32>
    %mul3A_849 = arith.mulf %mul3A_833, %mul3A_846 : vector<1x1xf32>
    %sub3A_850 = arith.subf %get3A_826, %mul3A_849 : vector<1x1xf32>
    %add3A_851 = vector.broadcast %sub3A_850 : vector<1x1xf32> to vector<4096x1xf32>
    %add3A_852 = arith.addf %mul3A_848, %add3A_851 : vector<4096x1xf32>
    %logistic3A_853 = arith.negf %add3A_852 : vector<4096x1xf32>
    %logistic3A_854 = math.exp %logistic3A_853 : vector<4096x1xf32>
    %logistic3A_855 = arith.constant 1.000000e+00 : f32
    %logistic3A_856 = vector.broadcast %logistic3A_855 : f32 to vector<4096x1xf32>
    %logistic3A_857 = arith.addf %logistic3A_856, %logistic3A_854 : vector<4096x1xf32>
    %logistic3A_858 = arith.divf %logistic3A_856, %logistic3A_857 : vector<4096x1xf32>
    %slice3A_859 = vector.extract_strided_slice %max3A_267 {offsets = [0, 384], sizes = [4096, 64], strides = [1, 1]} : vector<4096x544xf32> to vector<4096x64xf32>
    %get3A_860 = arith.constant 6 : index
    %get3A_861 = arith.constant 0 : index
    %get3A_862 = arith.constant 0 : index
    %get3A_863 = vector.load %arg17[%get3A_860, %get3A_861, %get3A_862] : memref<7x64x32xf32, #tpu.memory_space<vmem>>, vector<1x64x32xf32>
    %get3A_864 = vector.shape_cast %get3A_863 : vector<1x64x32xf32> to vector<64x32xf32>
    %dot_general3A_865 = arith.constant dense<0.000000e+00> : vector<4096x32xf32>
    %dot_general3A_866 = tpu.matmul %slice3A_859, %get3A_864, %dot_general3A_865 {dimension_numbers = #tpu.dot_dimension_numbers<[1], [0], [0], [1], [0, 0, 1, 1], [], []>, transpose_lhs_hint = false} : vector<4096x64xf32>, vector<64x32xf32>, vector<4096x32xf32> -> vector<4096x32xf32>
    %get3A_867 = arith.constant 6 : index
    %get3A_868 = arith.constant 0 : index
    %get3A_869 = vector.load %arg18[%get3A_867, %get3A_868] : memref<7x32xf32, #tpu.memory_space<vmem>>, vector<1x32xf32>
    %add3A_870 = vector.broadcast %get3A_869 : vector<1x32xf32> to vector<4096x32xf32>
    %add3A_871 = arith.addf %dot_general3A_866, %add3A_870 : vector<4096x32xf32>
    %get3A_872 = arith.constant 12 : index
    %get3A_873 = arith.constant 0 : index
    %get3A_874 = vector.load %arg19[%get3A_872, %get3A_873] : memref<14x32xf32, #tpu.memory_space<vmem>>, vector<1x32xf32>
    %get3A_875 = arith.constant 13 : index
    %get3A_876 = arith.constant 0 : index
    %get3A_877 = vector.load %arg19[%get3A_875, %get3A_876] : memref<14x32xf32, #tpu.memory_space<vmem>>, vector<1x32xf32>
    %broadcast_in_dim3A_878 = arith.constant 1.000000e+00 : f32
    %broadcast_in_dim3A_879 = vector.broadcast %broadcast_in_dim3A_878 : f32 to vector<1x4096xf32>
    %dot_general3A_880 = arith.constant dense<0.000000e+00> : vector<1x32xf32>
    %dot_general3A_881 = tpu.matmul %broadcast_in_dim3A_879, %add3A_871, %dot_general3A_880 {dimension_numbers = #tpu.dot_dimension_numbers<[1], [0], [0], [1], [0, 0, 1, 1], [], []>, transpose_lhs_hint = false} : vector<1x4096xf32>, vector<4096x32xf32>, vector<1x32xf32> -> vector<1x32xf32>
    %mul3A_882 = arith.constant 2.44140625E-4 : f32
    %mul3A_883 = vector.broadcast %mul3A_882 : f32 to vector<1x32xf32>
    %mul3A_884 = arith.mulf %dot_general3A_881, %mul3A_883 : vector<1x32xf32>
    %mul3A_885 = arith.mulf %add3A_871, %add3A_871 : vector<4096x32xf32>
    %dot_general3A_886 = arith.constant dense<0.000000e+00> : vector<1x32xf32>
    %dot_general3A_887 = tpu.matmul %broadcast_in_dim3A_879, %mul3A_885, %dot_general3A_886 {dimension_numbers = #tpu.dot_dimension_numbers<[1], [0], [0], [1], [0, 0, 1, 1], [], []>, transpose_lhs_hint = false} : vector<1x4096xf32>, vector<4096x32xf32>, vector<1x32xf32> -> vector<1x32xf32>
    %mul3A_888 = arith.constant 2.44140625E-4 : f32
    %mul3A_889 = vector.broadcast %mul3A_888 : f32 to vector<1x32xf32>
    %mul3A_890 = arith.mulf %dot_general3A_887, %mul3A_889 : vector<1x32xf32>
    %mul3A_891 = arith.mulf %mul3A_884, %mul3A_884 : vector<1x32xf32>
    %sub3A_892 = arith.subf %mul3A_890, %mul3A_891 : vector<1x32xf32>
    %add3A_893 = arith.constant 9.99999974E-6 : f32
    %add3A_894 = vector.broadcast %add3A_893 : f32 to vector<1x32xf32>
    %add3A_895 = arith.addf %sub3A_892, %add3A_894 : vector<1x32xf32>
    %rsqrt3A_896 = math.rsqrt %add3A_895 : vector<1x32xf32>
    %mul3A_897 = arith.mulf %rsqrt3A_896, %get3A_874 : vector<1x32xf32>
    %mul3A_898 = vector.broadcast %mul3A_897 : vector<1x32xf32> to vector<4096x32xf32>
    %mul3A_899 = arith.mulf %add3A_871, %mul3A_898 : vector<4096x32xf32>
    %mul3A_900 = arith.mulf %mul3A_884, %mul3A_897 : vector<1x32xf32>
    %sub3A_901 = arith.subf %get3A_877, %mul3A_900 : vector<1x32xf32>
    %add3A_902 = vector.broadcast %sub3A_901 : vector<1x32xf32> to vector<4096x32xf32>
    %add3A_903 = arith.addf %mul3A_899, %add3A_902 : vector<4096x32xf32>
    %max3A_904 = arith.constant 0.000000e+00 : f32
    %max3A_905 = vector.broadcast %max3A_904 : f32 to vector<4096x32xf32>
    %max3A_906 = arith.maximumf %add3A_903, %max3A_905 : vector<4096x32xf32>
    %get3A_907 = arith.constant 6 : index
    %get3A_908 = arith.constant 0 : index
    %get3A_909 = vector.load %arg20[%get3A_907, %get3A_908] : memref<7x32xf32, #tpu.memory_space<vmem>>, vector<1x32xf32>
    %mul3A_910 = vector.broadcast %get3A_909 : vector<1x32xf32> to vector<4096x32xf32>
    %mul3A_911 = arith.mulf %max3A_906, %mul3A_910 : vector<4096x32xf32>
    %reduce_sum3A_912 = arith.constant dense<0.000000e+00> : vector<4096xf32>
    %reduce_sum3A_913 = vector.multi_reduction <add>, %mul3A_911, %reduce_sum3A_912 [1] : vector<4096x32xf32> to vector<4096xf32>
    %broadcast_in_dim3A_914 = vector.shape_cast %reduce_sum3A_913 : vector<4096xf32> to vector<4096x1xf32>
    %get3A_915 = arith.constant 6 : index
    %get3A_916 = arith.constant 0 : index
    %get3A_917 = vector.load %arg21[%get3A_915, %get3A_916] : memref<7x1xf32, #tpu.memory_space<vmem>>, vector<1x1xf32>
    %add3A_918 = vector.broadcast %get3A_917 : vector<1x1xf32> to vector<4096x1xf32>
    %add3A_919 = arith.addf %broadcast_in_dim3A_914, %add3A_918 : vector<4096x1xf32>
    %get3A_920 = arith.constant 6 : index
    %get3A_921 = arith.constant 0 : index
    %get3A_922 = vector.load %arg22[%get3A_920, %get3A_921] : memref<7x2xf32, #tpu.memory_space<vmem>>, vector<1x1xf32>
    %get3A_923 = arith.constant 6 : index
    %get3A_924 = arith.constant 1 : index
    %get3A_925 = vector.load %arg22[%get3A_923, %get3A_924] : memref<7x2xf32, #tpu.memory_space<vmem>>, vector<1x1xf32>
    %broadcast_in_dim3A_926 = arith.constant 1.000000e+00 : f32
    %broadcast_in_dim3A_927 = vector.broadcast %broadcast_in_dim3A_926 : f32 to vector<1x4096xf32>
    %dot_general3A_928 = arith.constant dense<0.000000e+00> : vector<1x1xf32>
    %dot_general3A_929 = tpu.matmul %broadcast_in_dim3A_927, %add3A_919, %dot_general3A_928 {dimension_numbers = #tpu.dot_dimension_numbers<[1], [0], [0], [1], [0, 0, 1, 1], [], []>, transpose_lhs_hint = false} : vector<1x4096xf32>, vector<4096x1xf32>, vector<1x1xf32> -> vector<1x1xf32>
    %mul3A_930 = arith.constant 2.44140625E-4 : f32
    %mul3A_931 = vector.broadcast %mul3A_930 : f32 to vector<1x1xf32>
    %mul3A_932 = arith.mulf %dot_general3A_929, %mul3A_931 : vector<1x1xf32>
    %mul3A_933 = arith.mulf %add3A_919, %add3A_919 : vector<4096x1xf32>
    %dot_general3A_934 = arith.constant dense<0.000000e+00> : vector<1x1xf32>
    %dot_general3A_935 = tpu.matmul %broadcast_in_dim3A_927, %mul3A_933, %dot_general3A_934 {dimension_numbers = #tpu.dot_dimension_numbers<[1], [0], [0], [1], [0, 0, 1, 1], [], []>, transpose_lhs_hint = false} : vector<1x4096xf32>, vector<4096x1xf32>, vector<1x1xf32> -> vector<1x1xf32>
    %mul3A_936 = arith.constant 2.44140625E-4 : f32
    %mul3A_937 = vector.broadcast %mul3A_936 : f32 to vector<1x1xf32>
    %mul3A_938 = arith.mulf %dot_general3A_935, %mul3A_937 : vector<1x1xf32>
    %mul3A_939 = arith.mulf %mul3A_932, %mul3A_932 : vector<1x1xf32>
    %sub3A_940 = arith.subf %mul3A_938, %mul3A_939 : vector<1x1xf32>
    %add3A_941 = arith.constant 9.99999974E-6 : f32
    %add3A_942 = vector.broadcast %add3A_941 : f32 to vector<1x1xf32>
    %add3A_943 = arith.addf %sub3A_940, %add3A_942 : vector<1x1xf32>
    %rsqrt3A_944 = math.rsqrt %add3A_943 : vector<1x1xf32>
    %mul3A_945 = arith.mulf %rsqrt3A_944, %get3A_922 : vector<1x1xf32>
    %mul3A_946 = vector.broadcast %mul3A_945 : vector<1x1xf32> to vector<4096x1xf32>
    %mul3A_947 = arith.mulf %add3A_919, %mul3A_946 : vector<4096x1xf32>
    %mul3A_948 = arith.mulf %mul3A_932, %mul3A_945 : vector<1x1xf32>
    %sub3A_949 = arith.subf %get3A_925, %mul3A_948 : vector<1x1xf32>
    %add3A_950 = vector.broadcast %sub3A_949 : vector<1x1xf32> to vector<4096x1xf32>
    %add3A_951 = arith.addf %mul3A_947, %add3A_950 : vector<4096x1xf32>
    %slice3A_952 = vector.extract_strided_slice %max3A_267 {offsets = [0, 512], sizes = [4096, 32], strides = [1, 1]} : vector<4096x544xf32> to vector<4096x32xf32>
    %get3A_953 = arith.constant 0 : index
    %get3A_954 = arith.constant 0 : index
    %get3A_955 = vector.load %arg26[%get3A_953, %get3A_954] : memref<1x32xf32, #tpu.memory_space<vmem>>, vector<1x32xf32>
    %mul3A_956 = vector.broadcast %get3A_955 : vector<1x32xf32> to vector<4096x32xf32>
    %mul3A_957 = arith.mulf %slice3A_952, %mul3A_956 : vector<4096x32xf32>
    %reduce_sum3A_958 = arith.constant dense<0.000000e+00> : vector<4096xf32>
    %reduce_sum3A_959 = vector.multi_reduction <add>, %mul3A_957, %reduce_sum3A_958 [1] : vector<4096x32xf32> to vector<4096xf32>
    %broadcast_in_dim3A_960 = vector.shape_cast %reduce_sum3A_959 : vector<4096xf32> to vector<4096x1xf32>
    %get3A_961 = arith.constant 0 : index
    %get3A_962 = arith.constant 0 : index
    %get3A_963 = vector.load %arg27[%get3A_961, %get3A_962] : memref<1x1xf32, #tpu.memory_space<vmem>>, vector<1x1xf32>
    %add3A_964 = vector.broadcast %get3A_963 : vector<1x1xf32> to vector<4096x1xf32>
    %add3A_965 = arith.addf %broadcast_in_dim3A_960, %add3A_964 : vector<4096x1xf32>
    %get3A_966 = arith.constant 0 : index
    %get3A_967 = arith.constant 0 : index
    %get3A_968 = vector.load %arg28[%get3A_966, %get3A_967] : memref<1x2xf32, #tpu.memory_space<vmem>>, vector<1x1xf32>
    %get3A_969 = arith.constant 0 : index
    %get3A_970 = arith.constant 1 : index
    %get3A_971 = vector.load %arg28[%get3A_969, %get3A_970] : memref<1x2xf32, #tpu.memory_space<vmem>>, vector<1x1xf32>
    %broadcast_in_dim3A_972 = arith.constant 1.000000e+00 : f32
    %broadcast_in_dim3A_973 = vector.broadcast %broadcast_in_dim3A_972 : f32 to vector<1x4096xf32>
    %dot_general3A_974 = arith.constant dense<0.000000e+00> : vector<1x1xf32>
    %dot_general3A_975 = tpu.matmul %broadcast_in_dim3A_973, %add3A_965, %dot_general3A_974 {dimension_numbers = #tpu.dot_dimension_numbers<[1], [0], [0], [1], [0, 0, 1, 1], [], []>, transpose_lhs_hint = false} : vector<1x4096xf32>, vector<4096x1xf32>, vector<1x1xf32> -> vector<1x1xf32>
    %mul3A_976 = arith.constant 2.44140625E-4 : f32
    %mul3A_977 = vector.broadcast %mul3A_976 : f32 to vector<1x1xf32>
    %mul3A_978 = arith.mulf %dot_general3A_975, %mul3A_977 : vector<1x1xf32>
    %mul3A_979 = arith.mulf %add3A_965, %add3A_965 : vector<4096x1xf32>
    %dot_general3A_980 = arith.constant dense<0.000000e+00> : vector<1x1xf32>
    %dot_general3A_981 = tpu.matmul %broadcast_in_dim3A_973, %mul3A_979, %dot_general3A_980 {dimension_numbers = #tpu.dot_dimension_numbers<[1], [0], [0], [1], [0, 0, 1, 1], [], []>, transpose_lhs_hint = false} : vector<1x4096xf32>, vector<4096x1xf32>, vector<1x1xf32> -> vector<1x1xf32>
    %mul3A_982 = arith.constant 2.44140625E-4 : f32
    %mul3A_983 = vector.broadcast %mul3A_982 : f32 to vector<1x1xf32>
    %mul3A_984 = arith.mulf %dot_general3A_981, %mul3A_983 : vector<1x1xf32>
    %mul3A_985 = arith.mulf %mul3A_978, %mul3A_978 : vector<1x1xf32>
    %sub3A_986 = arith.subf %mul3A_984, %mul3A_985 : vector<1x1xf32>
    %add3A_987 = arith.constant 9.99999974E-6 : f32
    %add3A_988 = vector.broadcast %add3A_987 : f32 to vector<1x1xf32>
    %add3A_989 = arith.addf %sub3A_986, %add3A_988 : vector<1x1xf32>
    %rsqrt3A_990 = math.rsqrt %add3A_989 : vector<1x1xf32>
    %mul3A_991 = arith.mulf %rsqrt3A_990, %get3A_968 : vector<1x1xf32>
    %mul3A_992 = vector.broadcast %mul3A_991 : vector<1x1xf32> to vector<4096x1xf32>
    %mul3A_993 = arith.mulf %add3A_965, %mul3A_992 : vector<4096x1xf32>
    %mul3A_994 = arith.mulf %mul3A_978, %mul3A_991 : vector<1x1xf32>
    %sub3A_995 = arith.subf %get3A_971, %mul3A_994 : vector<1x1xf32>
    %add3A_996 = vector.broadcast %sub3A_995 : vector<1x1xf32> to vector<4096x1xf32>
    %add3A_997 = arith.addf %mul3A_993, %add3A_996 : vector<4096x1xf32>
    %logistic3A_998 = arith.negf %add3A_997 : vector<4096x1xf32>
    %logistic3A_999 = math.exp %logistic3A_998 : vector<4096x1xf32>
    %logistic3A_1000 = arith.constant 1.000000e+00 : f32
    %logistic3A_1001 = vector.broadcast %logistic3A_1000 : f32 to vector<4096x1xf32>
    %logistic3A_1002 = arith.addf %logistic3A_1001, %logistic3A_999 : vector<4096x1xf32>
    %logistic3A_1003 = arith.divf %logistic3A_1001, %logistic3A_1002 : vector<4096x1xf32>
    %slice3A_1004 = vector.extract_strided_slice %max3A_267 {offsets = [0, 448], sizes = [4096, 64], strides = [1, 1]} : vector<4096x544xf32> to vector<4096x64xf32>
    %get3A_1005 = arith.constant 0 : index
    %get3A_1006 = arith.constant 0 : index
    %get3A_1007 = vector.load %arg23[%get3A_1005, %get3A_1006] : memref<64x7xf32, #tpu.memory_space<vmem>>, vector<64x7xf32>
    %dot_general3A_1008 = arith.constant dense<0.000000e+00> : vector<4096x7xf32>
    %dot_general3A_1009 = tpu.matmul %slice3A_1004, %get3A_1007, %dot_general3A_1008 {dimension_numbers = #tpu.dot_dimension_numbers<[1], [0], [0], [1], [0, 0, 1, 1], [], []>, transpose_lhs_hint = false} : vector<4096x64xf32>, vector<64x7xf32>, vector<4096x7xf32> -> vector<4096x7xf32>
    %get3A_1010 = arith.constant 0 : index
    %get3A_1011 = arith.constant 0 : index
    %get3A_1012 = vector.load %arg24[%get3A_1010, %get3A_1011] : memref<1x7xf32, #tpu.memory_space<vmem>>, vector<1x7xf32>
    %add3A_1013 = vector.broadcast %get3A_1012 : vector<1x7xf32> to vector<4096x7xf32>
    %add3A_1014 = arith.addf %dot_general3A_1009, %add3A_1013 : vector<4096x7xf32>
    %get3A_1015 = arith.constant 0 : index
    %get3A_1016 = arith.constant 0 : index
    %get3A_1017 = vector.load %arg25[%get3A_1015, %get3A_1016] : memref<2x7xf32, #tpu.memory_space<vmem>>, vector<1x7xf32>
    %get3A_1018 = arith.constant 1 : index
    %get3A_1019 = arith.constant 0 : index
    %get3A_1020 = vector.load %arg25[%get3A_1018, %get3A_1019] : memref<2x7xf32, #tpu.memory_space<vmem>>, vector<1x7xf32>
    %broadcast_in_dim3A_1021 = arith.constant 1.000000e+00 : f32
    %broadcast_in_dim3A_1022 = vector.broadcast %broadcast_in_dim3A_1021 : f32 to vector<1x4096xf32>
    %dot_general3A_1023 = arith.constant dense<0.000000e+00> : vector<1x7xf32>
    %dot_general3A_1024 = tpu.matmul %broadcast_in_dim3A_1022, %add3A_1014, %dot_general3A_1023 {dimension_numbers = #tpu.dot_dimension_numbers<[1], [0], [0], [1], [0, 0, 1, 1], [], []>, transpose_lhs_hint = false} : vector<1x4096xf32>, vector<4096x7xf32>, vector<1x7xf32> -> vector<1x7xf32>
    %mul3A_1025 = arith.constant 2.44140625E-4 : f32
    %mul3A_1026 = vector.broadcast %mul3A_1025 : f32 to vector<1x7xf32>
    %mul3A_1027 = arith.mulf %dot_general3A_1024, %mul3A_1026 : vector<1x7xf32>
    %mul3A_1028 = arith.mulf %add3A_1014, %add3A_1014 : vector<4096x7xf32>
    %dot_general3A_1029 = arith.constant dense<0.000000e+00> : vector<1x7xf32>
    %dot_general3A_1030 = tpu.matmul %broadcast_in_dim3A_1022, %mul3A_1028, %dot_general3A_1029 {dimension_numbers = #tpu.dot_dimension_numbers<[1], [0], [0], [1], [0, 0, 1, 1], [], []>, transpose_lhs_hint = false} : vector<1x4096xf32>, vector<4096x7xf32>, vector<1x7xf32> -> vector<1x7xf32>
    %mul3A_1031 = arith.constant 2.44140625E-4 : f32
    %mul3A_1032 = vector.broadcast %mul3A_1031 : f32 to vector<1x7xf32>
    %mul3A_1033 = arith.mulf %dot_general3A_1030, %mul3A_1032 : vector<1x7xf32>
    %mul3A_1034 = arith.mulf %mul3A_1027, %mul3A_1027 : vector<1x7xf32>
    %sub3A_1035 = arith.subf %mul3A_1033, %mul3A_1034 : vector<1x7xf32>
    %add3A_1036 = arith.constant 9.99999974E-6 : f32
    %add3A_1037 = vector.broadcast %add3A_1036 : f32 to vector<1x7xf32>
    %add3A_1038 = arith.addf %sub3A_1035, %add3A_1037 : vector<1x7xf32>
    %rsqrt3A_1039 = math.rsqrt %add3A_1038 : vector<1x7xf32>
    %mul3A_1040 = arith.mulf %rsqrt3A_1039, %get3A_1017 : vector<1x7xf32>
    %mul3A_1041 = vector.broadcast %mul3A_1040 : vector<1x7xf32> to vector<4096x7xf32>
    %mul3A_1042 = arith.mulf %add3A_1014, %mul3A_1041 : vector<4096x7xf32>
    %mul3A_1043 = arith.mulf %mul3A_1027, %mul3A_1040 : vector<1x7xf32>
    %sub3A_1044 = arith.subf %get3A_1020, %mul3A_1043 : vector<1x7xf32>
    %add3A_1045 = vector.broadcast %sub3A_1044 : vector<1x7xf32> to vector<4096x7xf32>
    %add3A_1046 = arith.addf %mul3A_1042, %add3A_1045 : vector<4096x7xf32>
    %concatenate3A = tpu.concatenate %logistic3A_363, %logistic3A_462, %logistic3A_561, %logistic3A_660, %logistic3A_759, %logistic3A_858, %add3A_951, %logistic3A_1003, %add3A_1046 in 1 : vector<4096x1xf32>, vector<4096x1xf32>, vector<4096x1xf32>, vector<4096x1xf32>, vector<4096x1xf32>, vector<4096x1xf32>, vector<4096x1xf32>, vector<4096x1xf32>, vector<4096x7xf32> -> vector<4096x15xf32>
    %swap3A = arith.constant 0 : index
    %swap3A_1047 = arith.constant 0 : index
    %swap3A_1048 = vector.load %arg29[%swap3A, %swap3A_1047] : memref<4096x15xf32, #tpu.memory_space<vmem>>, vector<4096x15xf32>
    tpu.vector_store %arg29[%swap3A, %swap3A_1047], %concatenate3A {strides = array<i32>} : memref<4096x15xf32, #tpu.memory_space<vmem>>, vector<4096x15xf32>,
    return
  }
}

</mosaic_0001>

<sc_bundles>
// kernel: kernel.5.cloned.1.call-start
scs
__scs_entry_jumppad:
0x0: {  	(pc) =	sbr.rel $0x88, $3  }
0x1: {  	(tag) =	ssettag $0x0;
	lr =	simm.s32 $0x1  }
0x2: {  	[smem:$0x3EFA] =	sst lr;
	_ =	strace $0xD0000000  }
0x3: {  	_ = 	snop  }
0x4: {  	_ = 	snop  }
0x5: {  	_ = 	snop  }
0x6: {  	_ = 	snop  }
0x7: {  	_ = 	snop  }
__scs_overlays_trampoline_lowered:
0x8: {  	[smem:$0x3F09] =	sst s0  }
0x9: {  	[smem:$0x3F0A] =	sst s1  }
0xa: {  	[smem:$0x3F0B] =	sst s2  }
0xb: {  	[smem:$0x3F0C] =	sst s3  }
0xc: {  	[smem:$0x3F0D] =	sst s4  }
0xd: {  	[smem:$0x3F0E] =	sst s5  }
0xe: {  	[smem:$0x3F0F] =	sst s6  }
0xf: {  	[smem:$0x3F10] =	sst s7  }
0x10: {  	[smem:$0x3F11] =	sst s8  }
0x11: {  	[smem:$0x3F12] =	sst s9;
	s0 =	simm.s32 @!p0 $0x0  }
0x12: {  	s1 =	sld [smem:$0x3EF8];
	s0 =	simm.s32 @p0 $0x1  }
0x13: {  	[smem:$0x3F13] =	sst s0;
	s0 =	simm.s32 @!p1 $0x0  }
0x14: {  	s2 =	sld [smem:$0x3EF7];
	s0 =	simm.s32 @p1 $0x1  }
0x15: {  	[smem:$0x3F14] =	sst s0;
	s0 =	simm.s32 @!p2 $0x0  }
0x16: {  	s3 =	sld [smem:$0x3FDB];
	s0 =	simm.s32 @p2 $0x1  }
0x17: {  	s4 =	simm.s32 $0x1BF5;
	[smem:$0x3F16] =	sst s0  }
0x18: {  	s0 =	sld [smem:$0x3EF9];
	_ =	swait.ge [sflag:s4], $0x0  }
0x19: {  	s7 =	sld [smem:$0x3EFA]  }
0x1a: {  	s8 =	sadd.s32 $0xFFFFE003, lr  }
0x1b: {  	s9 =	sadd.s32 $0xFFFFFEF7, lr;
	s5 =	simm.s32 $0xFFFFFFFF;
	p2 =	slt.u32 s8, $0xFFFFF086  }
0x1c: {  	p1 =	slt.u32 s9, $0xF7A;
	s5 =	simm.s32 @!p2 $0x0  }
0x1d: {  	s5 =	simm.s32 @p1 $0x1;
	p0 =	seq.s32 s7, s2  }
0x1e: {  	s7 =	smul.u32 @!p0 $0xF7A, s2;
	p2 =	seq.s32 @!p0 s5, $0x0  }
0x1f: {  	s9 =	smul.u32 $0xF7A, s1;
	s8 =	simm.s32 @!p0 $0x1BF5;
	p2 =	por !p2, p0  }
0x20: {  	[sflag:s8] =	ssyncset.s32 @!p0 $0xFFFFF086;
	s6 =	sadd.s32 @!p0 s3, s7;
	s7 =	simm.s32 @!p0 $0x108  }
0x21: {  	s3 =	sadd.s32 s3, s9;
	s6 =	sadd.s32 @!p0 $0x88, s6;
	s7 =	simm.s32 @p2 $0x1082  }
0x22: {  	[simem:s7], [sflag:s8] =	dma.local @!p0 [hbm:s6], $0xF7A  }
0x23: {  	s9 =	sor.u32 $0xD0000000, s2;
	s6 =	simm.s32 $0x108;
	_ =	swait.ge @!p0 [sflag:s8], $0x0  }
0x24: {  	s3 =	sadd.s32 $0x88, s3;
	s6 =	simm.s32 @!p1 $0x1082;
	[sflag:s4] =	ssyncset.s32 $0xFFFFF086  }
0x25: {  	[simem:s6], [sflag:s4] =	dma.local [hbm:s3], $0xF7A  }
0x26: {  	[smem:$0x3EFA] =	sst s1;
	(tag) =	ssettag s2;
	_ =	strace s9  }
0x27: {  	s1 =	sld [smem:$0x3F0A]  }
0x28: {  	s2 =	sld [smem:$0x3F0B]  }
0x29: {  	s4 =	sld [smem:$0x3F0D]  }
0x2a: {  	p0 =	seq.s32 s5, $0x0;
	s5 =	sld [smem:$0x3F0E]  }
0x2b: {  	s6 =	sld [smem:$0x3F0F]  }
0x2c: {  	s7 =	sld [smem:$0x3F10]  }
0x2d: {  	s3 =	simm.s32 $0x108;
	s8 =	sld [smem:$0x3F11]  }
0x2e: {  	s3 =	simm.s32 @!p0 $0x1082;
	s9 =	sld [smem:$0x3F12]  }
0x2f: {  	lr =	sadd.s32 s0, s3;
	s0 =	sld [smem:$0x3F09]  }
0x30: {  	s3 =	sld [smem:$0x3F0C]  }
0x31: {  	[smem:$0x3F15] =	sst s10  }
0x32: {  	s10 =	sld [smem:$0x3F13];
	_ =	sdelay $0x3  }
0x33: {  	p0 =	seq.s32 s10, $0x1;
	s10 =	sld [smem:$0x3F15];
	_ =	sdelay $0x3  }
0x34: {  	[smem:$0x3F15] =	sst s10  }
0x35: {  	s10 =	sld [smem:$0x3F14];
	_ =	sdelay $0x3  }
0x36: {  	p1 =	seq.s32 s10, $0x1;
	s10 =	sld [smem:$0x3F15];
	_ =	sdelay $0x3  }
0x37: {  	[smem:$0x3F15] =	sst s10  }
0x38: {  	s10 =	sld [smem:$0x3F16]  }
0x39: {  	_ = 	snop;
	(pc) =	sbr.ind lr, $3  }
0x3a: {  	_ = 	snop  }
0x3b: {  	_ = 	snop  }
0x3c: {  	p2 =	seq.s32 s10, $0x1;
	s10 =	sld [smem:$0x3F15]  }
0x3d: {  	_ =	shalt  }
0x3e: {  	_ =	shalt  }
0x3f: {  	_ =	shalt  }
0x40: {  	_ =	shalt  }
0x41: {  	_ =	shalt  }
0x42: {  	_ =	shalt  }
0x43: {  	_ =	shalt  }
0x44: {  	_ =	shalt  }
0x45: {  	_ =	shalt  }
0x46: {  	_ =	shalt  }
0x47: {  	_ =	shalt  }
0x48: {  	_ =	shalt  }
0x49: {  	_ =	shalt  }
0x4a: {  	_ =	shalt  }
0x4b: {  	_ =	shalt  }
0x4c: {  	_ =	shalt  }
0x4d: {  	_ =	shalt  }
0x4e: {  	_ =	shalt  }
0x4f: {  	_ =	shalt  }
0x50: {  	_ =	shalt  }
0x51: {  	_ =	shalt  }
0x52: {  	_ =	shalt  }
0x53: {  	_ =	shalt  }
0x54: {  	_ =	shalt  }
0x55: {  	_ =	shalt  }
0x56: {  	_ =	shalt  }
0x57: {  	_ =	shalt  }
0x58: {  	_ =	shalt  }
0x59: {  	_ =	shalt  }
0x5a: {  	_ =	shalt  }
0x5b: {  	_ =	shalt  }
0x5c: {  	_ =	shalt  }
0x5d: {  	_ =	shalt  }
0x5e: {  	_ =	shalt  }
0x5f: {  	_ =	shalt  }
0x60: {  	_ =	shalt  }
0x61: {  	_ =	shalt  }
0x62: {  	_ =	shalt  }
0x63: {  	_ =	shalt  }
0x64: {  	_ =	shalt  }
0x65: {  	_ =	shalt  }
0x66: {  	_ =	shalt  }
0x67: {  	_ =	shalt  }
0x68: {  	_ =	shalt  }
0x69: {  	_ =	shalt  }
0x6a: {  	_ =	shalt  }
0x6b: {  	_ =	shalt  }
0x6c: {  	_ =	shalt  }
0x6d: {  	_ =	shalt  }
0x6e: {  	_ =	shalt  }
0x6f: {  	_ =	shalt  }
0x70: {  	_ =	shalt  }
0x71: {  	_ =	shalt  }
0x72: {  	_ =	shalt  }
0x73: {  	_ =	shalt  }
0x74: {  	_ =	shalt  }
0x75: {  	_ =	shalt  }
0x76: {  	_ =	shalt  }
0x77: {  	_ =	shalt  }
0x78: {  	_ =	shalt  }
0x79: {  	_ =	shalt  }
0x7a: {  	_ =	shalt  }
0x7b: {  	_ =	shalt  }
0x7c: {  	_ =	shalt  }
0x7d: {  	_ =	shalt  }
0x7e: {  	_ =	shalt  }
0x7f: {  	_ =	shalt  }
0x80: {  	_ =	shalt  }
0x81: {  	_ =	shalt  }
0x82: {  	_ =	shalt  }
0x83: {  	_ =	shalt  }
0x84: {  	_ =	shalt  }
0x85: {  	_ =	shalt  }
0x86: {  	_ =	shalt  }
0x87: {  	_ =	shalt  }
.Lfunc_end0:
.L_simem_size_0:
called_computation_lowered:
.L_overlay_start_0:
0x88: {  	s2 =	sld [smem:$0x3FD9]  }
0x89: {  	s3 =	sld [smem:$0x3FFE];
	_ =	sdelay $0x1  }
0x8a: {  	s1 =	srdreg.scid  }
0x8b: {  	s0 =	sand.u32 $0x1, s1  }
0x8c: {  	s17 =	sshll.u32 s0, $0xA;
	s2 =	sadd.s32 s3, s2  }
0x8d: {  	s2 =	sadd.s32 s2, s17  }
0x8e: {  	[smem:$0x3F21] =	sst s2  }
0x8f: {  	_ = 	snop  }
0x90: {  	s2 =	sld [smem:$0x3FD0];
	(tm) =	ssettm $0x1  }
0x91: {  	s18 =	sld [smem:$0x3FFB];
	_ =	sdelay $0x3  }
0x92: {  	_ =	strace s18  }
0x93: {  	s3 =	sld [smem:$0x3FFC];
	_ =	sdelay $0x3  }
0x94: {  	_ =	strace s3  }
0x95: {  	s3 =	sld [smem:$0x3FFD];
	_ =	sdelay $0x3  }
0x96: {  	_ =	strace s3  }
0x97: {  	_ =	strace $0x8FFFFFFF  }
0x98: {  	s19 =	sld [smem:$0x3FDB];
	_ =	sdelay $0x1  }
0x99: {  	s4 =	simm.s32 $_scs_section_size  }
0x9a: {  	s5 =	simm.s32 $_size__tile_overlayer_lowered;
	s6 =	simm.s32 $_tile_overlayer_lowered  }
0x9b: {  	s22 =	simm.s32 $0x1BFF;
	s21 =	sshll.u32 s6, $0x1;
	s3 =	sadd.s32 s4, s19  }
0x9c: {  	s7 =	simm.s32 $0x0;
	s20 =	sshll.u32 s5, $0x1;
	s5 =	sadd.s32 s21, s3  }
0x9d: {  	[timem:s7], [sflag:s22] =	dma.local [hbm:s5], s20  }
0x9e: {  	_ =	swait.ge [sflag:s22], s20  }
0x9f: {  	s4 =	ssub.s32 $0x0, s20;
	[sflag:s22] =	ssyncset.done $0x0  }
0xa0: {  	[sflag:s22] =	ssyncadd.s32 s4;
	_ =	sdelay $0x1  }
0xa1: {  	s23 =	simm.s32 $0x1B8B  }
0xa2: {  	_ =	swait.ge [sflag:s23], $0x1  }
0xa3: {  	[sflag:s23] =	ssyncset.done $0x0  }
0xa4: {  	s25 =	simm.s32 $0x1B8E;
	s24 =	sld [smem:$0x3FFE];
	[sflag:s23] =	ssyncadd.s32 $0xFFFFFFFF  }
0xa5: {  	s26 =	simm.s32 $execute0_lowered;
	[smem:$0x3FD2] =	sst s25  }
0xa6: {  	s5 =	sshll.u32 s26, $0x1;
	_ =	strace $0x80000046;
	[dreg:$0x1] =	wrdreg $0xFFFFFFFF  }
0xa7: {  	s28 =	simm.s32 $_size_execute0_lowered;
	s3 =	sadd.s32 s3, s5;
	[dreg:$0x0] =	wrdreg $0x0  }
0xa8: {  	s5 =	sshll.u32 s28, $0x1;
	[dreg:$0x2] =	wrdreg s3  }
0xa9: {  	[dreg:$0x3] =	wrdreg s5  }
0xaa: {  	[dreg:$0x4] =	wrdreg $0xC0  }
0xab: {  	_ =	task [dreg:s7], $0x5FFFF  }
0xac: {  	[dreg:$0x1] =	wrdreg $0xFFFFFFFF  }
0xad: {  	[dreg:$0x0] =	wrdreg $0x60  }
0xae: {  	[dreg:$0x2] =	wrdreg s24  }
0xaf: {  	[dreg:$0x3] =	wrdreg s2  }
0xb0: {  	[dreg:$0x4] =	wrdreg $0x9  }
0xb1: {  	_ =	task.clear_ibuf [dreg:s7], $0x5FFFF;
	_ =	strace $0x90000046  }
0xb2: {  	s29 =	simm.s32 $0x9;
	_ =	strace $0x80000048  }
0xb3: {  	_ =	swait.ge [sflag:s29], $0x1  }
0xb4: {  	[sflag:s29] =	ssyncadd.s32 $0xFFFFFFFF  }
0xb5: {  	_ =	strace $0x90000048  }
0xb6: {  	_ =	sfence  }
0xb7: {  	s30 =	sld [smem:$0x0];
	_ =	sdelay $0x2  }
0xb8: {  	s31 =	sshll.u32 s1, $0xD;
	s1 =	sshrl.u32 s1, $0x2  }
0xb9: {  	s3 =	sand.u32 $0x4000, s31;
	s1 =	sadd.s32 s1, s30  }
0xba: {  	s0 =	sor.u32 s3, s0;
	s1 =	sshll.u32 s1, $0x11  }
0xbb: {  	s0 =	sor.u32 s1, s0  }
0xbc: {  	s0 =	sadd.s32 $0x8F2B, s0  }
0xbd: {  	[sflag:s0] =	ssyncadd.remote.s32 $0x1  }
0xbe: {  	_ =	sfence.sel $0xFFFF  }
0xbf: {  	[dreg:$0x0] =	wrdreg $0xFFFFFFFF;
	(pc) =	sbr.abs _section_cstart, $3  }
0xc0: {  	[dreg:$0x1] =	wrdreg $0xFFFFFFFF  }
0xc1: {  	_ =	task.clear_ibuf [dreg:s7], $0x2FFFF;
	_ =	strace $0x9FFFFFFF  }
0xc2: {  	(tm) =	ssettm $0x7FFFFFFF  }
0xc3: {  	_ =	shalt  }
tec
execute0_lowered:
.L_overlay_start_1:
0x0: {  	(tag) =	ssettag $0x1  }
0x1: {  	s1 =	srdreg.scid;
	s0 =	stileid.u32  }
0x2: {  	s28 =	sand.u32 $0x1, s1;
	s24 =	sshll.u32 s0, $0x1  }
0x3: {  	s19 =	sor.u32 s28, s24  }
0x4: {  	s21 =	rddreg [dreg:$0x0];
	s24 =	smul.u32 $0x500, s19  }
0x5: {  	s22 =	rddreg [dreg:$0x1];
	s2 =	simm.s32 $0x0  }
0x6: {  	[smem:$0x7FF] =	sst s2;
	s3 =	sshrl.u32 s24, $0x3  }
0x7: {  	_ =	strace $0x80000047;
	s4 =	sadd.s32 s22, s3;
	s3 =	simm.s32 $0x4  }
0x8: {  	[tilespmem:s2], [sflag:$0x4] =	stream.linear.gather [hbm4b:s4+s2], $0x280, $0x38;
	[tilespmem:$0x17F80] =	vst v63  }
0x9: {  	s25 =	smul.u32 $0xD00, s19;
	_ =	swait.ge [sflag:s3], $0x280  }
0xa: {  	s6 =	simm.s32 $0x280;
	s5 =	sadd.s32 $0x191C00, s21;
	[sflag:s3] =	ssyncset.done $0x0  }
0xb: {  	s23 =	sadd.s32 $0xE600, s21;
	s12 =	sshrl.u32 s25, $0x3;
	[sflag:s3] =	ssyncadd.s32 $0xFFFFFD80  }
0xc: {  	[tilespmem:s6], [sflag:$0x1] =	stream.indirect.gather [hbm4b:s5+s6], $0x40, s2, s6, $0xb8;
	[tilespmem:$0x17F80] =	vst v63  }
0xd: {  	s8 =	simm.s32 $0xA280;
	s7 =	sadd.s32 s23, s12  }
0xe: {  	[tilespmem:s8], [sflag:$0x4] =	stream.linear.gather [hbm4b:s7+s2], $0x680, $0x38;
	[tilespmem:$0x17F80] =	vst v63  }
0xf: {  	_ =	swait.ge [sflag:s3], $0x680  }
0x10: {  	s10 =	simm.s32 $0x680;
	s11 =	simm.s32 $0xA900;
	[sflag:s3] =	ssyncset.done $0x0  }
0x11: {  	s9 =	sadd.s32 $0x286000, s21;
	s26 =	sadd.s32 $0xB200, s21;
	[sflag:s3] =	ssyncadd.s32 $0xFFFFF980  }
0x12: {  	[tilespmem:s11], [sflag:$0x2] =	stream.indirect.gather [hbm4b:s9+s10], $0x10, s8, s10, $0xb8;
	[tilespmem:$0x17F80] =	vst v63  }
0x13: {  	s13 =	simm.s32 $0x11100;
	s12 =	sadd.s32 s26, s12  }
0x14: {  	[tilespmem:s13], [sflag:$0x4] =	stream.linear.gather [hbm4b:s12+s2], $0x680, $0x38;
	[tilespmem:$0x17F80] =	vst v63  }
0x15: {  	_ =	swait.ge [sflag:s3], $0x680  }
0x16: {  	s15 =	simm.s32 $0x11780;
	[sflag:s3] =	ssyncset.done $0x0  }
0x17: {  	s16 =	simm.s32 $0x1;
	s14 =	sadd.s32 $0x255200, s21;
	[sflag:s3] =	ssyncadd.s32 $0xFFFFF980  }
0x18: {  	[tilespmem:s15], [sflag:$0x3] =	stream.indirect.gather [hbm4b:s14+s10], $0x10, s13, s10, $0xb8;
	[tilespmem:$0x17F80] =	vst v63  }
0x19: {  	s17 =	smul.u32 $0x2800, s19;
	_ =	swait.ge [sflag:s16], $0xA000  }
0x1a: {  	s29 =	sadd.s32 $0x11A00, s21;
	[sflag:s16] =	ssyncset.done $0x0  }
0x1b: {  	s17 =	sadd.s32 s29, s17;
	[sflag:s16] =	ssyncadd.s32 $0xFFFF6000  }
0x1c: {  	[hbm4b:s17+s2] =	stream.linear.scatter [tilespmem:s6], [sflag:$0x4], $0xA000, $0x38;
	[tilespmem:$0x17F80] =	vst v63  }
0x1d: {  	_ =	swait.ge [sflag:s3], $0xA000  }
0x1e: {  	[sflag:s3] =	ssyncset.done $0x0  }
0x1f: {  	s18 =	simm.s32 $0x2;
	[sflag:s3] =	ssyncadd.s32 $0xFFFF6000  }
0x20: {  	s30 =	smul.u32 $0x1A00, s19;
	_ =	swait.ge [sflag:s18], $0x6800  }
0x21: {  	s31 =	sadd.s32 $0x61A00, s21;
	[sflag:s18] =	ssyncset.done $0x0  }
0x22: {  	s19 =	sadd.s32 s31, s30;
	[sflag:s18] =	ssyncadd.s32 $0xFFFF9800  }
0x23: {  	[hbm4b:s19+s2] =	stream.linear.scatter [tilespmem:s11], [sflag:$0x4], $0x6800, $0x38;
	[tilespmem:$0x17F80] =	vst v63  }
0x24: {  	_ =	swait.ge [sflag:s3], $0x6800  }
0x25: {  	[sflag:s3] =	ssyncset.done $0x0  }
0x26: {  	s20 =	simm.s32 $0x3;
	[sflag:s3] =	ssyncadd.s32 $0xFFFF9800  }
0x27: {  	_ =	swait.ge [sflag:s20], $0x6800  }
0x28: {  	s1 =	sadd.s32 $0x95A00, s21;
	[sflag:s20] =	ssyncset.done $0x0  }
0x29: {  	s21 =	sadd.s32 s1, s30;
	[sflag:s20] =	ssyncadd.s32 $0xFFFF9800  }
0x2a: {  	[hbm4b:s21+s2] =	stream.linear.scatter [tilespmem:s15], [sflag:$0x4], $0x6800, $0x38;
	[tilespmem:$0x17F80] =	vst v63  }
0x2b: {  	s30 =	sadd.s32 $0x280, s24;
	_ =	swait.ge [sflag:s3], $0x6800  }
0x2c: {  	s24 =	sshrl.u32 s30, $0x3;
	[sflag:s3] =	ssyncset.done $0x0  }
0x2d: {  	s22 =	sadd.s32 s22, s24;
	[sflag:s3] =	ssyncadd.s32 $0xFFFF9800  }
0x2e: {  	[tilespmem:s2], [sflag:$0x4] =	stream.linear.gather [hbm4b:s22+s2], $0x280, $0x38;
	[tilespmem:$0x17F80] =	vst v63  }
0x2f: {  	_ =	swait.ge [sflag:s3], $0x280  }
0x30: {  	s0 =	sadd.s32 $0x680, s25;
	[sflag:s3] =	ssyncset.done $0x0  }
0x31: {  	s25 =	sshrl.u32 s0, $0x3;
	[sflag:s3] =	ssyncadd.s32 $0xFFFFFD80  }
0x32: {  	[tilespmem:s6], [sflag:$0x1] =	stream.indirect.gather [hbm4b:s5+s6], $0x40, s2, s6, $0xb8;
	[tilespmem:$0x17F80] =	vst v63  }
0x33: {  	s23 =	sadd.s32 s23, s25  }
0x34: {  	[tilespmem:s8], [sflag:$0x4] =	stream.linear.gather [hbm4b:s23+s2], $0x680, $0x38;
	[tilespmem:$0x17F80] =	vst v63  }
0x35: {  	_ =	swait.ge [sflag:s3], $0x680  }
0x36: {  	[sflag:s3] =	ssyncset.done $0x0  }
0x37: {  	[sflag:s3] =	ssyncadd.s32 $0xFFFFF980  }
0x38: {  	[tilespmem:s11], [sflag:$0x2] =	stream.indirect.gather [hbm4b:s9+s10], $0x10, s8, s10, $0xb8;
	[tilespmem:$0x17F80] =	vst v63  }
0x39: {  	s24 =	sadd.s32 s26, s25  }
0x3a: {  	[tilespmem:s13], [sflag:$0x4] =	stream.linear.gather [hbm4b:s24+s2], $0x680, $0x38;
	[tilespmem:$0x17F80] =	vst v63  }
0x3b: {  	_ =	swait.ge [sflag:s3], $0x680  }
0x3c: {  	[sflag:s3] =	ssyncset.done $0x0  }
0x3d: {  	[sflag:s3] =	ssyncadd.s32 $0xFFFFF980  }
0x3e: {  	[tilespmem:s15], [sflag:$0x3] =	stream.indirect.gather [hbm4b:s14+s10], $0x10, s13, s10, $0xb8;
	[tilespmem:$0x17F80] =	vst v63  }
0x3f: {  	_ =	swait.ge [sflag:s16], $0xA000  }
0x40: {  	s30 =	sshll.u32 s30, $0x3;
	[sflag:s16] =	ssyncset.done $0x0  }
0x41: {  	s25 =	sadd.s32 s29, s30;
	[sflag:s16] =	ssyncadd.s32 $0xFFFF6000  }
0x42: {  	[hbm4b:s25+s2] =	stream.linear.scatter [tilespmem:s6], [sflag:$0x4], $0xA000, $0x38;
	[tilespmem:$0x17F80] =	vst v63  }
0x43: {  	_ =	swait.ge [sflag:s3], $0xA000  }
0x44: {  	[sflag:s3] =	ssyncset.done $0x0  }
0x45: {  	[sflag:s3] =	ssyncadd.s32 $0xFFFF6000  }
0x46: {  	_ =	swait.ge [sflag:s18], $0x6800  }
0x47: {  	s0 =	sshll.u32 s0, $0x1;
	[sflag:s18] =	ssyncset.done $0x0  }
0x48: {  	s28 =	ssub.s32 $0x2, s28;
	s26 =	sadd.s32 s31, s0;
	[sflag:s18] =	ssyncadd.s32 $0xFFFF9800  }
0x49: {  	[hbm4b:s26+s2] =	stream.linear.scatter [tilespmem:s11], [sflag:$0x4], $0x6800, $0x38;
	[tilespmem:$0x17F80] =	vst v63  }
0x4a: {  	s29 =	sshrl.u32 s28, $0x1;
	_ =	swait.ge [sflag:s3], $0x6800  }
0x4b: {  	s29 =	ssub.s32 s28, s29;
	[sflag:s3] =	ssyncset.done $0x0  }
0x4c: {  	s31 =	smax.u32 s29, $0x1;
	[sflag:s3] =	ssyncadd.s32 $0xFFFF9800  }
0x4d: {  	p0 =	sne.s32 s31, $0x1;
	_ =	swait.ge [sflag:s20], $0x6800  }
.Ltmp0:
0x4e: {  	[sflag:s20] =	ssyncset.done $0x0;
	(pc) =	sbr.rel @!p0 .LBB2_2-.Ltmp0, $4  }
0x4f: {  	s28 =	sadd.s32 s1, s0;
	[sflag:s20] =	ssyncadd.s32 $0xFFFF9800  }
0x50: {  	[hbm4b:s28+s2] =	stream.linear.scatter [tilespmem:s15], [sflag:$0x4], $0x6800, $0x38;
	[tilespmem:$0x17F80] =	vst v63  }
0x51: {  	_ =	swait.ge [sflag:s3], $0x6800  }
0x52: {  	s29 =	sadd.s32 $0xFFFFFFFF, s31;
	[sflag:s3] =	ssyncset.done $0x0  }
.LBB2_1:
0x53: {  	p0 =	sne.s32 s29, $0x1;
	s29 =	sadd.s32 $0xFFFFFFFF, s29;
	[sflag:s3] =	ssyncadd.s32 $0xFFFF9800  }
0x54: {  	[tilespmem:s2], [sflag:$0x4] =	stream.linear.gather [hbm4b:s4+s2], $0x280, $0x38;
	[tilespmem:$0x17F80] =	vst v63  }
0x55: {  	_ =	swait.ge [sflag:s3], $0x280  }
0x56: {  	[sflag:s3] =	ssyncset.done $0x0  }
0x57: {  	[sflag:s3] =	ssyncadd.s32 $0xFFFFFD80  }
0x58: {  	[tilespmem:s6], [sflag:$0x1] =	stream.indirect.gather [hbm4b:s5+s6], $0x40, s2, s6, $0xb8;
	[tilespmem:$0x17F80] =	vst v63  }
0x59: {  	_ = 	snop  }
0x5a: {  	[tilespmem:s8], [sflag:$0x4] =	stream.linear.gather [hbm4b:s7+s2], $0x680, $0x38;
	[tilespmem:$0x17F80] =	vst v63  }
0x5b: {  	_ =	swait.ge [sflag:s3], $0x680  }
0x5c: {  	[sflag:s3] =	ssyncset.done $0x0  }
0x5d: {  	[sflag:s3] =	ssyncadd.s32 $0xFFFFF980  }
0x5e: {  	[tilespmem:s11], [sflag:$0x2] =	stream.indirect.gather [hbm4b:s9+s10], $0x10, s8, s10, $0xb8;
	[tilespmem:$0x17F80] =	vst v63  }
0x5f: {  	_ = 	snop  }
0x60: {  	[tilespmem:s13], [sflag:$0x4] =	stream.linear.gather [hbm4b:s12+s2], $0x680, $0x38;
	[tilespmem:$0x17F80] =	vst v63  }
0x61: {  	_ =	swait.ge [sflag:s3], $0x680  }
0x62: {  	[sflag:s3] =	ssyncset.done $0x0  }
0x63: {  	[sflag:s3] =	ssyncadd.s32 $0xFFFFF980  }
0x64: {  	[tilespmem:s15], [sflag:$0x3] =	stream.indirect.gather [hbm4b:s14+s10], $0x10, s13, s10, $0xb8;
	[tilespmem:$0x17F80] =	vst v63  }
0x65: {  	_ =	swait.ge [sflag:s16], $0xA000  }
0x66: {  	[sflag:s16] =	ssyncset.done $0x0  }
0x67: {  	[sflag:s16] =	ssyncadd.s32 $0xFFFF6000  }
0x68: {  	[hbm4b:s17+s2] =	stream.linear.scatter [tilespmem:s6], [sflag:$0x4], $0xA000, $0x38;
	[tilespmem:$0x17F80] =	vst v63  }
0x69: {  	_ =	swait.ge [sflag:s3], $0xA000  }
0x6a: {  	[sflag:s3] =	ssyncset.done $0x0  }
0x6b: {  	[sflag:s3] =	ssyncadd.s32 $0xFFFF6000  }
0x6c: {  	_ =	swait.ge [sflag:s18], $0x6800  }
0x6d: {  	[sflag:s18] =	ssyncset.done $0x0  }
0x6e: {  	[sflag:s18] =	ssyncadd.s32 $0xFFFF9800  }
0x6f: {  	[hbm4b:s19+s2] =	stream.linear.scatter [tilespmem:s11], [sflag:$0x4], $0x6800, $0x38;
	[tilespmem:$0x17F80] =	vst v63  }
0x70: {  	_ =	swait.ge [sflag:s3], $0x6800  }
0x71: {  	[sflag:s3] =	ssyncset.done $0x0  }
0x72: {  	[sflag:s3] =	ssyncadd.s32 $0xFFFF9800  }
0x73: {  	_ =	swait.ge [sflag:s20], $0x6800  }
0x74: {  	[sflag:s20] =	ssyncset.done $0x0  }
0x75: {  	[sflag:s20] =	ssyncadd.s32 $0xFFFF9800  }
0x76: {  	[hbm4b:s21+s2] =	stream.linear.scatter [tilespmem:s15], [sflag:$0x4], $0x6800, $0x38;
	[tilespmem:$0x17F80] =	vst v63  }
0x77: {  	_ =	swait.ge [sflag:s3], $0x6800  }
0x78: {  	[sflag:s3] =	ssyncset.done $0x0  }
0x79: {  	[sflag:s3] =	ssyncadd.s32 $0xFFFF9800  }
0x7a: {  	[tilespmem:s2], [sflag:$0x4] =	stream.linear.gather [hbm4b:s22+s2], $0x280, $0x38;
	[tilespmem:$0x17F80] =	vst v63  }
0x7b: {  	_ =	swait.ge [sflag:s3], $0x280  }
0x7c: {  	[sflag:s3] =	ssyncset.done $0x0  }
0x7d: {  	[sflag:s3] =	ssyncadd.s32 $0xFFFFFD80  }
0x7e: {  	[tilespmem:s6], [sflag:$0x1] =	stream.indirect.gather [hbm4b:s5+s6], $0x40, s2, s6, $0xb8;
	[tilespmem:$0x17F80] =	vst v63  }
0x7f: {  	_ = 	snop  }
0x80: {  	[tilespmem:s8], [sflag:$0x4] =	stream.linear.gather [hbm4b:s23+s2], $0x680, $0x38;
	[tilespmem:$0x17F80] =	vst v63  }
0x81: {  	_ =	swait.ge [sflag:s3], $0x680  }
0x82: {  	[sflag:s3] =	ssyncset.done $0x0  }
0x83: {  	[sflag:s3] =	ssyncadd.s32 $0xFFFFF980  }
0x84: {  	[tilespmem:s11], [sflag:$0x2] =	stream.indirect.gather [hbm4b:s9+s10], $0x10, s8, s10, $0xb8;
	[tilespmem:$0x17F80] =	vst v63  }
0x85: {  	_ = 	snop  }
0x86: {  	[tilespmem:s13], [sflag:$0x4] =	stream.linear.gather [hbm4b:s24+s2], $0x680, $0x38;
	[tilespmem:$0x17F80] =	vst v63  }
0x87: {  	_ =	swait.ge [sflag:s3], $0x680  }
0x88: {  	[sflag:s3] =	ssyncset.done $0x0  }
0x89: {  	[sflag:s3] =	ssyncadd.s32 $0xFFFFF980  }
0x8a: {  	[tilespmem:s15], [sflag:$0x3] =	stream.indirect.gather [hbm4b:s14+s10], $0x10, s13, s10, $0xb8;
	[tilespmem:$0x17F80] =	vst v63  }
0x8b: {  	_ =	swait.ge [sflag:s16], $0xA000  }
0x8c: {  	[sflag:s16] =	ssyncset.done $0x0  }
0x8d: {  	[sflag:s16] =	ssyncadd.s32 $0xFFFF6000  }
0x8e: {  	[hbm4b:s25+s2] =	stream.linear.scatter [tilespmem:s6], [sflag:$0x4], $0xA000, $0x38;
	[tilespmem:$0x17F80] =	vst v63  }
0x8f: {  	_ =	swait.ge [sflag:s3], $0xA000  }
0x90: {  	[sflag:s3] =	ssyncset.done $0x0  }
0x91: {  	[sflag:s3] =	ssyncadd.s32 $0xFFFF6000  }
0x92: {  	_ =	swait.ge [sflag:s18], $0x6800  }
0x93: {  	[sflag:s18] =	ssyncset.done $0x0  }
0x94: {  	[sflag:s18] =	ssyncadd.s32 $0xFFFF9800  }
0x95: {  	[hbm4b:s26+s2] =	stream.linear.scatter [tilespmem:s11], [sflag:$0x4], $0x6800, $0x38;
	[tilespmem:$0x17F80] =	vst v63  }
0x96: {  	_ =	swait.ge [sflag:s3], $0x6800  }
0x97: {  	[sflag:s3] =	ssyncset.done $0x0  }
0x98: {  	[sflag:s3] =	ssyncadd.s32 $0xFFFF9800  }
0x99: {  	_ =	swait.ge [sflag:s20], $0x6800  }
.Ltmp1:
0x9a: {  	[sflag:s20] =	ssyncset.done $0x0;
	(pc) =	sbr.rel @p0 .LBB2_1-.Ltmp1, $4  }
0x9b: {  	[sflag:s20] =	ssyncadd.s32 $0xFFFF9800  }
0x9c: {  	[hbm4b:s28+s2] =	stream.linear.scatter [tilespmem:s15], [sflag:$0x4], $0x6800, $0x38;
	[tilespmem:$0x17F80] =	vst v63  }
0x9d: {  	_ =	swait.ge [sflag:s3], $0x6800  }
0x9e: {  	[sflag:s3] =	ssyncset.done $0x0  }
.LBB2_2:
0x9f: {  	[sflag:s3] =	ssyncadd.s32 $0xFFFF9800  }
0xa0: {  	_ =	sfence.sel $0x180000  }
0xa1: {  	[bflag:$0x0] =	sbarrier.arrive $0xFFFF  }
0xa2: {  	_ =	strace $0x90000047  }
0xa3: {  	s0 =	stileid.u32;
	[bflag:$0x2] =	sbarrier.arrive $0xFFFF  }
0xa4: {  	p0 =	sne.s32 s0, $0x0;
	s0 =	rddreg [dreg:$0x2]  }
0xa5: {  	s0 =	sadd.s32 @!p0 $0x100000, s0  }
0xa6: {  	[sflag:s0] =	ssyncadd.tile.s32 @!p0 $0x1;
	_ =	shalt  }
.Lfunc_end2:
_tile_overlayer_lowered:
.L_overlay_start_2:
0xa7: {  	(tag) =	ssettag $0x2  }
0xa8: {  	s0 =	rddreg [dreg:$0x0];
	s2 =	stileid.u32  }
0xa9: {  	s1 =	rddreg [dreg:$0x1];
	p0 =	sne.s32 s2, $0x0  }
0xaa: {  	s3 =	rddreg [dreg:$0x2];
	[bflag:$0x3] =	sbarrier.arrive $0xFFFF;
	s2 =	simm.s32 @!p0 $0x1C04  }
0xab: {  	[timem:s3], [sflag:s2] =	dma.local @!p0 [hbm:s0], s1  }
0xac: {  	s0 =	simm.s32 @!p0 $0x4  }
0xad: {  	_ =	swait.ge @!p0 [sflag:s0], s1  }
0xae: {  	s1 =	ssub.s32 @!p0 $0x0, s1;
	[sflag:s0] =	ssyncset.done @!p0 $0x0  }
0xaf: {  	[sflag:s0] =	ssyncadd.s32 @!p0 s1  }
0xb0: {  	[bflag:$0x3] =	sbarrier.arrive $0xFFFF  }
0xb1: {  	_ =	shalt  }

</sc_bundles>
